<compile_context>
chip_gen: v7x
topology: tpu7x:2x2x1
jax: 0.10.2.dev20260603
libtpu: 0.0.44.dev20260713+nightly
codegen_flags: <defaults>
</compile_context>

<pallas_src>
import functools
import math

import jax
import jax.numpy as jnp
from jax import lax
from jax.experimental import pallas as pl
from jax.experimental.pallas import tpu as pltpu
from jax.experimental.pallas import tpu_sc as plsc

_BATCH = 1024
_VOCAB = 65536
_CODE_LEN = 16
_LANES = 16
_NUM_CORES = 2
_NUM_SUBCORES = 16
_NUM_WORKERS = _NUM_CORES * _NUM_SUBCORES

_SC_ROWS = 512
_TC_ROWS = _BATCH - _SC_ROWS
_ROWS_PER_W = _SC_ROWS // _NUM_WORKERS

_BLOCKS = sorted(
    {((1 << k) - 1) >> 7 for k in range(_CODE_LEN)}
    | {((1 << k) - 1 + k) >> 7 for k in range(_CODE_LEN)}
)
_SLOT = {blk: i for i, blk in enumerate(_BLOCKS)}
_NUM_BLOCKS = len(_BLOCKS)

_LN2 = math.log(2.0)


def _neg_log(p):
    p = jnp.maximum(p, jnp.float32(2.0**-126))
    bits = plsc.bitcast(p, jnp.int32)
    e = ((bits >> 23) & 255) - 127
    m = plsc.bitcast((bits & 0x007FFFFF) | 0x3F800000, jnp.float32)
    t = (m - 1.0) / (m + 1.0)
    t2 = t * t
    c1 = jnp.float32(2.0 / _LN2)
    c3 = jnp.float32(2.0 / (3.0 * _LN2))
    c5 = jnp.float32(2.0 / (5.0 * _LN2))
    c7 = jnp.float32(2.0 / (7.0 * _LN2))
    log2m = t * (c1 + t2 * (c3 + t2 * (c5 + t2 * c7)))
    return -jnp.float32(_LN2) * (e.astype(jnp.float32) + log2m)


def _sc_body(scores_hbm, cls_hbm, part_hbm, cls_v, vals_v, out_v, sem):
    cid = lax.axis_index("c")
    sid = lax.axis_index("s")
    wid = sid * _NUM_CORES + cid
    base = wid * _ROWS_PER_W

    rows = lax.iota(jnp.int32, _LANES)

    copies = []
    for slot, blk in enumerate(_BLOCKS):
        cp = pltpu.make_async_copy(
            scores_hbm.at[pl.ds(base, _ROWS_PER_W), pl.ds(blk * 128, 128)],
            vals_v.at[slot],
            sem,
        )
        cp.start()
        copies.append(cp)
    pltpu.sync_copy(cls_hbm.at[pl.ds(base, _ROWS_PER_W)], cls_v)
    for cp in copies:
        cp.wait()

    one = jnp.float32(1.0)
    c = cls_v[...]
    num_acc = jnp.ones((_LANES,), jnp.float32)
    den_acc = jnp.ones((_LANES,), jnp.float32)
    prefix = jnp.zeros((_LANES,), jnp.int32)
    for k in range(_CODE_LEN):
        bit = (c >> (_CODE_LEN - 1 - k)) & 1
        col = ((1 << k) - 1) + prefix
        lo_blk = ((1 << k) - 1) >> 7
        slot = _SLOT[lo_blk] + ((col >> 7) - lo_blk)
        s = plsc.load_gather(vals_v, [slot, rows, col & 127])
        z = jnp.where(bit == 1, -s, s)
        e = jnp.exp(-jnp.abs(z))
        num_acc = num_acc * jnp.where(z >= 0, one, e)
        den_acc = den_acc * (one + e)
        prefix = prefix + bit

    out_v[...] = _neg_log(num_acc / den_acc)
    pltpu.sync_copy(out_v, part_hbm.at[wid])


@functools.cache
def _sc_loss_parts():
    return pl.kernel(
        _sc_body,
        mesh=plsc.VectorSubcoreMesh(core_axis_name="c", subcore_axis_name="s"),
        out_type=jax.ShapeDtypeStruct((_NUM_WORKERS, _LANES), jnp.float32),
        compiler_params=pltpu.CompilerParams(needs_layout_passes=False),
        scratch_types=[
            pltpu.VMEM((_ROWS_PER_W,), jnp.int32),
            pltpu.VMEM((_NUM_BLOCKS, _ROWS_PER_W, 128), jnp.float32),
            pltpu.VMEM((_LANES,), jnp.float32),
            pltpu.SemaphoreType.DMA,
        ],
    )


def _tc_body(scores_any, cls_any, out_ref, vals_v, cls_v, sems, csem):
    cp_cls = pltpu.make_async_copy(
        cls_any.at[pl.ds(_SC_ROWS, _TC_ROWS)], cls_v, csem
    )
    cp_cls.start()
    copies = []
    for slot, blk in enumerate(_BLOCKS):
        cp = pltpu.make_async_copy(
            scores_any.at[pl.ds(_SC_ROWS, _TC_ROWS), pl.ds(blk * 128, 128)],
            vals_v.at[slot],
            sems.at[slot],
        )
        cp.start()
        copies.append(cp)
    cp_cls.wait()
    waited = 0

    c = cls_v[...][:, None]
    lane = lax.broadcasted_iota(jnp.int32, (_TC_ROWS, 128), 1)
    zero = jnp.zeros((_TC_ROWS, 128), jnp.float32)
    loss = jnp.zeros((_TC_ROWS, 1), jnp.float32)
    prefix = jnp.zeros((_TC_ROWS, 1), jnp.int32)
    for k in range(_CODE_LEN):
        need_slot = _SLOT[((1 << k) - 1 + k) >> 7]
        while waited <= need_slot:
            copies[waited].wait()
            waited += 1
        bit = (c >> (_CODE_LEN - 1 - k)) & 1
        col = ((1 << k) - 1) + prefix
        lo_blk = ((1 << k) - 1) >> 7
        lo_slot = _SLOT[lo_blk]
        hi = (col >> 7) - lo_blk
        colmod = col & 127
        m_lo = (lane == colmod) & (hi == 0)
        sel = jnp.where(m_lo, vals_v[lo_slot], zero)
        if ((1 << k) - 1 + k) >> 7 > lo_blk:
            m_hi = (lane == colmod) & (hi == 1)
            sel = sel + jnp.where(m_hi, vals_v[lo_slot + 1], zero)
        s = jnp.sum(sel, axis=1, keepdims=True)
        z = jnp.where(bit == 1, -s, s)
        loss = loss + jnp.maximum(-z, 0.0) + jnp.log(1.0 + jnp.exp(-jnp.abs(z)))
        prefix = prefix + bit

    out_ref[0, 0] = jnp.sum(loss)


@functools.cache
def _tc_loss_part():
    return pl.pallas_call(
        _tc_body,
        out_shape=jax.ShapeDtypeStruct((1, 1), jnp.float32),
        in_specs=[
            pl.BlockSpec(memory_space=pl.ANY),
            pl.BlockSpec(memory_space=pl.ANY),
        ],
        out_specs=pl.BlockSpec(memory_space=pltpu.SMEM),
        scratch_shapes=[
            pltpu.VMEM((_NUM_BLOCKS, _TC_ROWS, 128), jnp.float32),
            pltpu.VMEM((_TC_ROWS,), jnp.int32),
            pltpu.SemaphoreType.DMA((_NUM_BLOCKS,)),
            pltpu.SemaphoreType.DMA,
        ],
    )


def kernel(scores, class_indices):
    tc_part = _tc_loss_part()(scores, class_indices)
    sc_parts = _sc_loss_parts()(scores, class_indices)
    total = jnp.sum(sc_parts) + tc_part[0, 0]
    return total * jnp.float32(1.0 / _BATCH)

# --- scband reference (transcript-rebuilt; emitter-appended) ---
"""Pipeline reference for scband-hierarchical-softmax-loss-76373108457493 (READ-ONLY COPY).

The authoritative reference and input builder live on the scoring server;
editing this copy changes nothing except your own understanding.
"""

import jax, jax.numpy as jnp
import numpy as np
import math


def setup_inputs(seed: int = 0) -> dict:
    key = jax.random.key(seed)
    k1, k2 = jax.random.split(key)
    scores = jax.random.normal(k1, (1024, 65536), dtype=jnp.float32)
    class_indices = jax.random.randint(k2, (1024,), 0, 65536, dtype=jnp.int32)
    return {"scores": scores, "class_indices": class_indices}


def reference(scores, class_indices):
    tree_probs = jax.nn.sigmoid(scores)
    batch_size, dict_size = scores.shape
    code_len = math.ceil(math.log(dict_size, 2))
    mask = 2 ** (code_len - 1)
    level = 1
    indices = jnp.zeros((batch_size,), dtype=jnp.int32)
    probs = jnp.ones((batch_size,), dtype=scores.dtype)
    while mask > 0:
        right_branch = (class_indices & mask) > 0
        p = jnp.take_along_axis(tree_probs, indices[:, None], axis=1)[:, 0]
        probs = probs * jnp.where(right_branch, 1.0 - p, p)
        indices = indices + level + right_branch.astype(jnp.int32)
        level = level << 1
        mask = mask >> 1
    return jnp.sum(-jnp.log(probs)) / batch_size

if __name__ == "__main__":
    import jax
    _d = setup_inputs()
    print(jax.jit(kernel)(*tuple(_d.values())))

</pallas_src>

<mosaic_0001>
#map = affine_map<(d0, d1) -> (0, 0)>
#map1 = affine_map<(d0, d1) -> (0)>
module attributes {stable_mosaic.version = 14 : i64} {
  func.func @_sc_body(%arg0: i32, %arg1: i32, %arg2: memref<1024x65536xf32, #tpu.memory_space<hbm>>, %arg3: memref<1024xi32, #tpu.memory_space<hbm>>, %arg4: memref<32x16xf32, #tpu.memory_space<hbm>>, %arg5: memref<16xi32, #tpu.memory_space<vmem>>, %arg6: memref<17x16x128xf32, #tpu.memory_space<vmem>>, %arg7: memref<16xf32, #tpu.memory_space<vmem>>, %arg8: memref<!tpu.dma_semaphore, #tpu.memory_space<semaphore_mem>>) attributes {dimension_semantics = [#tpu.dimension_semantics<core_parallel>, #tpu.dimension_semantics<subcore_parallel>], iteration_bounds = array<i64: 2, 16>, scalar_prefetch = 0 : i64, scratch_operands = 4 : i64, tpu.core_type = #tpu.core_type<sc_vector_subcore>, window_params = [{transform_indices = #map}, {transform_indices = #map1}, {transform_indices = #map}]} {
    %mul3A = arith.constant 2 : i32
    %mul3A_0 = arith.muli %arg1, %mul3A : i32
    %add3A = arith.addi %mul3A_0, %arg0 : i32
    %mul3A_1 = arith.constant 16 : i32
    %mul3A_2 = arith.muli %add3A, %mul3A_1 : i32
    %iota3A = tpu.iota {dimensions = array<i32: 0>} : vector<16xi32>
    %dma_start3A = arith.constant 0 : i32
    %dma_start3A_3 = arith.constant 0 : i32
    %dma_start3A_4 = arith.constant 0 : i32
    %dma_start3A_5 = tpu.memref_slice %arg6[%dma_start3A, %dma_start3A_3, %dma_start3A_4] : memref<17x16x128xf32, #tpu.memory_space<vmem>> -> memref<1x16x128xf32, #tpu.memory_space<vmem>>
    %dma_start3A_6 = tpu.memref_squeeze %dma_start3A_5 : memref<1x16x128xf32, #tpu.memory_space<vmem>> -> memref<16x128xf32, #tpu.memory_space<vmem>>
    %dma_start3A_7 = arith.constant 0 : i32
    %dma_start3A_8 = tpu.memref_slice %arg2[%mul3A_2, %dma_start3A_7] : memref<1024x65536xf32, #tpu.memory_space<hbm>> -> memref<16x128xf32, #tpu.memory_space<hbm>>
    %dma_start3A_9 = arith.constant 0 : i32
    %dma_start3A_10 = arith.constant 0 : i32
    %dma_start3A_11 = tpu.memref_slice %arg6[%dma_start3A, %dma_start3A_9, %dma_start3A_10] : memref<17x16x128xf32, #tpu.memory_space<vmem>> -> memref<1x16x128xf32, #tpu.memory_space<vmem>>
    %dma_start3A_12 = tpu.memref_squeeze %dma_start3A_11 : memref<1x16x128xf32, #tpu.memory_space<vmem>> -> memref<16x128xf32, #tpu.memory_space<vmem>>
    %dma_start3A_13 = arith.constant 0 : i32
    %dma_start3A_14 = tpu.memref_slice %arg2[%mul3A_2, %dma_start3A_13] : memref<1024x65536xf32, #tpu.memory_space<hbm>> -> memref<16x128xf32, #tpu.memory_space<hbm>>
    tpu.enqueue_dma source(%dma_start3A_14 : memref<16x128xf32, #tpu.memory_space<hbm>>) target(%dma_start3A_12 : memref<16x128xf32, #tpu.memory_space<vmem>>) target_semaphore(%arg8 : memref<!tpu.dma_semaphore, #tpu.memory_space<semaphore_mem>>)
    %dma_start3A_15 = arith.constant 1 : i32
    %dma_start3A_16 = arith.constant 0 : i32
    %dma_start3A_17 = arith.constant 0 : i32
    %dma_start3A_18 = tpu.memref_slice %arg6[%dma_start3A_15, %dma_start3A_16, %dma_start3A_17] : memref<17x16x128xf32, #tpu.memory_space<vmem>> -> memref<1x16x128xf32, #tpu.memory_space<vmem>>
    %dma_start3A_19 = tpu.memref_squeeze %dma_start3A_18 : memref<1x16x128xf32, #tpu.memory_space<vmem>> -> memref<16x128xf32, #tpu.memory_space<vmem>>
    %dma_start3A_20 = arith.constant 128 : i32
    %dma_start3A_21 = tpu.memref_slice %arg2[%mul3A_2, %dma_start3A_20] : memref<1024x65536xf32, #tpu.memory_space<hbm>> -> memref<16x128xf32, #tpu.memory_space<hbm>>
    %dma_start3A_22 = arith.constant 0 : i32
    %dma_start3A_23 = arith.constant 0 : i32
    %dma_start3A_24 = tpu.memref_slice %arg6[%dma_start3A_15, %dma_start3A_22, %dma_start3A_23] : memref<17x16x128xf32, #tpu.memory_space<vmem>> -> memref<1x16x128xf32, #tpu.memory_space<vmem>>
    %dma_start3A_25 = tpu.memref_squeeze %dma_start3A_24 : memref<1x16x128xf32, #tpu.memory_space<vmem>> -> memref<16x128xf32, #tpu.memory_space<vmem>>
    %dma_start3A_26 = arith.constant 128 : i32
    %dma_start3A_27 = tpu.memref_slice %arg2[%mul3A_2, %dma_start3A_26] : memref<1024x65536xf32, #tpu.memory_space<hbm>> -> memref<16x128xf32, #tpu.memory_space<hbm>>
    tpu.enqueue_dma source(%dma_start3A_27 : memref<16x128xf32, #tpu.memory_space<hbm>>) target(%dma_start3A_25 : memref<16x128xf32, #tpu.memory_space<vmem>>) target_semaphore(%arg8 : memref<!tpu.dma_semaphore, #tpu.memory_space<semaphore_mem>>)
    %dma_start3A_28 = arith.constant 2 : i32
    %dma_start3A_29 = arith.constant 0 : i32
    %dma_start3A_30 = arith.constant 0 : i32
    %dma_start3A_31 = tpu.memref_slice %arg6[%dma_start3A_28, %dma_start3A_29, %dma_start3A_30] : memref<17x16x128xf32, #tpu.memory_space<vmem>> -> memref<1x16x128xf32, #tpu.memory_space<vmem>>
    %dma_start3A_32 = tpu.memref_squeeze %dma_start3A_31 : memref<1x16x128xf32, #tpu.memory_space<vmem>> -> memref<16x128xf32, #tpu.memory_space<vmem>>
    %dma_start3A_33 = arith.constant 256 : i32
    %dma_start3A_34 = tpu.memref_slice %arg2[%mul3A_2, %dma_start3A_33] : memref<1024x65536xf32, #tpu.memory_space<hbm>> -> memref<16x128xf32, #tpu.memory_space<hbm>>
    %dma_start3A_35 = arith.constant 0 : i32
    %dma_start3A_36 = arith.constant 0 : i32
    %dma_start3A_37 = tpu.memref_slice %arg6[%dma_start3A_28, %dma_start3A_35, %dma_start3A_36] : memref<17x16x128xf32, #tpu.memory_space<vmem>> -> memref<1x16x128xf32, #tpu.memory_space<vmem>>
    %dma_start3A_38 = tpu.memref_squeeze %dma_start3A_37 : memref<1x16x128xf32, #tpu.memory_space<vmem>> -> memref<16x128xf32, #tpu.memory_space<vmem>>
    %dma_start3A_39 = arith.constant 256 : i32
    %dma_start3A_40 = tpu.memref_slice %arg2[%mul3A_2, %dma_start3A_39] : memref<1024x65536xf32, #tpu.memory_space<hbm>> -> memref<16x128xf32, #tpu.memory_space<hbm>>
    tpu.enqueue_dma source(%dma_start3A_40 : memref<16x128xf32, #tpu.memory_space<hbm>>) target(%dma_start3A_38 : memref<16x128xf32, #tpu.memory_space<vmem>>) target_semaphore(%arg8 : memref<!tpu.dma_semaphore, #tpu.memory_space<semaphore_mem>>)
    %dma_start3A_41 = arith.constant 3 : i32
    %dma_start3A_42 = arith.constant 0 : i32
    %dma_start3A_43 = arith.constant 0 : i32
    %dma_start3A_44 = tpu.memref_slice %arg6[%dma_start3A_41, %dma_start3A_42, %dma_start3A_43] : memref<17x16x128xf32, #tpu.memory_space<vmem>> -> memref<1x16x128xf32, #tpu.memory_space<vmem>>
    %dma_start3A_45 = tpu.memref_squeeze %dma_start3A_44 : memref<1x16x128xf32, #tpu.memory_space<vmem>> -> memref<16x128xf32, #tpu.memory_space<vmem>>
    %dma_start3A_46 = arith.constant 384 : i32
    %dma_start3A_47 = tpu.memref_slice %arg2[%mul3A_2, %dma_start3A_46] : memref<1024x65536xf32, #tpu.memory_space<hbm>> -> memref<16x128xf32, #tpu.memory_space<hbm>>
    %dma_start3A_48 = arith.constant 0 : i32
    %dma_start3A_49 = arith.constant 0 : i32
    %dma_start3A_50 = tpu.memref_slice %arg6[%dma_start3A_41, %dma_start3A_48, %dma_start3A_49] : memref<17x16x128xf32, #tpu.memory_space<vmem>> -> memref<1x16x128xf32, #tpu.memory_space<vmem>>
    %dma_start3A_51 = tpu.memref_squeeze %dma_start3A_50 : memref<1x16x128xf32, #tpu.memory_space<vmem>> -> memref<16x128xf32, #tpu.memory_space<vmem>>
    %dma_start3A_52 = arith.constant 384 : i32
    %dma_start3A_53 = tpu.memref_slice %arg2[%mul3A_2, %dma_start3A_52] : memref<1024x65536xf32, #tpu.memory_space<hbm>> -> memref<16x128xf32, #tpu.memory_space<hbm>>
    tpu.enqueue_dma source(%dma_start3A_53 : memref<16x128xf32, #tpu.memory_space<hbm>>) target(%dma_start3A_51 : memref<16x128xf32, #tpu.memory_space<vmem>>) target_semaphore(%arg8 : memref<!tpu.dma_semaphore, #tpu.memory_space<semaphore_mem>>)
    %dma_start3A_54 = arith.constant 4 : i32
    %dma_start3A_55 = arith.constant 0 : i32
    %dma_start3A_56 = arith.constant 0 : i32
    %dma_start3A_57 = tpu.memref_slice %arg6[%dma_start3A_54, %dma_start3A_55, %dma_start3A_56] : memref<17x16x128xf32, #tpu.memory_space<vmem>> -> memref<1x16x128xf32, #tpu.memory_space<vmem>>
    %dma_start3A_58 = tpu.memref_squeeze %dma_start3A_57 : memref<1x16x128xf32, #tpu.memory_space<vmem>> -> memref<16x128xf32, #tpu.memory_space<vmem>>
    %dma_start3A_59 = arith.constant 512 : i32
    %dma_start3A_60 = tpu.memref_slice %arg2[%mul3A_2, %dma_start3A_59] : memref<1024x65536xf32, #tpu.memory_space<hbm>> -> memref<16x128xf32, #tpu.memory_space<hbm>>
    %dma_start3A_61 = arith.constant 0 : i32
    %dma_start3A_62 = arith.constant 0 : i32
    %dma_start3A_63 = tpu.memref_slice %arg6[%dma_start3A_54, %dma_start3A_61, %dma_start3A_62] : memref<17x16x128xf32, #tpu.memory_space<vmem>> -> memref<1x16x128xf32, #tpu.memory_space<vmem>>
    %dma_start3A_64 = tpu.memref_squeeze %dma_start3A_63 : memref<1x16x128xf32, #tpu.memory_space<vmem>> -> memref<16x128xf32, #tpu.memory_space<vmem>>
    %dma_start3A_65 = arith.constant 512 : i32
    %dma_start3A_66 = tpu.memref_slice %arg2[%mul3A_2, %dma_start3A_65] : memref<1024x65536xf32, #tpu.memory_space<hbm>> -> memref<16x128xf32, #tpu.memory_space<hbm>>
    tpu.enqueue_dma source(%dma_start3A_66 : memref<16x128xf32, #tpu.memory_space<hbm>>) target(%dma_start3A_64 : memref<16x128xf32, #tpu.memory_space<vmem>>) target_semaphore(%arg8 : memref<!tpu.dma_semaphore, #tpu.memory_space<semaphore_mem>>)
    %dma_start3A_67 = arith.constant 5 : i32
    %dma_start3A_68 = arith.constant 0 : i32
    %dma_start3A_69 = arith.constant 0 : i32
    %dma_start3A_70 = tpu.memref_slice %arg6[%dma_start3A_67, %dma_start3A_68, %dma_start3A_69] : memref<17x16x128xf32, #tpu.memory_space<vmem>> -> memref<1x16x128xf32, #tpu.memory_space<vmem>>
    %dma_start3A_71 = tpu.memref_squeeze %dma_start3A_70 : memref<1x16x128xf32, #tpu.memory_space<vmem>> -> memref<16x128xf32, #tpu.memory_space<vmem>>
    %dma_start3A_72 = arith.constant 896 : i32
    %dma_start3A_73 = tpu.memref_slice %arg2[%mul3A_2, %dma_start3A_72] : memref<1024x65536xf32, #tpu.memory_space<hbm>> -> memref<16x128xf32, #tpu.memory_space<hbm>>
    %dma_start3A_74 = arith.constant 0 : i32
    %dma_start3A_75 = arith.constant 0 : i32
    %dma_start3A_76 = tpu.memref_slice %arg6[%dma_start3A_67, %dma_start3A_74, %dma_start3A_75] : memref<17x16x128xf32, #tpu.memory_space<vmem>> -> memref<1x16x128xf32, #tpu.memory_space<vmem>>
    %dma_start3A_77 = tpu.memref_squeeze %dma_start3A_76 : memref<1x16x128xf32, #tpu.memory_space<vmem>> -> memref<16x128xf32, #tpu.memory_space<vmem>>
    %dma_start3A_78 = arith.constant 896 : i32
    %dma_start3A_79 = tpu.memref_slice %arg2[%mul3A_2, %dma_start3A_78] : memref<1024x65536xf32, #tpu.memory_space<hbm>> -> memref<16x128xf32, #tpu.memory_space<hbm>>
    tpu.enqueue_dma source(%dma_start3A_79 : memref<16x128xf32, #tpu.memory_space<hbm>>) target(%dma_start3A_77 : memref<16x128xf32, #tpu.memory_space<vmem>>) target_semaphore(%arg8 : memref<!tpu.dma_semaphore, #tpu.memory_space<semaphore_mem>>)
    %dma_start3A_80 = arith.constant 6 : i32
    %dma_start3A_81 = arith.constant 0 : i32
    %dma_start3A_82 = arith.constant 0 : i32
    %dma_start3A_83 = tpu.memref_slice %arg6[%dma_start3A_80, %dma_start3A_81, %dma_start3A_82] : memref<17x16x128xf32, #tpu.memory_space<vmem>> -> memref<1x16x128xf32, #tpu.memory_space<vmem>>
    %dma_start3A_84 = tpu.memref_squeeze %dma_start3A_83 : memref<1x16x128xf32, #tpu.memory_space<vmem>> -> memref<16x128xf32, #tpu.memory_space<vmem>>
    %dma_start3A_85 = arith.constant 1024 : i32
    %dma_start3A_86 = tpu.memref_slice %arg2[%mul3A_2, %dma_start3A_85] : memref<1024x65536xf32, #tpu.memory_space<hbm>> -> memref<16x128xf32, #tpu.memory_space<hbm>>
    %dma_start3A_87 = arith.constant 0 : i32
    %dma_start3A_88 = arith.constant 0 : i32
    %dma_start3A_89 = tpu.memref_slice %arg6[%dma_start3A_80, %dma_start3A_87, %dma_start3A_88] : memref<17x16x128xf32, #tpu.memory_space<vmem>> -> memref<1x16x128xf32, #tpu.memory_space<vmem>>
    %dma_start3A_90 = tpu.memref_squeeze %dma_start3A_89 : memref<1x16x128xf32, #tpu.memory_space<vmem>> -> memref<16x128xf32, #tpu.memory_space<vmem>>
    %dma_start3A_91 = arith.constant 1024 : i32
    %dma_start3A_92 = tpu.memref_slice %arg2[%mul3A_2, %dma_start3A_91] : memref<1024x65536xf32, #tpu.memory_space<hbm>> -> memref<16x128xf32, #tpu.memory_space<hbm>>
    tpu.enqueue_dma source(%dma_start3A_92 : memref<16x128xf32, #tpu.memory_space<hbm>>) target(%dma_start3A_90 : memref<16x128xf32, #tpu.memory_space<vmem>>) target_semaphore(%arg8 : memref<!tpu.dma_semaphore, #tpu.memory_space<semaphore_mem>>)
    %dma_start3A_93 = arith.constant 7 : i32
    %dma_start3A_94 = arith.constant 0 : i32
    %dma_start3A_95 = arith.constant 0 : i32
    %dma_start3A_96 = tpu.memref_slice %arg6[%dma_start3A_93, %dma_start3A_94, %dma_start3A_95] : memref<17x16x128xf32, #tpu.memory_space<vmem>> -> memref<1x16x128xf32, #tpu.memory_space<vmem>>
    %dma_start3A_97 = tpu.memref_squeeze %dma_start3A_96 : memref<1x16x128xf32, #tpu.memory_space<vmem>> -> memref<16x128xf32, #tpu.memory_space<vmem>>
    %dma_start3A_98 = arith.constant 1920 : i32
    %dma_start3A_99 = tpu.memref_slice %arg2[%mul3A_2, %dma_start3A_98] : memref<1024x65536xf32, #tpu.memory_space<hbm>> -> memref<16x128xf32, #tpu.memory_space<hbm>>
    %dma_start3A_100 = arith.constant 0 : i32
    %dma_start3A_101 = arith.constant 0 : i32
    %dma_start3A_102 = tpu.memref_slice %arg6[%dma_start3A_93, %dma_start3A_100, %dma_start3A_101] : memref<17x16x128xf32, #tpu.memory_space<vmem>> -> memref<1x16x128xf32, #tpu.memory_space<vmem>>
    %dma_start3A_103 = tpu.memref_squeeze %dma_start3A_102 : memref<1x16x128xf32, #tpu.memory_space<vmem>> -> memref<16x128xf32, #tpu.memory_space<vmem>>
    %dma_start3A_104 = arith.constant 1920 : i32
    %dma_start3A_105 = tpu.memref_slice %arg2[%mul3A_2, %dma_start3A_104] : memref<1024x65536xf32, #tpu.memory_space<hbm>> -> memref<16x128xf32, #tpu.memory_space<hbm>>
    tpu.enqueue_dma source(%dma_start3A_105 : memref<16x128xf32, #tpu.memory_space<hbm>>) target(%dma_start3A_103 : memref<16x128xf32, #tpu.memory_space<vmem>>) target_semaphore(%arg8 : memref<!tpu.dma_semaphore, #tpu.memory_space<semaphore_mem>>)
    %dma_start3A_106 = arith.constant 8 : i32
    %dma_start3A_107 = arith.constant 0 : i32
    %dma_start3A_108 = arith.constant 0 : i32
    %dma_start3A_109 = tpu.memref_slice %arg6[%dma_start3A_106, %dma_start3A_107, %dma_start3A_108] : memref<17x16x128xf32, #tpu.memory_space<vmem>> -> memref<1x16x128xf32, #tpu.memory_space<vmem>>
    %dma_start3A_110 = tpu.memref_squeeze %dma_start3A_109 : memref<1x16x128xf32, #tpu.memory_space<vmem>> -> memref<16x128xf32, #tpu.memory_space<vmem>>
    %dma_start3A_111 = arith.constant 2048 : i32
    %dma_start3A_112 = tpu.memref_slice %arg2[%mul3A_2, %dma_start3A_111] : memref<1024x65536xf32, #tpu.memory_space<hbm>> -> memref<16x128xf32, #tpu.memory_space<hbm>>
    %dma_start3A_113 = arith.constant 0 : i32
    %dma_start3A_114 = arith.constant 0 : i32
    %dma_start3A_115 = tpu.memref_slice %arg6[%dma_start3A_106, %dma_start3A_113, %dma_start3A_114] : memref<17x16x128xf32, #tpu.memory_space<vmem>> -> memref<1x16x128xf32, #tpu.memory_space<vmem>>
    %dma_start3A_116 = tpu.memref_squeeze %dma_start3A_115 : memref<1x16x128xf32, #tpu.memory_space<vmem>> -> memref<16x128xf32, #tpu.memory_space<vmem>>
    %dma_start3A_117 = arith.constant 2048 : i32
    %dma_start3A_118 = tpu.memref_slice %arg2[%mul3A_2, %dma_start3A_117] : memref<1024x65536xf32, #tpu.memory_space<hbm>> -> memref<16x128xf32, #tpu.memory_space<hbm>>
    tpu.enqueue_dma source(%dma_start3A_118 : memref<16x128xf32, #tpu.memory_space<hbm>>) target(%dma_start3A_116 : memref<16x128xf32, #tpu.memory_space<vmem>>) target_semaphore(%arg8 : memref<!tpu.dma_semaphore, #tpu.memory_space<semaphore_mem>>)
    %dma_start3A_119 = arith.constant 9 : i32
    %dma_start3A_120 = arith.constant 0 : i32
    %dma_start3A_121 = arith.constant 0 : i32
    %dma_start3A_122 = tpu.memref_slice %arg6[%dma_start3A_119, %dma_start3A_120, %dma_start3A_121] : memref<17x16x128xf32, #tpu.memory_space<vmem>> -> memref<1x16x128xf32, #tpu.memory_space<vmem>>
    %dma_start3A_123 = tpu.memref_squeeze %dma_start3A_122 : memref<1x16x128xf32, #tpu.memory_space<vmem>> -> memref<16x128xf32, #tpu.memory_space<vmem>>
    %dma_start3A_124 = arith.constant 3968 : i32
    %dma_start3A_125 = tpu.memref_slice %arg2[%mul3A_2, %dma_start3A_124] : memref<1024x65536xf32, #tpu.memory_space<hbm>> -> memref<16x128xf32, #tpu.memory_space<hbm>>
    %dma_start3A_126 = arith.constant 0 : i32
    %dma_start3A_127 = arith.constant 0 : i32
    %dma_start3A_128 = tpu.memref_slice %arg6[%dma_start3A_119, %dma_start3A_126, %dma_start3A_127] : memref<17x16x128xf32, #tpu.memory_space<vmem>> -> memref<1x16x128xf32, #tpu.memory_space<vmem>>
    %dma_start3A_129 = tpu.memref_squeeze %dma_start3A_128 : memref<1x16x128xf32, #tpu.memory_space<vmem>> -> memref<16x128xf32, #tpu.memory_space<vmem>>
    %dma_start3A_130 = arith.constant 3968 : i32
    %dma_start3A_131 = tpu.memref_slice %arg2[%mul3A_2, %dma_start3A_130] : memref<1024x65536xf32, #tpu.memory_space<hbm>> -> memref<16x128xf32, #tpu.memory_space<hbm>>
    tpu.enqueue_dma source(%dma_start3A_131 : memref<16x128xf32, #tpu.memory_space<hbm>>) target(%dma_start3A_129 : memref<16x128xf32, #tpu.memory_space<vmem>>) target_semaphore(%arg8 : memref<!tpu.dma_semaphore, #tpu.memory_space<semaphore_mem>>)
    %dma_start3A_132 = arith.constant 10 : i32
    %dma_start3A_133 = arith.constant 0 : i32
    %dma_start3A_134 = arith.constant 0 : i32
    %dma_start3A_135 = tpu.memref_slice %arg6[%dma_start3A_132, %dma_start3A_133, %dma_start3A_134] : memref<17x16x128xf32, #tpu.memory_space<vmem>> -> memref<1x16x128xf32, #tpu.memory_space<vmem>>
    %dma_start3A_136 = tpu.memref_squeeze %dma_start3A_135 : memref<1x16x128xf32, #tpu.memory_space<vmem>> -> memref<16x128xf32, #tpu.memory_space<vmem>>
    %dma_start3A_137 = arith.constant 4096 : i32
    %dma_start3A_138 = tpu.memref_slice %arg2[%mul3A_2, %dma_start3A_137] : memref<1024x65536xf32, #tpu.memory_space<hbm>> -> memref<16x128xf32, #tpu.memory_space<hbm>>
    %dma_start3A_139 = arith.constant 0 : i32
    %dma_start3A_140 = arith.constant 0 : i32
    %dma_start3A_141 = tpu.memref_slice %arg6[%dma_start3A_132, %dma_start3A_139, %dma_start3A_140] : memref<17x16x128xf32, #tpu.memory_space<vmem>> -> memref<1x16x128xf32, #tpu.memory_space<vmem>>
    %dma_start3A_142 = tpu.memref_squeeze %dma_start3A_141 : memref<1x16x128xf32, #tpu.memory_space<vmem>> -> memref<16x128xf32, #tpu.memory_space<vmem>>
    %dma_start3A_143 = arith.constant 4096 : i32
    %dma_start3A_144 = tpu.memref_slice %arg2[%mul3A_2, %dma_start3A_143] : memref<1024x65536xf32, #tpu.memory_space<hbm>> -> memref<16x128xf32, #tpu.memory_space<hbm>>
    tpu.enqueue_dma source(%dma_start3A_144 : memref<16x128xf32, #tpu.memory_space<hbm>>) target(%dma_start3A_142 : memref<16x128xf32, #tpu.memory_space<vmem>>) target_semaphore(%arg8 : memref<!tpu.dma_semaphore, #tpu.memory_space<semaphore_mem>>)
    %dma_start3A_145 = arith.constant 11 : i32
    %dma_start3A_146 = arith.constant 0 : i32
    %dma_start3A_147 = arith.constant 0 : i32
    %dma_start3A_148 = tpu.memref_slice %arg6[%dma_start3A_145, %dma_start3A_146, %dma_start3A_147] : memref<17x16x128xf32, #tpu.memory_space<vmem>> -> memref<1x16x128xf32, #tpu.memory_space<vmem>>
    %dma_start3A_149 = tpu.memref_squeeze %dma_start3A_148 : memref<1x16x128xf32, #tpu.memory_space<vmem>> -> memref<16x128xf32, #tpu.memory_space<vmem>>
    %dma_start3A_150 = arith.constant 8064 : i32
    %dma_start3A_151 = tpu.memref_slice %arg2[%mul3A_2, %dma_start3A_150] : memref<1024x65536xf32, #tpu.memory_space<hbm>> -> memref<16x128xf32, #tpu.memory_space<hbm>>
    %dma_start3A_152 = arith.constant 0 : i32
    %dma_start3A_153 = arith.constant 0 : i32
    %dma_start3A_154 = tpu.memref_slice %arg6[%dma_start3A_145, %dma_start3A_152, %dma_start3A_153] : memref<17x16x128xf32, #tpu.memory_space<vmem>> -> memref<1x16x128xf32, #tpu.memory_space<vmem>>
    %dma_start3A_155 = tpu.memref_squeeze %dma_start3A_154 : memref<1x16x128xf32, #tpu.memory_space<vmem>> -> memref<16x128xf32, #tpu.memory_space<vmem>>
    %dma_start3A_156 = arith.constant 8064 : i32
    %dma_start3A_157 = tpu.memref_slice %arg2[%mul3A_2, %dma_start3A_156] : memref<1024x65536xf32, #tpu.memory_space<hbm>> -> memref<16x128xf32, #tpu.memory_space<hbm>>
    tpu.enqueue_dma source(%dma_start3A_157 : memref<16x128xf32, #tpu.memory_space<hbm>>) target(%dma_start3A_155 : memref<16x128xf32, #tpu.memory_space<vmem>>) target_semaphore(%arg8 : memref<!tpu.dma_semaphore, #tpu.memory_space<semaphore_mem>>)
    %dma_start3A_158 = arith.constant 12 : i32
    %dma_start3A_159 = arith.constant 0 : i32
    %dma_start3A_160 = arith.constant 0 : i32
    %dma_start3A_161 = tpu.memref_slice %arg6[%dma_start3A_158, %dma_start3A_159, %dma_start3A_160] : memref<17x16x128xf32, #tpu.memory_space<vmem>> -> memref<1x16x128xf32, #tpu.memory_space<vmem>>
    %dma_start3A_162 = tpu.memref_squeeze %dma_start3A_161 : memref<1x16x128xf32, #tpu.memory_space<vmem>> -> memref<16x128xf32, #tpu.memory_space<vmem>>
    %dma_start3A_163 = arith.constant 8192 : i32
    %dma_start3A_164 = tpu.memref_slice %arg2[%mul3A_2, %dma_start3A_163] : memref<1024x65536xf32, #tpu.memory_space<hbm>> -> memref<16x128xf32, #tpu.memory_space<hbm>>
    %dma_start3A_165 = arith.constant 0 : i32
    %dma_start3A_166 = arith.constant 0 : i32
    %dma_start3A_167 = tpu.memref_slice %arg6[%dma_start3A_158, %dma_start3A_165, %dma_start3A_166] : memref<17x16x128xf32, #tpu.memory_space<vmem>> -> memref<1x16x128xf32, #tpu.memory_space<vmem>>
    %dma_start3A_168 = tpu.memref_squeeze %dma_start3A_167 : memref<1x16x128xf32, #tpu.memory_space<vmem>> -> memref<16x128xf32, #tpu.memory_space<vmem>>
    %dma_start3A_169 = arith.constant 8192 : i32
    %dma_start3A_170 = tpu.memref_slice %arg2[%mul3A_2, %dma_start3A_169] : memref<1024x65536xf32, #tpu.memory_space<hbm>> -> memref<16x128xf32, #tpu.memory_space<hbm>>
    tpu.enqueue_dma source(%dma_start3A_170 : memref<16x128xf32, #tpu.memory_space<hbm>>) target(%dma_start3A_168 : memref<16x128xf32, #tpu.memory_space<vmem>>) target_semaphore(%arg8 : memref<!tpu.dma_semaphore, #tpu.memory_space<semaphore_mem>>)
    %dma_start3A_171 = arith.constant 13 : i32
    %dma_start3A_172 = arith.constant 0 : i32
    %dma_start3A_173 = arith.constant 0 : i32
    %dma_start3A_174 = tpu.memref_slice %arg6[%dma_start3A_171, %dma_start3A_172, %dma_start3A_173] : memref<17x16x128xf32, #tpu.memory_space<vmem>> -> memref<1x16x128xf32, #tpu.memory_space<vmem>>
    %dma_start3A_175 = tpu.memref_squeeze %dma_start3A_174 : memref<1x16x128xf32, #tpu.memory_space<vmem>> -> memref<16x128xf32, #tpu.memory_space<vmem>>
    %dma_start3A_176 = arith.constant 16256 : i32
    %dma_start3A_177 = tpu.memref_slice %arg2[%mul3A_2, %dma_start3A_176] : memref<1024x65536xf32, #tpu.memory_space<hbm>> -> memref<16x128xf32, #tpu.memory_space<hbm>>
    %dma_start3A_178 = arith.constant 0 : i32
    %dma_start3A_179 = arith.constant 0 : i32
    %dma_start3A_180 = tpu.memref_slice %arg6[%dma_start3A_171, %dma_start3A_178, %dma_start3A_179] : memref<17x16x128xf32, #tpu.memory_space<vmem>> -> memref<1x16x128xf32, #tpu.memory_space<vmem>>
    %dma_start3A_181 = tpu.memref_squeeze %dma_start3A_180 : memref<1x16x128xf32, #tpu.memory_space<vmem>> -> memref<16x128xf32, #tpu.memory_space<vmem>>
    %dma_start3A_182 = arith.constant 16256 : i32
    %dma_start3A_183 = tpu.memref_slice %arg2[%mul3A_2, %dma_start3A_182] : memref<1024x65536xf32, #tpu.memory_space<hbm>> -> memref<16x128xf32, #tpu.memory_space<hbm>>
    tpu.enqueue_dma source(%dma_start3A_183 : memref<16x128xf32, #tpu.memory_space<hbm>>) target(%dma_start3A_181 : memref<16x128xf32, #tpu.memory_space<vmem>>) target_semaphore(%arg8 : memref<!tpu.dma_semaphore, #tpu.memory_space<semaphore_mem>>)
    %dma_start3A_184 = arith.constant 14 : i32
    %dma_start3A_185 = arith.constant 0 : i32
    %dma_start3A_186 = arith.constant 0 : i32
    %dma_start3A_187 = tpu.memref_slice %arg6[%dma_start3A_184, %dma_start3A_185, %dma_start3A_186] : memref<17x16x128xf32, #tpu.memory_space<vmem>> -> memref<1x16x128xf32, #tpu.memory_space<vmem>>
    %dma_start3A_188 = tpu.memref_squeeze %dma_start3A_187 : memref<1x16x128xf32, #tpu.memory_space<vmem>> -> memref<16x128xf32, #tpu.memory_space<vmem>>
    %dma_start3A_189 = arith.constant 16384 : i32
    %dma_start3A_190 = tpu.memref_slice %arg2[%mul3A_2, %dma_start3A_189] : memref<1024x65536xf32, #tpu.memory_space<hbm>> -> memref<16x128xf32, #tpu.memory_space<hbm>>
    %dma_start3A_191 = arith.constant 0 : i32
    %dma_start3A_192 = arith.constant 0 : i32
    %dma_start3A_193 = tpu.memref_slice %arg6[%dma_start3A_184, %dma_start3A_191, %dma_start3A_192] : memref<17x16x128xf32, #tpu.memory_space<vmem>> -> memref<1x16x128xf32, #tpu.memory_space<vmem>>
    %dma_start3A_194 = tpu.memref_squeeze %dma_start3A_193 : memref<1x16x128xf32, #tpu.memory_space<vmem>> -> memref<16x128xf32, #tpu.memory_space<vmem>>
    %dma_start3A_195 = arith.constant 16384 : i32
    %dma_start3A_196 = tpu.memref_slice %arg2[%mul3A_2, %dma_start3A_195] : memref<1024x65536xf32, #tpu.memory_space<hbm>> -> memref<16x128xf32, #tpu.memory_space<hbm>>
    tpu.enqueue_dma source(%dma_start3A_196 : memref<16x128xf32, #tpu.memory_space<hbm>>) target(%dma_start3A_194 : memref<16x128xf32, #tpu.memory_space<vmem>>) target_semaphore(%arg8 : memref<!tpu.dma_semaphore, #tpu.memory_space<semaphore_mem>>)
    %dma_start3A_197 = arith.constant 15 : i32
    %dma_start3A_198 = arith.constant 0 : i32
    %dma_start3A_199 = arith.constant 0 : i32
    %dma_start3A_200 = tpu.memref_slice %arg6[%dma_start3A_197, %dma_start3A_198, %dma_start3A_199] : memref<17x16x128xf32, #tpu.memory_space<vmem>> -> memref<1x16x128xf32, #tpu.memory_space<vmem>>
    %dma_start3A_201 = tpu.memref_squeeze %dma_start3A_200 : memref<1x16x128xf32, #tpu.memory_space<vmem>> -> memref<16x128xf32, #tpu.memory_space<vmem>>
    %dma_start3A_202 = arith.constant 32640 : i32
    %dma_start3A_203 = tpu.memref_slice %arg2[%mul3A_2, %dma_start3A_202] : memref<1024x65536xf32, #tpu.memory_space<hbm>> -> memref<16x128xf32, #tpu.memory_space<hbm>>
    %dma_start3A_204 = arith.constant 0 : i32
    %dma_start3A_205 = arith.constant 0 : i32
    %dma_start3A_206 = tpu.memref_slice %arg6[%dma_start3A_197, %dma_start3A_204, %dma_start3A_205] : memref<17x16x128xf32, #tpu.memory_space<vmem>> -> memref<1x16x128xf32, #tpu.memory_space<vmem>>
    %dma_start3A_207 = tpu.memref_squeeze %dma_start3A_206 : memref<1x16x128xf32, #tpu.memory_space<vmem>> -> memref<16x128xf32, #tpu.memory_space<vmem>>
    %dma_start3A_208 = arith.constant 32640 : i32
    %dma_start3A_209 = tpu.memref_slice %arg2[%mul3A_2, %dma_start3A_208] : memref<1024x65536xf32, #tpu.memory_space<hbm>> -> memref<16x128xf32, #tpu.memory_space<hbm>>
    tpu.enqueue_dma source(%dma_start3A_209 : memref<16x128xf32, #tpu.memory_space<hbm>>) target(%dma_start3A_207 : memref<16x128xf32, #tpu.memory_space<vmem>>) target_semaphore(%arg8 : memref<!tpu.dma_semaphore, #tpu.memory_space<semaphore_mem>>)
    %dma_start3A_210 = arith.constant 16 : i32
    %dma_start3A_211 = arith.constant 0 : i32
    %dma_start3A_212 = arith.constant 0 : i32
    %dma_start3A_213 = tpu.memref_slice %arg6[%dma_start3A_210, %dma_start3A_211, %dma_start3A_212] : memref<17x16x128xf32, #tpu.memory_space<vmem>> -> memref<1x16x128xf32, #tpu.memory_space<vmem>>
    %dma_start3A_214 = tpu.memref_squeeze %dma_start3A_213 : memref<1x16x128xf32, #tpu.memory_space<vmem>> -> memref<16x128xf32, #tpu.memory_space<vmem>>
    %dma_start3A_215 = arith.constant 32768 : i32
    %dma_start3A_216 = tpu.memref_slice %arg2[%mul3A_2, %dma_start3A_215] : memref<1024x65536xf32, #tpu.memory_space<hbm>> -> memref<16x128xf32, #tpu.memory_space<hbm>>
    %dma_start3A_217 = arith.constant 0 : i32
    %dma_start3A_218 = arith.constant 0 : i32
    %dma_start3A_219 = tpu.memref_slice %arg6[%dma_start3A_210, %dma_start3A_217, %dma_start3A_218] : memref<17x16x128xf32, #tpu.memory_space<vmem>> -> memref<1x16x128xf32, #tpu.memory_space<vmem>>
    %dma_start3A_220 = tpu.memref_squeeze %dma_start3A_219 : memref<1x16x128xf32, #tpu.memory_space<vmem>> -> memref<16x128xf32, #tpu.memory_space<vmem>>
    %dma_start3A_221 = arith.constant 32768 : i32
    %dma_start3A_222 = tpu.memref_slice %arg2[%mul3A_2, %dma_start3A_221] : memref<1024x65536xf32, #tpu.memory_space<hbm>> -> memref<16x128xf32, #tpu.memory_space<hbm>>
    tpu.enqueue_dma source(%dma_start3A_222 : memref<16x128xf32, #tpu.memory_space<hbm>>) target(%dma_start3A_220 : memref<16x128xf32, #tpu.memory_space<vmem>>) target_semaphore(%arg8 : memref<!tpu.dma_semaphore, #tpu.memory_space<semaphore_mem>>)
    "tpu.region"() ({
      %run_scoped3A = tpu.sem_alloc : memref<!tpu.dma_semaphore, #tpu.memory_space<semaphore_mem>>
      %dma_start3A_1221 = tpu.memref_slice %arg3[%mul3A_2] : memref<1024xi32, #tpu.memory_space<hbm>> -> memref<16xi32, #tpu.memory_space<hbm>>
      %dma_start3A_1222 = tpu.memref_slice %arg3[%mul3A_2] : memref<1024xi32, #tpu.memory_space<hbm>> -> memref<16xi32, #tpu.memory_space<hbm>>
      tpu.enqueue_dma source(%dma_start3A_1222 : memref<16xi32, #tpu.memory_space<hbm>>) target(%arg5 : memref<16xi32, #tpu.memory_space<vmem>>) target_semaphore(%run_scoped3A : memref<!tpu.dma_semaphore, #tpu.memory_space<semaphore_mem>>)
      %dma_wait3A_1223 = tpu.memref_slice %arg3[%mul3A_2] : memref<1024xi32, #tpu.memory_space<hbm>> -> memref<16xi32, #tpu.memory_space<hbm>>
      %dma_wait3A_1224 = tpu.memref_slice %arg3[%mul3A_2] : memref<1024xi32, #tpu.memory_space<hbm>> -> memref<16xi32, #tpu.memory_space<hbm>>
      tpu.wait_dma2 semaphore(%run_scoped3A : memref<!tpu.dma_semaphore, #tpu.memory_space<semaphore_mem>>) src(%dma_wait3A_1224 : memref<16xi32, #tpu.memory_space<hbm>>) dst(%arg5 : memref<16xi32, #tpu.memory_space<vmem>>)
      tpu.yield
    }) : () -> ()
    %dma_wait3A = arith.constant 0 : i32
    %dma_wait3A_223 = arith.constant 0 : i32
    %dma_wait3A_224 = arith.constant 0 : i32
    %dma_wait3A_225 = tpu.memref_slice %arg6[%dma_wait3A, %dma_wait3A_223, %dma_wait3A_224] : memref<17x16x128xf32, #tpu.memory_space<vmem>> -> memref<1x16x128xf32, #tpu.memory_space<vmem>>
    %dma_wait3A_226 = tpu.memref_squeeze %dma_wait3A_225 : memref<1x16x128xf32, #tpu.memory_space<vmem>> -> memref<16x128xf32, #tpu.memory_space<vmem>>
    %dma_wait3A_227 = arith.constant 0 : i32
    %dma_wait3A_228 = tpu.memref_slice %arg2[%mul3A_2, %dma_wait3A_227] : memref<1024x65536xf32, #tpu.memory_space<hbm>> -> memref<16x128xf32, #tpu.memory_space<hbm>>
    %dma_wait3A_229 = arith.constant 0 : i32
    %dma_wait3A_230 = arith.constant 0 : i32
    %dma_wait3A_231 = tpu.memref_slice %arg6[%dma_wait3A, %dma_wait3A_229, %dma_wait3A_230] : memref<17x16x128xf32, #tpu.memory_space<vmem>> -> memref<1x16x128xf32, #tpu.memory_space<vmem>>
    %dma_wait3A_232 = tpu.memref_squeeze %dma_wait3A_231 : memref<1x16x128xf32, #tpu.memory_space<vmem>> -> memref<16x128xf32, #tpu.memory_space<vmem>>
    %dma_wait3A_233 = arith.constant 0 : i32
    %dma_wait3A_234 = tpu.memref_slice %arg2[%mul3A_2, %dma_wait3A_233] : memref<1024x65536xf32, #tpu.memory_space<hbm>> -> memref<16x128xf32, #tpu.memory_space<hbm>>
    tpu.wait_dma2 semaphore(%arg8 : memref<!tpu.dma_semaphore, #tpu.memory_space<semaphore_mem>>) src(%dma_wait3A_234 : memref<16x128xf32, #tpu.memory_space<hbm>>) dst(%dma_wait3A_232 : memref<16x128xf32, #tpu.memory_space<vmem>>)
    %dma_wait3A_235 = arith.constant 1 : i32
    %dma_wait3A_236 = arith.constant 0 : i32
    %dma_wait3A_237 = arith.constant 0 : i32
    %dma_wait3A_238 = tpu.memref_slice %arg6[%dma_wait3A_235, %dma_wait3A_236, %dma_wait3A_237] : memref<17x16x128xf32, #tpu.memory_space<vmem>> -> memref<1x16x128xf32, #tpu.memory_space<vmem>>
    %dma_wait3A_239 = tpu.memref_squeeze %dma_wait3A_238 : memref<1x16x128xf32, #tpu.memory_space<vmem>> -> memref<16x128xf32, #tpu.memory_space<vmem>>
    %dma_wait3A_240 = arith.constant 128 : i32
    %dma_wait3A_241 = tpu.memref_slice %arg2[%mul3A_2, %dma_wait3A_240] : memref<1024x65536xf32, #tpu.memory_space<hbm>> -> memref<16x128xf32, #tpu.memory_space<hbm>>
    %dma_wait3A_242 = arith.constant 0 : i32
    %dma_wait3A_243 = arith.constant 0 : i32
    %dma_wait3A_244 = tpu.memref_slice %arg6[%dma_wait3A_235, %dma_wait3A_242, %dma_wait3A_243] : memref<17x16x128xf32, #tpu.memory_space<vmem>> -> memref<1x16x128xf32, #tpu.memory_space<vmem>>
    %dma_wait3A_245 = tpu.memref_squeeze %dma_wait3A_244 : memref<1x16x128xf32, #tpu.memory_space<vmem>> -> memref<16x128xf32, #tpu.memory_space<vmem>>
    %dma_wait3A_246 = arith.constant 128 : i32
    %dma_wait3A_247 = tpu.memref_slice %arg2[%mul3A_2, %dma_wait3A_246] : memref<1024x65536xf32, #tpu.memory_space<hbm>> -> memref<16x128xf32, #tpu.memory_space<hbm>>
    tpu.wait_dma2 semaphore(%arg8 : memref<!tpu.dma_semaphore, #tpu.memory_space<semaphore_mem>>) src(%dma_wait3A_247 : memref<16x128xf32, #tpu.memory_space<hbm>>) dst(%dma_wait3A_245 : memref<16x128xf32, #tpu.memory_space<vmem>>)
    %dma_wait3A_248 = arith.constant 2 : i32
    %dma_wait3A_249 = arith.constant 0 : i32
    %dma_wait3A_250 = arith.constant 0 : i32
    %dma_wait3A_251 = tpu.memref_slice %arg6[%dma_wait3A_248, %dma_wait3A_249, %dma_wait3A_250] : memref<17x16x128xf32, #tpu.memory_space<vmem>> -> memref<1x16x128xf32, #tpu.memory_space<vmem>>
    %dma_wait3A_252 = tpu.memref_squeeze %dma_wait3A_251 : memref<1x16x128xf32, #tpu.memory_space<vmem>> -> memref<16x128xf32, #tpu.memory_space<vmem>>
    %dma_wait3A_253 = arith.constant 256 : i32
    %dma_wait3A_254 = tpu.memref_slice %arg2[%mul3A_2, %dma_wait3A_253] : memref<1024x65536xf32, #tpu.memory_space<hbm>> -> memref<16x128xf32, #tpu.memory_space<hbm>>
    %dma_wait3A_255 = arith.constant 0 : i32
    %dma_wait3A_256 = arith.constant 0 : i32
    %dma_wait3A_257 = tpu.memref_slice %arg6[%dma_wait3A_248, %dma_wait3A_255, %dma_wait3A_256] : memref<17x16x128xf32, #tpu.memory_space<vmem>> -> memref<1x16x128xf32, #tpu.memory_space<vmem>>
    %dma_wait3A_258 = tpu.memref_squeeze %dma_wait3A_257 : memref<1x16x128xf32, #tpu.memory_space<vmem>> -> memref<16x128xf32, #tpu.memory_space<vmem>>
    %dma_wait3A_259 = arith.constant 256 : i32
    %dma_wait3A_260 = tpu.memref_slice %arg2[%mul3A_2, %dma_wait3A_259] : memref<1024x65536xf32, #tpu.memory_space<hbm>> -> memref<16x128xf32, #tpu.memory_space<hbm>>
    tpu.wait_dma2 semaphore(%arg8 : memref<!tpu.dma_semaphore, #tpu.memory_space<semaphore_mem>>) src(%dma_wait3A_260 : memref<16x128xf32, #tpu.memory_space<hbm>>) dst(%dma_wait3A_258 : memref<16x128xf32, #tpu.memory_space<vmem>>)
    %dma_wait3A_261 = arith.constant 3 : i32
    %dma_wait3A_262 = arith.constant 0 : i32
    %dma_wait3A_263 = arith.constant 0 : i32
    %dma_wait3A_264 = tpu.memref_slice %arg6[%dma_wait3A_261, %dma_wait3A_262, %dma_wait3A_263] : memref<17x16x128xf32, #tpu.memory_space<vmem>> -> memref<1x16x128xf32, #tpu.memory_space<vmem>>
    %dma_wait3A_265 = tpu.memref_squeeze %dma_wait3A_264 : memref<1x16x128xf32, #tpu.memory_space<vmem>> -> memref<16x128xf32, #tpu.memory_space<vmem>>
    %dma_wait3A_266 = arith.constant 384 : i32
    %dma_wait3A_267 = tpu.memref_slice %arg2[%mul3A_2, %dma_wait3A_266] : memref<1024x65536xf32, #tpu.memory_space<hbm>> -> memref<16x128xf32, #tpu.memory_space<hbm>>
    %dma_wait3A_268 = arith.constant 0 : i32
    %dma_wait3A_269 = arith.constant 0 : i32
    %dma_wait3A_270 = tpu.memref_slice %arg6[%dma_wait3A_261, %dma_wait3A_268, %dma_wait3A_269] : memref<17x16x128xf32, #tpu.memory_space<vmem>> -> memref<1x16x128xf32, #tpu.memory_space<vmem>>
    %dma_wait3A_271 = tpu.memref_squeeze %dma_wait3A_270 : memref<1x16x128xf32, #tpu.memory_space<vmem>> -> memref<16x128xf32, #tpu.memory_space<vmem>>
    %dma_wait3A_272 = arith.constant 384 : i32
    %dma_wait3A_273 = tpu.memref_slice %arg2[%mul3A_2, %dma_wait3A_272] : memref<1024x65536xf32, #tpu.memory_space<hbm>> -> memref<16x128xf32, #tpu.memory_space<hbm>>
    tpu.wait_dma2 semaphore(%arg8 : memref<!tpu.dma_semaphore, #tpu.memory_space<semaphore_mem>>) src(%dma_wait3A_273 : memref<16x128xf32, #tpu.memory_space<hbm>>) dst(%dma_wait3A_271 : memref<16x128xf32, #tpu.memory_space<vmem>>)
    %dma_wait3A_274 = arith.constant 4 : i32
    %dma_wait3A_275 = arith.constant 0 : i32
    %dma_wait3A_276 = arith.constant 0 : i32
    %dma_wait3A_277 = tpu.memref_slice %arg6[%dma_wait3A_274, %dma_wait3A_275, %dma_wait3A_276] : memref<17x16x128xf32, #tpu.memory_space<vmem>> -> memref<1x16x128xf32, #tpu.memory_space<vmem>>
    %dma_wait3A_278 = tpu.memref_squeeze %dma_wait3A_277 : memref<1x16x128xf32, #tpu.memory_space<vmem>> -> memref<16x128xf32, #tpu.memory_space<vmem>>
    %dma_wait3A_279 = arith.constant 512 : i32
    %dma_wait3A_280 = tpu.memref_slice %arg2[%mul3A_2, %dma_wait3A_279] : memref<1024x65536xf32, #tpu.memory_space<hbm>> -> memref<16x128xf32, #tpu.memory_space<hbm>>
    %dma_wait3A_281 = arith.constant 0 : i32
    %dma_wait3A_282 = arith.constant 0 : i32
    %dma_wait3A_283 = tpu.memref_slice %arg6[%dma_wait3A_274, %dma_wait3A_281, %dma_wait3A_282] : memref<17x16x128xf32, #tpu.memory_space<vmem>> -> memref<1x16x128xf32, #tpu.memory_space<vmem>>
    %dma_wait3A_284 = tpu.memref_squeeze %dma_wait3A_283 : memref<1x16x128xf32, #tpu.memory_space<vmem>> -> memref<16x128xf32, #tpu.memory_space<vmem>>
    %dma_wait3A_285 = arith.constant 512 : i32
    %dma_wait3A_286 = tpu.memref_slice %arg2[%mul3A_2, %dma_wait3A_285] : memref<1024x65536xf32, #tpu.memory_space<hbm>> -> memref<16x128xf32, #tpu.memory_space<hbm>>
    tpu.wait_dma2 semaphore(%arg8 : memref<!tpu.dma_semaphore, #tpu.memory_space<semaphore_mem>>) src(%dma_wait3A_286 : memref<16x128xf32, #tpu.memory_space<hbm>>) dst(%dma_wait3A_284 : memref<16x128xf32, #tpu.memory_space<vmem>>)
    %dma_wait3A_287 = arith.constant 5 : i32
    %dma_wait3A_288 = arith.constant 0 : i32
    %dma_wait3A_289 = arith.constant 0 : i32
    %dma_wait3A_290 = tpu.memref_slice %arg6[%dma_wait3A_287, %dma_wait3A_288, %dma_wait3A_289] : memref<17x16x128xf32, #tpu.memory_space<vmem>> -> memref<1x16x128xf32, #tpu.memory_space<vmem>>
    %dma_wait3A_291 = tpu.memref_squeeze %dma_wait3A_290 : memref<1x16x128xf32, #tpu.memory_space<vmem>> -> memref<16x128xf32, #tpu.memory_space<vmem>>
    %dma_wait3A_292 = arith.constant 896 : i32
    %dma_wait3A_293 = tpu.memref_slice %arg2[%mul3A_2, %dma_wait3A_292] : memref<1024x65536xf32, #tpu.memory_space<hbm>> -> memref<16x128xf32, #tpu.memory_space<hbm>>
    %dma_wait3A_294 = arith.constant 0 : i32
    %dma_wait3A_295 = arith.constant 0 : i32
    %dma_wait3A_296 = tpu.memref_slice %arg6[%dma_wait3A_287, %dma_wait3A_294, %dma_wait3A_295] : memref<17x16x128xf32, #tpu.memory_space<vmem>> -> memref<1x16x128xf32, #tpu.memory_space<vmem>>
    %dma_wait3A_297 = tpu.memref_squeeze %dma_wait3A_296 : memref<1x16x128xf32, #tpu.memory_space<vmem>> -> memref<16x128xf32, #tpu.memory_space<vmem>>
    %dma_wait3A_298 = arith.constant 896 : i32
    %dma_wait3A_299 = tpu.memref_slice %arg2[%mul3A_2, %dma_wait3A_298] : memref<1024x65536xf32, #tpu.memory_space<hbm>> -> memref<16x128xf32, #tpu.memory_space<hbm>>
    tpu.wait_dma2 semaphore(%arg8 : memref<!tpu.dma_semaphore, #tpu.memory_space<semaphore_mem>>) src(%dma_wait3A_299 : memref<16x128xf32, #tpu.memory_space<hbm>>) dst(%dma_wait3A_297 : memref<16x128xf32, #tpu.memory_space<vmem>>)
    %dma_wait3A_300 = arith.constant 6 : i32
    %dma_wait3A_301 = arith.constant 0 : i32
    %dma_wait3A_302 = arith.constant 0 : i32
    %dma_wait3A_303 = tpu.memref_slice %arg6[%dma_wait3A_300, %dma_wait3A_301, %dma_wait3A_302] : memref<17x16x128xf32, #tpu.memory_space<vmem>> -> memref<1x16x128xf32, #tpu.memory_space<vmem>>
    %dma_wait3A_304 = tpu.memref_squeeze %dma_wait3A_303 : memref<1x16x128xf32, #tpu.memory_space<vmem>> -> memref<16x128xf32, #tpu.memory_space<vmem>>
    %dma_wait3A_305 = arith.constant 1024 : i32
    %dma_wait3A_306 = tpu.memref_slice %arg2[%mul3A_2, %dma_wait3A_305] : memref<1024x65536xf32, #tpu.memory_space<hbm>> -> memref<16x128xf32, #tpu.memory_space<hbm>>
    %dma_wait3A_307 = arith.constant 0 : i32
    %dma_wait3A_308 = arith.constant 0 : i32
    %dma_wait3A_309 = tpu.memref_slice %arg6[%dma_wait3A_300, %dma_wait3A_307, %dma_wait3A_308] : memref<17x16x128xf32, #tpu.memory_space<vmem>> -> memref<1x16x128xf32, #tpu.memory_space<vmem>>
    %dma_wait3A_310 = tpu.memref_squeeze %dma_wait3A_309 : memref<1x16x128xf32, #tpu.memory_space<vmem>> -> memref<16x128xf32, #tpu.memory_space<vmem>>
    %dma_wait3A_311 = arith.constant 1024 : i32
    %dma_wait3A_312 = tpu.memref_slice %arg2[%mul3A_2, %dma_wait3A_311] : memref<1024x65536xf32, #tpu.memory_space<hbm>> -> memref<16x128xf32, #tpu.memory_space<hbm>>
    tpu.wait_dma2 semaphore(%arg8 : memref<!tpu.dma_semaphore, #tpu.memory_space<semaphore_mem>>) src(%dma_wait3A_312 : memref<16x128xf32, #tpu.memory_space<hbm>>) dst(%dma_wait3A_310 : memref<16x128xf32, #tpu.memory_space<vmem>>)
    %dma_wait3A_313 = arith.constant 7 : i32
    %dma_wait3A_314 = arith.constant 0 : i32
    %dma_wait3A_315 = arith.constant 0 : i32
    %dma_wait3A_316 = tpu.memref_slice %arg6[%dma_wait3A_313, %dma_wait3A_314, %dma_wait3A_315] : memref<17x16x128xf32, #tpu.memory_space<vmem>> -> memref<1x16x128xf32, #tpu.memory_space<vmem>>
    %dma_wait3A_317 = tpu.memref_squeeze %dma_wait3A_316 : memref<1x16x128xf32, #tpu.memory_space<vmem>> -> memref<16x128xf32, #tpu.memory_space<vmem>>
    %dma_wait3A_318 = arith.constant 1920 : i32
    %dma_wait3A_319 = tpu.memref_slice %arg2[%mul3A_2, %dma_wait3A_318] : memref<1024x65536xf32, #tpu.memory_space<hbm>> -> memref<16x128xf32, #tpu.memory_space<hbm>>
    %dma_wait3A_320 = arith.constant 0 : i32
    %dma_wait3A_321 = arith.constant 0 : i32
    %dma_wait3A_322 = tpu.memref_slice %arg6[%dma_wait3A_313, %dma_wait3A_320, %dma_wait3A_321] : memref<17x16x128xf32, #tpu.memory_space<vmem>> -> memref<1x16x128xf32, #tpu.memory_space<vmem>>
    %dma_wait3A_323 = tpu.memref_squeeze %dma_wait3A_322 : memref<1x16x128xf32, #tpu.memory_space<vmem>> -> memref<16x128xf32, #tpu.memory_space<vmem>>
    %dma_wait3A_324 = arith.constant 1920 : i32
    %dma_wait3A_325 = tpu.memref_slice %arg2[%mul3A_2, %dma_wait3A_324] : memref<1024x65536xf32, #tpu.memory_space<hbm>> -> memref<16x128xf32, #tpu.memory_space<hbm>>
    tpu.wait_dma2 semaphore(%arg8 : memref<!tpu.dma_semaphore, #tpu.memory_space<semaphore_mem>>) src(%dma_wait3A_325 : memref<16x128xf32, #tpu.memory_space<hbm>>) dst(%dma_wait3A_323 : memref<16x128xf32, #tpu.memory_space<vmem>>)
    %dma_wait3A_326 = arith.constant 8 : i32
    %dma_wait3A_327 = arith.constant 0 : i32
    %dma_wait3A_328 = arith.constant 0 : i32
    %dma_wait3A_329 = tpu.memref_slice %arg6[%dma_wait3A_326, %dma_wait3A_327, %dma_wait3A_328] : memref<17x16x128xf32, #tpu.memory_space<vmem>> -> memref<1x16x128xf32, #tpu.memory_space<vmem>>
    %dma_wait3A_330 = tpu.memref_squeeze %dma_wait3A_329 : memref<1x16x128xf32, #tpu.memory_space<vmem>> -> memref<16x128xf32, #tpu.memory_space<vmem>>
    %dma_wait3A_331 = arith.constant 2048 : i32
    %dma_wait3A_332 = tpu.memref_slice %arg2[%mul3A_2, %dma_wait3A_331] : memref<1024x65536xf32, #tpu.memory_space<hbm>> -> memref<16x128xf32, #tpu.memory_space<hbm>>
    %dma_wait3A_333 = arith.constant 0 : i32
    %dma_wait3A_334 = arith.constant 0 : i32
    %dma_wait3A_335 = tpu.memref_slice %arg6[%dma_wait3A_326, %dma_wait3A_333, %dma_wait3A_334] : memref<17x16x128xf32, #tpu.memory_space<vmem>> -> memref<1x16x128xf32, #tpu.memory_space<vmem>>
    %dma_wait3A_336 = tpu.memref_squeeze %dma_wait3A_335 : memref<1x16x128xf32, #tpu.memory_space<vmem>> -> memref<16x128xf32, #tpu.memory_space<vmem>>
    %dma_wait3A_337 = arith.constant 2048 : i32
    %dma_wait3A_338 = tpu.memref_slice %arg2[%mul3A_2, %dma_wait3A_337] : memref<1024x65536xf32, #tpu.memory_space<hbm>> -> memref<16x128xf32, #tpu.memory_space<hbm>>
    tpu.wait_dma2 semaphore(%arg8 : memref<!tpu.dma_semaphore, #tpu.memory_space<semaphore_mem>>) src(%dma_wait3A_338 : memref<16x128xf32, #tpu.memory_space<hbm>>) dst(%dma_wait3A_336 : memref<16x128xf32, #tpu.memory_space<vmem>>)
    %dma_wait3A_339 = arith.constant 9 : i32
    %dma_wait3A_340 = arith.constant 0 : i32
    %dma_wait3A_341 = arith.constant 0 : i32
    %dma_wait3A_342 = tpu.memref_slice %arg6[%dma_wait3A_339, %dma_wait3A_340, %dma_wait3A_341] : memref<17x16x128xf32, #tpu.memory_space<vmem>> -> memref<1x16x128xf32, #tpu.memory_space<vmem>>
    %dma_wait3A_343 = tpu.memref_squeeze %dma_wait3A_342 : memref<1x16x128xf32, #tpu.memory_space<vmem>> -> memref<16x128xf32, #tpu.memory_space<vmem>>
    %dma_wait3A_344 = arith.constant 3968 : i32
    %dma_wait3A_345 = tpu.memref_slice %arg2[%mul3A_2, %dma_wait3A_344] : memref<1024x65536xf32, #tpu.memory_space<hbm>> -> memref<16x128xf32, #tpu.memory_space<hbm>>
    %dma_wait3A_346 = arith.constant 0 : i32
    %dma_wait3A_347 = arith.constant 0 : i32
    %dma_wait3A_348 = tpu.memref_slice %arg6[%dma_wait3A_339, %dma_wait3A_346, %dma_wait3A_347] : memref<17x16x128xf32, #tpu.memory_space<vmem>> -> memref<1x16x128xf32, #tpu.memory_space<vmem>>
    %dma_wait3A_349 = tpu.memref_squeeze %dma_wait3A_348 : memref<1x16x128xf32, #tpu.memory_space<vmem>> -> memref<16x128xf32, #tpu.memory_space<vmem>>
    %dma_wait3A_350 = arith.constant 3968 : i32
    %dma_wait3A_351 = tpu.memref_slice %arg2[%mul3A_2, %dma_wait3A_350] : memref<1024x65536xf32, #tpu.memory_space<hbm>> -> memref<16x128xf32, #tpu.memory_space<hbm>>
    tpu.wait_dma2 semaphore(%arg8 : memref<!tpu.dma_semaphore, #tpu.memory_space<semaphore_mem>>) src(%dma_wait3A_351 : memref<16x128xf32, #tpu.memory_space<hbm>>) dst(%dma_wait3A_349 : memref<16x128xf32, #tpu.memory_space<vmem>>)
    %dma_wait3A_352 = arith.constant 10 : i32
    %dma_wait3A_353 = arith.constant 0 : i32
    %dma_wait3A_354 = arith.constant 0 : i32
    %dma_wait3A_355 = tpu.memref_slice %arg6[%dma_wait3A_352, %dma_wait3A_353, %dma_wait3A_354] : memref<17x16x128xf32, #tpu.memory_space<vmem>> -> memref<1x16x128xf32, #tpu.memory_space<vmem>>
    %dma_wait3A_356 = tpu.memref_squeeze %dma_wait3A_355 : memref<1x16x128xf32, #tpu.memory_space<vmem>> -> memref<16x128xf32, #tpu.memory_space<vmem>>
    %dma_wait3A_357 = arith.constant 4096 : i32
    %dma_wait3A_358 = tpu.memref_slice %arg2[%mul3A_2, %dma_wait3A_357] : memref<1024x65536xf32, #tpu.memory_space<hbm>> -> memref<16x128xf32, #tpu.memory_space<hbm>>
    %dma_wait3A_359 = arith.constant 0 : i32
    %dma_wait3A_360 = arith.constant 0 : i32
    %dma_wait3A_361 = tpu.memref_slice %arg6[%dma_wait3A_352, %dma_wait3A_359, %dma_wait3A_360] : memref<17x16x128xf32, #tpu.memory_space<vmem>> -> memref<1x16x128xf32, #tpu.memory_space<vmem>>
    %dma_wait3A_362 = tpu.memref_squeeze %dma_wait3A_361 : memref<1x16x128xf32, #tpu.memory_space<vmem>> -> memref<16x128xf32, #tpu.memory_space<vmem>>
    %dma_wait3A_363 = arith.constant 4096 : i32
    %dma_wait3A_364 = tpu.memref_slice %arg2[%mul3A_2, %dma_wait3A_363] : memref<1024x65536xf32, #tpu.memory_space<hbm>> -> memref<16x128xf32, #tpu.memory_space<hbm>>
    tpu.wait_dma2 semaphore(%arg8 : memref<!tpu.dma_semaphore, #tpu.memory_space<semaphore_mem>>) src(%dma_wait3A_364 : memref<16x128xf32, #tpu.memory_space<hbm>>) dst(%dma_wait3A_362 : memref<16x128xf32, #tpu.memory_space<vmem>>)
    %dma_wait3A_365 = arith.constant 11 : i32
    %dma_wait3A_366 = arith.constant 0 : i32
    %dma_wait3A_367 = arith.constant 0 : i32
    %dma_wait3A_368 = tpu.memref_slice %arg6[%dma_wait3A_365, %dma_wait3A_366, %dma_wait3A_367] : memref<17x16x128xf32, #tpu.memory_space<vmem>> -> memref<1x16x128xf32, #tpu.memory_space<vmem>>
    %dma_wait3A_369 = tpu.memref_squeeze %dma_wait3A_368 : memref<1x16x128xf32, #tpu.memory_space<vmem>> -> memref<16x128xf32, #tpu.memory_space<vmem>>
    %dma_wait3A_370 = arith.constant 8064 : i32
    %dma_wait3A_371 = tpu.memref_slice %arg2[%mul3A_2, %dma_wait3A_370] : memref<1024x65536xf32, #tpu.memory_space<hbm>> -> memref<16x128xf32, #tpu.memory_space<hbm>>
    %dma_wait3A_372 = arith.constant 0 : i32
    %dma_wait3A_373 = arith.constant 0 : i32
    %dma_wait3A_374 = tpu.memref_slice %arg6[%dma_wait3A_365, %dma_wait3A_372, %dma_wait3A_373] : memref<17x16x128xf32, #tpu.memory_space<vmem>> -> memref<1x16x128xf32, #tpu.memory_space<vmem>>
    %dma_wait3A_375 = tpu.memref_squeeze %dma_wait3A_374 : memref<1x16x128xf32, #tpu.memory_space<vmem>> -> memref<16x128xf32, #tpu.memory_space<vmem>>
    %dma_wait3A_376 = arith.constant 8064 : i32
    %dma_wait3A_377 = tpu.memref_slice %arg2[%mul3A_2, %dma_wait3A_376] : memref<1024x65536xf32, #tpu.memory_space<hbm>> -> memref<16x128xf32, #tpu.memory_space<hbm>>
    tpu.wait_dma2 semaphore(%arg8 : memref<!tpu.dma_semaphore, #tpu.memory_space<semaphore_mem>>) src(%dma_wait3A_377 : memref<16x128xf32, #tpu.memory_space<hbm>>) dst(%dma_wait3A_375 : memref<16x128xf32, #tpu.memory_space<vmem>>)
    %dma_wait3A_378 = arith.constant 12 : i32
    %dma_wait3A_379 = arith.constant 0 : i32
    %dma_wait3A_380 = arith.constant 0 : i32
    %dma_wait3A_381 = tpu.memref_slice %arg6[%dma_wait3A_378, %dma_wait3A_379, %dma_wait3A_380] : memref<17x16x128xf32, #tpu.memory_space<vmem>> -> memref<1x16x128xf32, #tpu.memory_space<vmem>>
    %dma_wait3A_382 = tpu.memref_squeeze %dma_wait3A_381 : memref<1x16x128xf32, #tpu.memory_space<vmem>> -> memref<16x128xf32, #tpu.memory_space<vmem>>
    %dma_wait3A_383 = arith.constant 8192 : i32
    %dma_wait3A_384 = tpu.memref_slice %arg2[%mul3A_2, %dma_wait3A_383] : memref<1024x65536xf32, #tpu.memory_space<hbm>> -> memref<16x128xf32, #tpu.memory_space<hbm>>
    %dma_wait3A_385 = arith.constant 0 : i32
    %dma_wait3A_386 = arith.constant 0 : i32
    %dma_wait3A_387 = tpu.memref_slice %arg6[%dma_wait3A_378, %dma_wait3A_385, %dma_wait3A_386] : memref<17x16x128xf32, #tpu.memory_space<vmem>> -> memref<1x16x128xf32, #tpu.memory_space<vmem>>
    %dma_wait3A_388 = tpu.memref_squeeze %dma_wait3A_387 : memref<1x16x128xf32, #tpu.memory_space<vmem>> -> memref<16x128xf32, #tpu.memory_space<vmem>>
    %dma_wait3A_389 = arith.constant 8192 : i32
    %dma_wait3A_390 = tpu.memref_slice %arg2[%mul3A_2, %dma_wait3A_389] : memref<1024x65536xf32, #tpu.memory_space<hbm>> -> memref<16x128xf32, #tpu.memory_space<hbm>>
    tpu.wait_dma2 semaphore(%arg8 : memref<!tpu.dma_semaphore, #tpu.memory_space<semaphore_mem>>) src(%dma_wait3A_390 : memref<16x128xf32, #tpu.memory_space<hbm>>) dst(%dma_wait3A_388 : memref<16x128xf32, #tpu.memory_space<vmem>>)
    %dma_wait3A_391 = arith.constant 13 : i32
    %dma_wait3A_392 = arith.constant 0 : i32
    %dma_wait3A_393 = arith.constant 0 : i32
    %dma_wait3A_394 = tpu.memref_slice %arg6[%dma_wait3A_391, %dma_wait3A_392, %dma_wait3A_393] : memref<17x16x128xf32, #tpu.memory_space<vmem>> -> memref<1x16x128xf32, #tpu.memory_space<vmem>>
    %dma_wait3A_395 = tpu.memref_squeeze %dma_wait3A_394 : memref<1x16x128xf32, #tpu.memory_space<vmem>> -> memref<16x128xf32, #tpu.memory_space<vmem>>
    %dma_wait3A_396 = arith.constant 16256 : i32
    %dma_wait3A_397 = tpu.memref_slice %arg2[%mul3A_2, %dma_wait3A_396] : memref<1024x65536xf32, #tpu.memory_space<hbm>> -> memref<16x128xf32, #tpu.memory_space<hbm>>
    %dma_wait3A_398 = arith.constant 0 : i32
    %dma_wait3A_399 = arith.constant 0 : i32
    %dma_wait3A_400 = tpu.memref_slice %arg6[%dma_wait3A_391, %dma_wait3A_398, %dma_wait3A_399] : memref<17x16x128xf32, #tpu.memory_space<vmem>> -> memref<1x16x128xf32, #tpu.memory_space<vmem>>
    %dma_wait3A_401 = tpu.memref_squeeze %dma_wait3A_400 : memref<1x16x128xf32, #tpu.memory_space<vmem>> -> memref<16x128xf32, #tpu.memory_space<vmem>>
    %dma_wait3A_402 = arith.constant 16256 : i32
    %dma_wait3A_403 = tpu.memref_slice %arg2[%mul3A_2, %dma_wait3A_402] : memref<1024x65536xf32, #tpu.memory_space<hbm>> -> memref<16x128xf32, #tpu.memory_space<hbm>>
    tpu.wait_dma2 semaphore(%arg8 : memref<!tpu.dma_semaphore, #tpu.memory_space<semaphore_mem>>) src(%dma_wait3A_403 : memref<16x128xf32, #tpu.memory_space<hbm>>) dst(%dma_wait3A_401 : memref<16x128xf32, #tpu.memory_space<vmem>>)
    %dma_wait3A_404 = arith.constant 14 : i32
    %dma_wait3A_405 = arith.constant 0 : i32
    %dma_wait3A_406 = arith.constant 0 : i32
    %dma_wait3A_407 = tpu.memref_slice %arg6[%dma_wait3A_404, %dma_wait3A_405, %dma_wait3A_406] : memref<17x16x128xf32, #tpu.memory_space<vmem>> -> memref<1x16x128xf32, #tpu.memory_space<vmem>>
    %dma_wait3A_408 = tpu.memref_squeeze %dma_wait3A_407 : memref<1x16x128xf32, #tpu.memory_space<vmem>> -> memref<16x128xf32, #tpu.memory_space<vmem>>
    %dma_wait3A_409 = arith.constant 16384 : i32
    %dma_wait3A_410 = tpu.memref_slice %arg2[%mul3A_2, %dma_wait3A_409] : memref<1024x65536xf32, #tpu.memory_space<hbm>> -> memref<16x128xf32, #tpu.memory_space<hbm>>
    %dma_wait3A_411 = arith.constant 0 : i32
    %dma_wait3A_412 = arith.constant 0 : i32
    %dma_wait3A_413 = tpu.memref_slice %arg6[%dma_wait3A_404, %dma_wait3A_411, %dma_wait3A_412] : memref<17x16x128xf32, #tpu.memory_space<vmem>> -> memref<1x16x128xf32, #tpu.memory_space<vmem>>
    %dma_wait3A_414 = tpu.memref_squeeze %dma_wait3A_413 : memref<1x16x128xf32, #tpu.memory_space<vmem>> -> memref<16x128xf32, #tpu.memory_space<vmem>>
    %dma_wait3A_415 = arith.constant 16384 : i32
    %dma_wait3A_416 = tpu.memref_slice %arg2[%mul3A_2, %dma_wait3A_415] : memref<1024x65536xf32, #tpu.memory_space<hbm>> -> memref<16x128xf32, #tpu.memory_space<hbm>>
    tpu.wait_dma2 semaphore(%arg8 : memref<!tpu.dma_semaphore, #tpu.memory_space<semaphore_mem>>) src(%dma_wait3A_416 : memref<16x128xf32, #tpu.memory_space<hbm>>) dst(%dma_wait3A_414 : memref<16x128xf32, #tpu.memory_space<vmem>>)
    %dma_wait3A_417 = arith.constant 15 : i32
    %dma_wait3A_418 = arith.constant 0 : i32
    %dma_wait3A_419 = arith.constant 0 : i32
    %dma_wait3A_420 = tpu.memref_slice %arg6[%dma_wait3A_417, %dma_wait3A_418, %dma_wait3A_419] : memref<17x16x128xf32, #tpu.memory_space<vmem>> -> memref<1x16x128xf32, #tpu.memory_space<vmem>>
    %dma_wait3A_421 = tpu.memref_squeeze %dma_wait3A_420 : memref<1x16x128xf32, #tpu.memory_space<vmem>> -> memref<16x128xf32, #tpu.memory_space<vmem>>
    %dma_wait3A_422 = arith.constant 32640 : i32
    %dma_wait3A_423 = tpu.memref_slice %arg2[%mul3A_2, %dma_wait3A_422] : memref<1024x65536xf32, #tpu.memory_space<hbm>> -> memref<16x128xf32, #tpu.memory_space<hbm>>
    %dma_wait3A_424 = arith.constant 0 : i32
    %dma_wait3A_425 = arith.constant 0 : i32
    %dma_wait3A_426 = tpu.memref_slice %arg6[%dma_wait3A_417, %dma_wait3A_424, %dma_wait3A_425] : memref<17x16x128xf32, #tpu.memory_space<vmem>> -> memref<1x16x128xf32, #tpu.memory_space<vmem>>
    %dma_wait3A_427 = tpu.memref_squeeze %dma_wait3A_426 : memref<1x16x128xf32, #tpu.memory_space<vmem>> -> memref<16x128xf32, #tpu.memory_space<vmem>>
    %dma_wait3A_428 = arith.constant 32640 : i32
    %dma_wait3A_429 = tpu.memref_slice %arg2[%mul3A_2, %dma_wait3A_428] : memref<1024x65536xf32, #tpu.memory_space<hbm>> -> memref<16x128xf32, #tpu.memory_space<hbm>>
    tpu.wait_dma2 semaphore(%arg8 : memref<!tpu.dma_semaphore, #tpu.memory_space<semaphore_mem>>) src(%dma_wait3A_429 : memref<16x128xf32, #tpu.memory_space<hbm>>) dst(%dma_wait3A_427 : memref<16x128xf32, #tpu.memory_space<vmem>>)
    %dma_wait3A_430 = arith.constant 16 : i32
    %dma_wait3A_431 = arith.constant 0 : i32
    %dma_wait3A_432 = arith.constant 0 : i32
    %dma_wait3A_433 = tpu.memref_slice %arg6[%dma_wait3A_430, %dma_wait3A_431, %dma_wait3A_432] : memref<17x16x128xf32, #tpu.memory_space<vmem>> -> memref<1x16x128xf32, #tpu.memory_space<vmem>>
    %dma_wait3A_434 = tpu.memref_squeeze %dma_wait3A_433 : memref<1x16x128xf32, #tpu.memory_space<vmem>> -> memref<16x128xf32, #tpu.memory_space<vmem>>
    %dma_wait3A_435 = arith.constant 32768 : i32
    %dma_wait3A_436 = tpu.memref_slice %arg2[%mul3A_2, %dma_wait3A_435] : memref<1024x65536xf32, #tpu.memory_space<hbm>> -> memref<16x128xf32, #tpu.memory_space<hbm>>
    %dma_wait3A_437 = arith.constant 0 : i32
    %dma_wait3A_438 = arith.constant 0 : i32
    %dma_wait3A_439 = tpu.memref_slice %arg6[%dma_wait3A_430, %dma_wait3A_437, %dma_wait3A_438] : memref<17x16x128xf32, #tpu.memory_space<vmem>> -> memref<1x16x128xf32, #tpu.memory_space<vmem>>
    %dma_wait3A_440 = tpu.memref_squeeze %dma_wait3A_439 : memref<1x16x128xf32, #tpu.memory_space<vmem>> -> memref<16x128xf32, #tpu.memory_space<vmem>>
    %dma_wait3A_441 = arith.constant 32768 : i32
    %dma_wait3A_442 = tpu.memref_slice %arg2[%mul3A_2, %dma_wait3A_441] : memref<1024x65536xf32, #tpu.memory_space<hbm>> -> memref<16x128xf32, #tpu.memory_space<hbm>>
    tpu.wait_dma2 semaphore(%arg8 : memref<!tpu.dma_semaphore, #tpu.memory_space<semaphore_mem>>) src(%dma_wait3A_442 : memref<16x128xf32, #tpu.memory_space<hbm>>) dst(%dma_wait3A_440 : memref<16x128xf32, #tpu.memory_space<vmem>>)
    %get3A = arith.constant 0 : index
    %get3A_443 = tpu.vector_load %arg5[%get3A] {strides = array<i32>} : memref<16xi32, #tpu.memory_space<vmem>>, vector<16xi32>,
    %broadcast_in_dim3A = arith.constant 1.000000e+00 : f32
    %broadcast_in_dim3A_444 = vector.broadcast %broadcast_in_dim3A : f32 to vector<16xf32>
    %broadcast_in_dim3A_445 = arith.constant 1.000000e+00 : f32
    %broadcast_in_dim3A_446 = vector.broadcast %broadcast_in_dim3A_445 : f32 to vector<16xf32>
    %broadcast_in_dim3A_447 = arith.constant 0 : i32
    %broadcast_in_dim3A_448 = vector.broadcast %broadcast_in_dim3A_447 : i32 to vector<16xi32>
    %shift_right_arithmetic3A = arith.constant 15 : i32
    %shift_right_arithmetic3A_449 = vector.broadcast %shift_right_arithmetic3A : i32 to vector<16xi32>
    %shift_right_arithmetic3A_450 = arith.shrsi %get3A_443, %shift_right_arithmetic3A_449 : vector<16xi32>
    %and3A = arith.constant 1 : i32
    %and3A_451 = vector.broadcast %and3A : i32 to vector<16xi32>
    %and3A_452 = arith.andi %shift_right_arithmetic3A_450, %and3A_451 : vector<16xi32>
    %add3A_453 = arith.constant 0 : i32
    %add3A_454 = vector.broadcast %add3A_453 : i32 to vector<16xi32>
    %add3A_455 = arith.addi %add3A_454, %broadcast_in_dim3A_448 : vector<16xi32>
    %shift_right_arithmetic3A_456 = arith.constant 7 : i32
    %shift_right_arithmetic3A_457 = vector.broadcast %shift_right_arithmetic3A_456 : i32 to vector<16xi32>
    %shift_right_arithmetic3A_458 = arith.shrsi %add3A_455, %shift_right_arithmetic3A_457 : vector<16xi32>
    %sub3A = arith.constant 0 : i32
    %sub3A_459 = vector.broadcast %sub3A : i32 to vector<16xi32>
    %sub3A_460 = arith.subi %shift_right_arithmetic3A_458, %sub3A_459 : vector<16xi32>
    %add3A_461 = arith.constant 0 : i32
    %add3A_462 = vector.broadcast %add3A_461 : i32 to vector<16xi32>
    %add3A_463 = arith.addi %add3A_462, %sub3A_460 : vector<16xi32>
    %and3A_464 = arith.constant 127 : i32
    %and3A_465 = vector.broadcast %and3A_464 : i32 to vector<16xi32>
    %and3A_466 = arith.andi %add3A_455, %and3A_465 : vector<16xi32>
    %gather3A = tpu.vector_load_idx %arg6[%add3A_463, %iota3A, %and3A_466] : memref<17x16x128xf32, #tpu.memory_space<vmem>>[vector<16xi32>, vector<16xi32>, vector<16xi32>], vector<16xf32>,
    %eq3A = arith.constant 1 : i32
    %eq3A_467 = vector.broadcast %eq3A : i32 to vector<16xi32>
    %eq3A_468 = arith.cmpi eq, %and3A_452, %eq3A_467 : vector<16xi32>
    %neg3A = arith.constant 0.000000e+00 : f32
    %neg3A_469 = vector.broadcast %neg3A : f32 to vector<16xf32>
    %neg3A_470 = arith.subf %neg3A_469, %gather3A : vector<16xf32>
    %select_n3A = arith.select %eq3A_468, %neg3A_470, %gather3A : vector<16xi1>, vector<16xf32>
    %abs3A = math.absf %select_n3A : vector<16xf32>
    %neg3A_471 = arith.constant 0.000000e+00 : f32
    %neg3A_472 = vector.broadcast %neg3A_471 : f32 to vector<16xf32>
    %neg3A_473 = arith.subf %neg3A_472, %abs3A : vector<16xf32>
    %exp3A = math.exp %neg3A_473 : vector<16xf32>
    %ge3A = arith.constant 0.000000e+00 : f32
    %ge3A_474 = vector.broadcast %ge3A : f32 to vector<16xf32>
    %ge3A_475 = arith.cmpf oge, %select_n3A, %ge3A_474 : vector<16xf32>
    %jit3A = arith.constant 1.000000e+00 : f32
    %broadcast_in_dim3A_476 = vector.broadcast %jit3A : f32 to vector<16xf32>
    %select_n3A_477 = arith.select %ge3A_475, %broadcast_in_dim3A_476, %exp3A : vector<16xi1>, vector<16xf32>
    %mul3A_478 = arith.mulf %broadcast_in_dim3A_444, %select_n3A_477 : vector<16xf32>
    %add3A_479 = arith.constant 1.000000e+00 : f32
    %add3A_480 = vector.broadcast %add3A_479 : f32 to vector<16xf32>
    %add3A_481 = arith.addf %add3A_480, %exp3A : vector<16xf32>
    %mul3A_482 = arith.mulf %broadcast_in_dim3A_446, %add3A_481 : vector<16xf32>
    %add3A_483 = arith.addi %broadcast_in_dim3A_448, %and3A_452 : vector<16xi32>
    %shift_right_arithmetic3A_484 = arith.constant 14 : i32
    %shift_right_arithmetic3A_485 = vector.broadcast %shift_right_arithmetic3A_484 : i32 to vector<16xi32>
    %shift_right_arithmetic3A_486 = arith.shrsi %get3A_443, %shift_right_arithmetic3A_485 : vector<16xi32>
    %and3A_487 = arith.constant 1 : i32
    %and3A_488 = vector.broadcast %and3A_487 : i32 to vector<16xi32>
    %and3A_489 = arith.andi %shift_right_arithmetic3A_486, %and3A_488 : vector<16xi32>
    %add3A_490 = arith.constant 1 : i32
    %add3A_491 = vector.broadcast %add3A_490 : i32 to vector<16xi32>
    %add3A_492 = arith.addi %add3A_491, %add3A_483 : vector<16xi32>
    %shift_right_arithmetic3A_493 = arith.constant 7 : i32
    %shift_right_arithmetic3A_494 = vector.broadcast %shift_right_arithmetic3A_493 : i32 to vector<16xi32>
    %shift_right_arithmetic3A_495 = arith.shrsi %add3A_492, %shift_right_arithmetic3A_494 : vector<16xi32>
    %sub3A_496 = arith.constant 0 : i32
    %sub3A_497 = vector.broadcast %sub3A_496 : i32 to vector<16xi32>
    %sub3A_498 = arith.subi %shift_right_arithmetic3A_495, %sub3A_497 : vector<16xi32>
    %add3A_499 = arith.constant 0 : i32
    %add3A_500 = vector.broadcast %add3A_499 : i32 to vector<16xi32>
    %add3A_501 = arith.addi %add3A_500, %sub3A_498 : vector<16xi32>
    %and3A_502 = arith.constant 127 : i32
    %and3A_503 = vector.broadcast %and3A_502 : i32 to vector<16xi32>
    %and3A_504 = arith.andi %add3A_492, %and3A_503 : vector<16xi32>
    %gather3A_505 = tpu.vector_load_idx %arg6[%add3A_501, %iota3A, %and3A_504] : memref<17x16x128xf32, #tpu.memory_space<vmem>>[vector<16xi32>, vector<16xi32>, vector<16xi32>], vector<16xf32>,
    %eq3A_506 = arith.constant 1 : i32
    %eq3A_507 = vector.broadcast %eq3A_506 : i32 to vector<16xi32>
    %eq3A_508 = arith.cmpi eq, %and3A_489, %eq3A_507 : vector<16xi32>
    %neg3A_509 = arith.constant 0.000000e+00 : f32
    %neg3A_510 = vector.broadcast %neg3A_509 : f32 to vector<16xf32>
    %neg3A_511 = arith.subf %neg3A_510, %gather3A_505 : vector<16xf32>
    %select_n3A_512 = arith.select %eq3A_508, %neg3A_511, %gather3A_505 : vector<16xi1>, vector<16xf32>
    %abs3A_513 = math.absf %select_n3A_512 : vector<16xf32>
    %neg3A_514 = arith.constant 0.000000e+00 : f32
    %neg3A_515 = vector.broadcast %neg3A_514 : f32 to vector<16xf32>
    %neg3A_516 = arith.subf %neg3A_515, %abs3A_513 : vector<16xf32>
    %exp3A_517 = math.exp %neg3A_516 : vector<16xf32>
    %ge3A_518 = arith.constant 0.000000e+00 : f32
    %ge3A_519 = vector.broadcast %ge3A_518 : f32 to vector<16xf32>
    %ge3A_520 = arith.cmpf oge, %select_n3A_512, %ge3A_519 : vector<16xf32>
    %jit3A_521 = arith.constant 1.000000e+00 : f32
    %broadcast_in_dim3A_522 = vector.broadcast %jit3A_521 : f32 to vector<16xf32>
    %select_n3A_523 = arith.select %ge3A_520, %broadcast_in_dim3A_522, %exp3A_517 : vector<16xi1>, vector<16xf32>
    %mul3A_524 = arith.mulf %mul3A_478, %select_n3A_523 : vector<16xf32>
    %add3A_525 = arith.constant 1.000000e+00 : f32
    %add3A_526 = vector.broadcast %add3A_525 : f32 to vector<16xf32>
    %add3A_527 = arith.addf %add3A_526, %exp3A_517 : vector<16xf32>
    %mul3A_528 = arith.mulf %mul3A_482, %add3A_527 : vector<16xf32>
    %add3A_529 = arith.addi %add3A_483, %and3A_489 : vector<16xi32>
    %shift_right_arithmetic3A_530 = arith.constant 13 : i32
    %shift_right_arithmetic3A_531 = vector.broadcast %shift_right_arithmetic3A_530 : i32 to vector<16xi32>
    %shift_right_arithmetic3A_532 = arith.shrsi %get3A_443, %shift_right_arithmetic3A_531 : vector<16xi32>
    %and3A_533 = arith.constant 1 : i32
    %and3A_534 = vector.broadcast %and3A_533 : i32 to vector<16xi32>
    %and3A_535 = arith.andi %shift_right_arithmetic3A_532, %and3A_534 : vector<16xi32>
    %add3A_536 = arith.constant 3 : i32
    %add3A_537 = vector.broadcast %add3A_536 : i32 to vector<16xi32>
    %add3A_538 = arith.addi %add3A_537, %add3A_529 : vector<16xi32>
    %shift_right_arithmetic3A_539 = arith.constant 7 : i32
    %shift_right_arithmetic3A_540 = vector.broadcast %shift_right_arithmetic3A_539 : i32 to vector<16xi32>
    %shift_right_arithmetic3A_541 = arith.shrsi %add3A_538, %shift_right_arithmetic3A_540 : vector<16xi32>
    %sub3A_542 = arith.constant 0 : i32
    %sub3A_543 = vector.broadcast %sub3A_542 : i32 to vector<16xi32>
    %sub3A_544 = arith.subi %shift_right_arithmetic3A_541, %sub3A_543 : vector<16xi32>
    %add3A_545 = arith.constant 0 : i32
    %add3A_546 = vector.broadcast %add3A_545 : i32 to vector<16xi32>
    %add3A_547 = arith.addi %add3A_546, %sub3A_544 : vector<16xi32>
    %and3A_548 = arith.constant 127 : i32
    %and3A_549 = vector.broadcast %and3A_548 : i32 to vector<16xi32>
    %and3A_550 = arith.andi %add3A_538, %and3A_549 : vector<16xi32>
    %gather3A_551 = tpu.vector_load_idx %arg6[%add3A_547, %iota3A, %and3A_550] : memref<17x16x128xf32, #tpu.memory_space<vmem>>[vector<16xi32>, vector<16xi32>, vector<16xi32>], vector<16xf32>,
    %eq3A_552 = arith.constant 1 : i32
    %eq3A_553 = vector.broadcast %eq3A_552 : i32 to vector<16xi32>
    %eq3A_554 = arith.cmpi eq, %and3A_535, %eq3A_553 : vector<16xi32>
    %neg3A_555 = arith.constant 0.000000e+00 : f32
    %neg3A_556 = vector.broadcast %neg3A_555 : f32 to vector<16xf32>
    %neg3A_557 = arith.subf %neg3A_556, %gather3A_551 : vector<16xf32>
    %select_n3A_558 = arith.select %eq3A_554, %neg3A_557, %gather3A_551 : vector<16xi1>, vector<16xf32>
    %abs3A_559 = math.absf %select_n3A_558 : vector<16xf32>
    %neg3A_560 = arith.constant 0.000000e+00 : f32
    %neg3A_561 = vector.broadcast %neg3A_560 : f32 to vector<16xf32>
    %neg3A_562 = arith.subf %neg3A_561, %abs3A_559 : vector<16xf32>
    %exp3A_563 = math.exp %neg3A_562 : vector<16xf32>
    %ge3A_564 = arith.constant 0.000000e+00 : f32
    %ge3A_565 = vector.broadcast %ge3A_564 : f32 to vector<16xf32>
    %ge3A_566 = arith.cmpf oge, %select_n3A_558, %ge3A_565 : vector<16xf32>
    %jit3A_567 = arith.constant 1.000000e+00 : f32
    %broadcast_in_dim3A_568 = vector.broadcast %jit3A_567 : f32 to vector<16xf32>
    %select_n3A_569 = arith.select %ge3A_566, %broadcast_in_dim3A_568, %exp3A_563 : vector<16xi1>, vector<16xf32>
    %mul3A_570 = arith.mulf %mul3A_524, %select_n3A_569 : vector<16xf32>
    %add3A_571 = arith.constant 1.000000e+00 : f32
    %add3A_572 = vector.broadcast %add3A_571 : f32 to vector<16xf32>
    %add3A_573 = arith.addf %add3A_572, %exp3A_563 : vector<16xf32>
    %mul3A_574 = arith.mulf %mul3A_528, %add3A_573 : vector<16xf32>
    %add3A_575 = arith.addi %add3A_529, %and3A_535 : vector<16xi32>
    %shift_right_arithmetic3A_576 = arith.constant 12 : i32
    %shift_right_arithmetic3A_577 = vector.broadcast %shift_right_arithmetic3A_576 : i32 to vector<16xi32>
    %shift_right_arithmetic3A_578 = arith.shrsi %get3A_443, %shift_right_arithmetic3A_577 : vector<16xi32>
    %and3A_579 = arith.constant 1 : i32
    %and3A_580 = vector.broadcast %and3A_579 : i32 to vector<16xi32>
    %and3A_581 = arith.andi %shift_right_arithmetic3A_578, %and3A_580 : vector<16xi32>
    %add3A_582 = arith.constant 7 : i32
    %add3A_583 = vector.broadcast %add3A_582 : i32 to vector<16xi32>
    %add3A_584 = arith.addi %add3A_583, %add3A_575 : vector<16xi32>
    %shift_right_arithmetic3A_585 = arith.constant 7 : i32
    %shift_right_arithmetic3A_586 = vector.broadcast %shift_right_arithmetic3A_585 : i32 to vector<16xi32>
    %shift_right_arithmetic3A_587 = arith.shrsi %add3A_584, %shift_right_arithmetic3A_586 : vector<16xi32>
    %sub3A_588 = arith.constant 0 : i32
    %sub3A_589 = vector.broadcast %sub3A_588 : i32 to vector<16xi32>
    %sub3A_590 = arith.subi %shift_right_arithmetic3A_587, %sub3A_589 : vector<16xi32>
    %add3A_591 = arith.constant 0 : i32
    %add3A_592 = vector.broadcast %add3A_591 : i32 to vector<16xi32>
    %add3A_593 = arith.addi %add3A_592, %sub3A_590 : vector<16xi32>
    %and3A_594 = arith.constant 127 : i32
    %and3A_595 = vector.broadcast %and3A_594 : i32 to vector<16xi32>
    %and3A_596 = arith.andi %add3A_584, %and3A_595 : vector<16xi32>
    %gather3A_597 = tpu.vector_load_idx %arg6[%add3A_593, %iota3A, %and3A_596] : memref<17x16x128xf32, #tpu.memory_space<vmem>>[vector<16xi32>, vector<16xi32>, vector<16xi32>], vector<16xf32>,
    %eq3A_598 = arith.constant 1 : i32
    %eq3A_599 = vector.broadcast %eq3A_598 : i32 to vector<16xi32>
    %eq3A_600 = arith.cmpi eq, %and3A_581, %eq3A_599 : vector<16xi32>
    %neg3A_601 = arith.constant 0.000000e+00 : f32
    %neg3A_602 = vector.broadcast %neg3A_601 : f32 to vector<16xf32>
    %neg3A_603 = arith.subf %neg3A_602, %gather3A_597 : vector<16xf32>
    %select_n3A_604 = arith.select %eq3A_600, %neg3A_603, %gather3A_597 : vector<16xi1>, vector<16xf32>
    %abs3A_605 = math.absf %select_n3A_604 : vector<16xf32>
    %neg3A_606 = arith.constant 0.000000e+00 : f32
    %neg3A_607 = vector.broadcast %neg3A_606 : f32 to vector<16xf32>
    %neg3A_608 = arith.subf %neg3A_607, %abs3A_605 : vector<16xf32>
    %exp3A_609 = math.exp %neg3A_608 : vector<16xf32>
    %ge3A_610 = arith.constant 0.000000e+00 : f32
    %ge3A_611 = vector.broadcast %ge3A_610 : f32 to vector<16xf32>
    %ge3A_612 = arith.cmpf oge, %select_n3A_604, %ge3A_611 : vector<16xf32>
    %jit3A_613 = arith.constant 1.000000e+00 : f32
    %broadcast_in_dim3A_614 = vector.broadcast %jit3A_613 : f32 to vector<16xf32>
    %select_n3A_615 = arith.select %ge3A_612, %broadcast_in_dim3A_614, %exp3A_609 : vector<16xi1>, vector<16xf32>
    %mul3A_616 = arith.mulf %mul3A_570, %select_n3A_615 : vector<16xf32>
    %add3A_617 = arith.constant 1.000000e+00 : f32
    %add3A_618 = vector.broadcast %add3A_617 : f32 to vector<16xf32>
    %add3A_619 = arith.addf %add3A_618, %exp3A_609 : vector<16xf32>
    %mul3A_620 = arith.mulf %mul3A_574, %add3A_619 : vector<16xf32>
    %add3A_621 = arith.addi %add3A_575, %and3A_581 : vector<16xi32>
    %shift_right_arithmetic3A_622 = arith.constant 11 : i32
    %shift_right_arithmetic3A_623 = vector.broadcast %shift_right_arithmetic3A_622 : i32 to vector<16xi32>
    %shift_right_arithmetic3A_624 = arith.shrsi %get3A_443, %shift_right_arithmetic3A_623 : vector<16xi32>
    %and3A_625 = arith.constant 1 : i32
    %and3A_626 = vector.broadcast %and3A_625 : i32 to vector<16xi32>
    %and3A_627 = arith.andi %shift_right_arithmetic3A_624, %and3A_626 : vector<16xi32>
    %add3A_628 = arith.constant 15 : i32
    %add3A_629 = vector.broadcast %add3A_628 : i32 to vector<16xi32>
    %add3A_630 = arith.addi %add3A_629, %add3A_621 : vector<16xi32>
    %shift_right_arithmetic3A_631 = arith.constant 7 : i32
    %shift_right_arithmetic3A_632 = vector.broadcast %shift_right_arithmetic3A_631 : i32 to vector<16xi32>
    %shift_right_arithmetic3A_633 = arith.shrsi %add3A_630, %shift_right_arithmetic3A_632 : vector<16xi32>
    %sub3A_634 = arith.constant 0 : i32
    %sub3A_635 = vector.broadcast %sub3A_634 : i32 to vector<16xi32>
    %sub3A_636 = arith.subi %shift_right_arithmetic3A_633, %sub3A_635 : vector<16xi32>
    %add3A_637 = arith.constant 0 : i32
    %add3A_638 = vector.broadcast %add3A_637 : i32 to vector<16xi32>
    %add3A_639 = arith.addi %add3A_638, %sub3A_636 : vector<16xi32>
    %and3A_640 = arith.constant 127 : i32
    %and3A_641 = vector.broadcast %and3A_640 : i32 to vector<16xi32>
    %and3A_642 = arith.andi %add3A_630, %and3A_641 : vector<16xi32>
    %gather3A_643 = tpu.vector_load_idx %arg6[%add3A_639, %iota3A, %and3A_642] : memref<17x16x128xf32, #tpu.memory_space<vmem>>[vector<16xi32>, vector<16xi32>, vector<16xi32>], vector<16xf32>,
    %eq3A_644 = arith.constant 1 : i32
    %eq3A_645 = vector.broadcast %eq3A_644 : i32 to vector<16xi32>
    %eq3A_646 = arith.cmpi eq, %and3A_627, %eq3A_645 : vector<16xi32>
    %neg3A_647 = arith.constant 0.000000e+00 : f32
    %neg3A_648 = vector.broadcast %neg3A_647 : f32 to vector<16xf32>
    %neg3A_649 = arith.subf %neg3A_648, %gather3A_643 : vector<16xf32>
    %select_n3A_650 = arith.select %eq3A_646, %neg3A_649, %gather3A_643 : vector<16xi1>, vector<16xf32>
    %abs3A_651 = math.absf %select_n3A_650 : vector<16xf32>
    %neg3A_652 = arith.constant 0.000000e+00 : f32
    %neg3A_653 = vector.broadcast %neg3A_652 : f32 to vector<16xf32>
    %neg3A_654 = arith.subf %neg3A_653, %abs3A_651 : vector<16xf32>
    %exp3A_655 = math.exp %neg3A_654 : vector<16xf32>
    %ge3A_656 = arith.constant 0.000000e+00 : f32
    %ge3A_657 = vector.broadcast %ge3A_656 : f32 to vector<16xf32>
    %ge3A_658 = arith.cmpf oge, %select_n3A_650, %ge3A_657 : vector<16xf32>
    %jit3A_659 = arith.constant 1.000000e+00 : f32
    %broadcast_in_dim3A_660 = vector.broadcast %jit3A_659 : f32 to vector<16xf32>
    %select_n3A_661 = arith.select %ge3A_658, %broadcast_in_dim3A_660, %exp3A_655 : vector<16xi1>, vector<16xf32>
    %mul3A_662 = arith.mulf %mul3A_616, %select_n3A_661 : vector<16xf32>
    %add3A_663 = arith.constant 1.000000e+00 : f32
    %add3A_664 = vector.broadcast %add3A_663 : f32 to vector<16xf32>
    %add3A_665 = arith.addf %add3A_664, %exp3A_655 : vector<16xf32>
    %mul3A_666 = arith.mulf %mul3A_620, %add3A_665 : vector<16xf32>
    %add3A_667 = arith.addi %add3A_621, %and3A_627 : vector<16xi32>
    %shift_right_arithmetic3A_668 = arith.constant 10 : i32
    %shift_right_arithmetic3A_669 = vector.broadcast %shift_right_arithmetic3A_668 : i32 to vector<16xi32>
    %shift_right_arithmetic3A_670 = arith.shrsi %get3A_443, %shift_right_arithmetic3A_669 : vector<16xi32>
    %and3A_671 = arith.constant 1 : i32
    %and3A_672 = vector.broadcast %and3A_671 : i32 to vector<16xi32>
    %and3A_673 = arith.andi %shift_right_arithmetic3A_670, %and3A_672 : vector<16xi32>
    %add3A_674 = arith.constant 31 : i32
    %add3A_675 = vector.broadcast %add3A_674 : i32 to vector<16xi32>
    %add3A_676 = arith.addi %add3A_675, %add3A_667 : vector<16xi32>
    %shift_right_arithmetic3A_677 = arith.constant 7 : i32
    %shift_right_arithmetic3A_678 = vector.broadcast %shift_right_arithmetic3A_677 : i32 to vector<16xi32>
    %shift_right_arithmetic3A_679 = arith.shrsi %add3A_676, %shift_right_arithmetic3A_678 : vector<16xi32>
    %sub3A_680 = arith.constant 0 : i32
    %sub3A_681 = vector.broadcast %sub3A_680 : i32 to vector<16xi32>
    %sub3A_682 = arith.subi %shift_right_arithmetic3A_679, %sub3A_681 : vector<16xi32>
    %add3A_683 = arith.constant 0 : i32
    %add3A_684 = vector.broadcast %add3A_683 : i32 to vector<16xi32>
    %add3A_685 = arith.addi %add3A_684, %sub3A_682 : vector<16xi32>
    %and3A_686 = arith.constant 127 : i32
    %and3A_687 = vector.broadcast %and3A_686 : i32 to vector<16xi32>
    %and3A_688 = arith.andi %add3A_676, %and3A_687 : vector<16xi32>
    %gather3A_689 = tpu.vector_load_idx %arg6[%add3A_685, %iota3A, %and3A_688] : memref<17x16x128xf32, #tpu.memory_space<vmem>>[vector<16xi32>, vector<16xi32>, vector<16xi32>], vector<16xf32>,
    %eq3A_690 = arith.constant 1 : i32
    %eq3A_691 = vector.broadcast %eq3A_690 : i32 to vector<16xi32>
    %eq3A_692 = arith.cmpi eq, %and3A_673, %eq3A_691 : vector<16xi32>
    %neg3A_693 = arith.constant 0.000000e+00 : f32
    %neg3A_694 = vector.broadcast %neg3A_693 : f32 to vector<16xf32>
    %neg3A_695 = arith.subf %neg3A_694, %gather3A_689 : vector<16xf32>
    %select_n3A_696 = arith.select %eq3A_692, %neg3A_695, %gather3A_689 : vector<16xi1>, vector<16xf32>
    %abs3A_697 = math.absf %select_n3A_696 : vector<16xf32>
    %neg3A_698 = arith.constant 0.000000e+00 : f32
    %neg3A_699 = vector.broadcast %neg3A_698 : f32 to vector<16xf32>
    %neg3A_700 = arith.subf %neg3A_699, %abs3A_697 : vector<16xf32>
    %exp3A_701 = math.exp %neg3A_700 : vector<16xf32>
    %ge3A_702 = arith.constant 0.000000e+00 : f32
    %ge3A_703 = vector.broadcast %ge3A_702 : f32 to vector<16xf32>
    %ge3A_704 = arith.cmpf oge, %select_n3A_696, %ge3A_703 : vector<16xf32>
    %jit3A_705 = arith.constant 1.000000e+00 : f32
    %broadcast_in_dim3A_706 = vector.broadcast %jit3A_705 : f32 to vector<16xf32>
    %select_n3A_707 = arith.select %ge3A_704, %broadcast_in_dim3A_706, %exp3A_701 : vector<16xi1>, vector<16xf32>
    %mul3A_708 = arith.mulf %mul3A_662, %select_n3A_707 : vector<16xf32>
    %add3A_709 = arith.constant 1.000000e+00 : f32
    %add3A_710 = vector.broadcast %add3A_709 : f32 to vector<16xf32>
    %add3A_711 = arith.addf %add3A_710, %exp3A_701 : vector<16xf32>
    %mul3A_712 = arith.mulf %mul3A_666, %add3A_711 : vector<16xf32>
    %add3A_713 = arith.addi %add3A_667, %and3A_673 : vector<16xi32>
    %shift_right_arithmetic3A_714 = arith.constant 9 : i32
    %shift_right_arithmetic3A_715 = vector.broadcast %shift_right_arithmetic3A_714 : i32 to vector<16xi32>
    %shift_right_arithmetic3A_716 = arith.shrsi %get3A_443, %shift_right_arithmetic3A_715 : vector<16xi32>
    %and3A_717 = arith.constant 1 : i32
    %and3A_718 = vector.broadcast %and3A_717 : i32 to vector<16xi32>
    %and3A_719 = arith.andi %shift_right_arithmetic3A_716, %and3A_718 : vector<16xi32>
    %add3A_720 = arith.constant 63 : i32
    %add3A_721 = vector.broadcast %add3A_720 : i32 to vector<16xi32>
    %add3A_722 = arith.addi %add3A_721, %add3A_713 : vector<16xi32>
    %shift_right_arithmetic3A_723 = arith.constant 7 : i32
    %shift_right_arithmetic3A_724 = vector.broadcast %shift_right_arithmetic3A_723 : i32 to vector<16xi32>
    %shift_right_arithmetic3A_725 = arith.shrsi %add3A_722, %shift_right_arithmetic3A_724 : vector<16xi32>
    %sub3A_726 = arith.constant 0 : i32
    %sub3A_727 = vector.broadcast %sub3A_726 : i32 to vector<16xi32>
    %sub3A_728 = arith.subi %shift_right_arithmetic3A_725, %sub3A_727 : vector<16xi32>
    %add3A_729 = arith.constant 0 : i32
    %add3A_730 = vector.broadcast %add3A_729 : i32 to vector<16xi32>
    %add3A_731 = arith.addi %add3A_730, %sub3A_728 : vector<16xi32>
    %and3A_732 = arith.constant 127 : i32
    %and3A_733 = vector.broadcast %and3A_732 : i32 to vector<16xi32>
    %and3A_734 = arith.andi %add3A_722, %and3A_733 : vector<16xi32>
    %gather3A_735 = tpu.vector_load_idx %arg6[%add3A_731, %iota3A, %and3A_734] : memref<17x16x128xf32, #tpu.memory_space<vmem>>[vector<16xi32>, vector<16xi32>, vector<16xi32>], vector<16xf32>,
    %eq3A_736 = arith.constant 1 : i32
    %eq3A_737 = vector.broadcast %eq3A_736 : i32 to vector<16xi32>
    %eq3A_738 = arith.cmpi eq, %and3A_719, %eq3A_737 : vector<16xi32>
    %neg3A_739 = arith.constant 0.000000e+00 : f32
    %neg3A_740 = vector.broadcast %neg3A_739 : f32 to vector<16xf32>
    %neg3A_741 = arith.subf %neg3A_740, %gather3A_735 : vector<16xf32>
    %select_n3A_742 = arith.select %eq3A_738, %neg3A_741, %gather3A_735 : vector<16xi1>, vector<16xf32>
    %abs3A_743 = math.absf %select_n3A_742 : vector<16xf32>
    %neg3A_744 = arith.constant 0.000000e+00 : f32
    %neg3A_745 = vector.broadcast %neg3A_744 : f32 to vector<16xf32>
    %neg3A_746 = arith.subf %neg3A_745, %abs3A_743 : vector<16xf32>
    %exp3A_747 = math.exp %neg3A_746 : vector<16xf32>
    %ge3A_748 = arith.constant 0.000000e+00 : f32
    %ge3A_749 = vector.broadcast %ge3A_748 : f32 to vector<16xf32>
    %ge3A_750 = arith.cmpf oge, %select_n3A_742, %ge3A_749 : vector<16xf32>
    %jit3A_751 = arith.constant 1.000000e+00 : f32
    %broadcast_in_dim3A_752 = vector.broadcast %jit3A_751 : f32 to vector<16xf32>
    %select_n3A_753 = arith.select %ge3A_750, %broadcast_in_dim3A_752, %exp3A_747 : vector<16xi1>, vector<16xf32>
    %mul3A_754 = arith.mulf %mul3A_708, %select_n3A_753 : vector<16xf32>
    %add3A_755 = arith.constant 1.000000e+00 : f32
    %add3A_756 = vector.broadcast %add3A_755 : f32 to vector<16xf32>
    %add3A_757 = arith.addf %add3A_756, %exp3A_747 : vector<16xf32>
    %mul3A_758 = arith.mulf %mul3A_712, %add3A_757 : vector<16xf32>
    %add3A_759 = arith.addi %add3A_713, %and3A_719 : vector<16xi32>
    %shift_right_arithmetic3A_760 = arith.constant 8 : i32
    %shift_right_arithmetic3A_761 = vector.broadcast %shift_right_arithmetic3A_760 : i32 to vector<16xi32>
    %shift_right_arithmetic3A_762 = arith.shrsi %get3A_443, %shift_right_arithmetic3A_761 : vector<16xi32>
    %and3A_763 = arith.constant 1 : i32
    %and3A_764 = vector.broadcast %and3A_763 : i32 to vector<16xi32>
    %and3A_765 = arith.andi %shift_right_arithmetic3A_762, %and3A_764 : vector<16xi32>
    %add3A_766 = arith.constant 127 : i32
    %add3A_767 = vector.broadcast %add3A_766 : i32 to vector<16xi32>
    %add3A_768 = arith.addi %add3A_767, %add3A_759 : vector<16xi32>
    %shift_right_arithmetic3A_769 = arith.constant 7 : i32
    %shift_right_arithmetic3A_770 = vector.broadcast %shift_right_arithmetic3A_769 : i32 to vector<16xi32>
    %shift_right_arithmetic3A_771 = arith.shrsi %add3A_768, %shift_right_arithmetic3A_770 : vector<16xi32>
    %sub3A_772 = arith.constant 0 : i32
    %sub3A_773 = vector.broadcast %sub3A_772 : i32 to vector<16xi32>
    %sub3A_774 = arith.subi %shift_right_arithmetic3A_771, %sub3A_773 : vector<16xi32>
    %add3A_775 = arith.constant 0 : i32
    %add3A_776 = vector.broadcast %add3A_775 : i32 to vector<16xi32>
    %add3A_777 = arith.addi %add3A_776, %sub3A_774 : vector<16xi32>
    %and3A_778 = arith.constant 127 : i32
    %and3A_779 = vector.broadcast %and3A_778 : i32 to vector<16xi32>
    %and3A_780 = arith.andi %add3A_768, %and3A_779 : vector<16xi32>
    %gather3A_781 = tpu.vector_load_idx %arg6[%add3A_777, %iota3A, %and3A_780] : memref<17x16x128xf32, #tpu.memory_space<vmem>>[vector<16xi32>, vector<16xi32>, vector<16xi32>], vector<16xf32>,
    %eq3A_782 = arith.constant 1 : i32
    %eq3A_783 = vector.broadcast %eq3A_782 : i32 to vector<16xi32>
    %eq3A_784 = arith.cmpi eq, %and3A_765, %eq3A_783 : vector<16xi32>
    %neg3A_785 = arith.constant 0.000000e+00 : f32
    %neg3A_786 = vector.broadcast %neg3A_785 : f32 to vector<16xf32>
    %neg3A_787 = arith.subf %neg3A_786, %gather3A_781 : vector<16xf32>
    %select_n3A_788 = arith.select %eq3A_784, %neg3A_787, %gather3A_781 : vector<16xi1>, vector<16xf32>
    %abs3A_789 = math.absf %select_n3A_788 : vector<16xf32>
    %neg3A_790 = arith.constant 0.000000e+00 : f32
    %neg3A_791 = vector.broadcast %neg3A_790 : f32 to vector<16xf32>
    %neg3A_792 = arith.subf %neg3A_791, %abs3A_789 : vector<16xf32>
    %exp3A_793 = math.exp %neg3A_792 : vector<16xf32>
    %ge3A_794 = arith.constant 0.000000e+00 : f32
    %ge3A_795 = vector.broadcast %ge3A_794 : f32 to vector<16xf32>
    %ge3A_796 = arith.cmpf oge, %select_n3A_788, %ge3A_795 : vector<16xf32>
    %jit3A_797 = arith.constant 1.000000e+00 : f32
    %broadcast_in_dim3A_798 = vector.broadcast %jit3A_797 : f32 to vector<16xf32>
    %select_n3A_799 = arith.select %ge3A_796, %broadcast_in_dim3A_798, %exp3A_793 : vector<16xi1>, vector<16xf32>
    %mul3A_800 = arith.mulf %mul3A_754, %select_n3A_799 : vector<16xf32>
    %add3A_801 = arith.constant 1.000000e+00 : f32
    %add3A_802 = vector.broadcast %add3A_801 : f32 to vector<16xf32>
    %add3A_803 = arith.addf %add3A_802, %exp3A_793 : vector<16xf32>
    %mul3A_804 = arith.mulf %mul3A_758, %add3A_803 : vector<16xf32>
    %add3A_805 = arith.addi %add3A_759, %and3A_765 : vector<16xi32>
    %shift_right_arithmetic3A_806 = arith.constant 7 : i32
    %shift_right_arithmetic3A_807 = vector.broadcast %shift_right_arithmetic3A_806 : i32 to vector<16xi32>
    %shift_right_arithmetic3A_808 = arith.shrsi %get3A_443, %shift_right_arithmetic3A_807 : vector<16xi32>
    %and3A_809 = arith.constant 1 : i32
    %and3A_810 = vector.broadcast %and3A_809 : i32 to vector<16xi32>
    %and3A_811 = arith.andi %shift_right_arithmetic3A_808, %and3A_810 : vector<16xi32>
    %add3A_812 = arith.constant 255 : i32
    %add3A_813 = vector.broadcast %add3A_812 : i32 to vector<16xi32>
    %add3A_814 = arith.addi %add3A_813, %add3A_805 : vector<16xi32>
    %shift_right_arithmetic3A_815 = arith.constant 7 : i32
    %shift_right_arithmetic3A_816 = vector.broadcast %shift_right_arithmetic3A_815 : i32 to vector<16xi32>
    %shift_right_arithmetic3A_817 = arith.shrsi %add3A_814, %shift_right_arithmetic3A_816 : vector<16xi32>
    %sub3A_818 = arith.constant 1 : i32
    %sub3A_819 = vector.broadcast %sub3A_818 : i32 to vector<16xi32>
    %sub3A_820 = arith.subi %shift_right_arithmetic3A_817, %sub3A_819 : vector<16xi32>
    %add3A_821 = arith.constant 1 : i32
    %add3A_822 = vector.broadcast %add3A_821 : i32 to vector<16xi32>
    %add3A_823 = arith.addi %add3A_822, %sub3A_820 : vector<16xi32>
    %and3A_824 = arith.constant 127 : i32
    %and3A_825 = vector.broadcast %and3A_824 : i32 to vector<16xi32>
    %and3A_826 = arith.andi %add3A_814, %and3A_825 : vector<16xi32>
    %gather3A_827 = tpu.vector_load_idx %arg6[%add3A_823, %iota3A, %and3A_826] : memref<17x16x128xf32, #tpu.memory_space<vmem>>[vector<16xi32>, vector<16xi32>, vector<16xi32>], vector<16xf32>,
    %eq3A_828 = arith.constant 1 : i32
    %eq3A_829 = vector.broadcast %eq3A_828 : i32 to vector<16xi32>
    %eq3A_830 = arith.cmpi eq, %and3A_811, %eq3A_829 : vector<16xi32>
    %neg3A_831 = arith.constant 0.000000e+00 : f32
    %neg3A_832 = vector.broadcast %neg3A_831 : f32 to vector<16xf32>
    %neg3A_833 = arith.subf %neg3A_832, %gather3A_827 : vector<16xf32>
    %select_n3A_834 = arith.select %eq3A_830, %neg3A_833, %gather3A_827 : vector<16xi1>, vector<16xf32>
    %abs3A_835 = math.absf %select_n3A_834 : vector<16xf32>
    %neg3A_836 = arith.constant 0.000000e+00 : f32
    %neg3A_837 = vector.broadcast %neg3A_836 : f32 to vector<16xf32>
    %neg3A_838 = arith.subf %neg3A_837, %abs3A_835 : vector<16xf32>
    %exp3A_839 = math.exp %neg3A_838 : vector<16xf32>
    %ge3A_840 = arith.constant 0.000000e+00 : f32
    %ge3A_841 = vector.broadcast %ge3A_840 : f32 to vector<16xf32>
    %ge3A_842 = arith.cmpf oge, %select_n3A_834, %ge3A_841 : vector<16xf32>
    %jit3A_843 = arith.constant 1.000000e+00 : f32
    %broadcast_in_dim3A_844 = vector.broadcast %jit3A_843 : f32 to vector<16xf32>
    %select_n3A_845 = arith.select %ge3A_842, %broadcast_in_dim3A_844, %exp3A_839 : vector<16xi1>, vector<16xf32>
    %mul3A_846 = arith.mulf %mul3A_800, %select_n3A_845 : vector<16xf32>
    %add3A_847 = arith.constant 1.000000e+00 : f32
    %add3A_848 = vector.broadcast %add3A_847 : f32 to vector<16xf32>
    %add3A_849 = arith.addf %add3A_848, %exp3A_839 : vector<16xf32>
    %mul3A_850 = arith.mulf %mul3A_804, %add3A_849 : vector<16xf32>
    %add3A_851 = arith.addi %add3A_805, %and3A_811 : vector<16xi32>
    %shift_right_arithmetic3A_852 = arith.constant 6 : i32
    %shift_right_arithmetic3A_853 = vector.broadcast %shift_right_arithmetic3A_852 : i32 to vector<16xi32>
    %shift_right_arithmetic3A_854 = arith.shrsi %get3A_443, %shift_right_arithmetic3A_853 : vector<16xi32>
    %and3A_855 = arith.constant 1 : i32
    %and3A_856 = vector.broadcast %and3A_855 : i32 to vector<16xi32>
    %and3A_857 = arith.andi %shift_right_arithmetic3A_854, %and3A_856 : vector<16xi32>
    %add3A_858 = arith.constant 511 : i32
    %add3A_859 = vector.broadcast %add3A_858 : i32 to vector<16xi32>
    %add3A_860 = arith.addi %add3A_859, %add3A_851 : vector<16xi32>
    %shift_right_arithmetic3A_861 = arith.constant 7 : i32
    %shift_right_arithmetic3A_862 = vector.broadcast %shift_right_arithmetic3A_861 : i32 to vector<16xi32>
    %shift_right_arithmetic3A_863 = arith.shrsi %add3A_860, %shift_right_arithmetic3A_862 : vector<16xi32>
    %sub3A_864 = arith.constant 3 : i32
    %sub3A_865 = vector.broadcast %sub3A_864 : i32 to vector<16xi32>
    %sub3A_866 = arith.subi %shift_right_arithmetic3A_863, %sub3A_865 : vector<16xi32>
    %add3A_867 = arith.constant 3 : i32
    %add3A_868 = vector.broadcast %add3A_867 : i32 to vector<16xi32>
    %add3A_869 = arith.addi %add3A_868, %sub3A_866 : vector<16xi32>
    %and3A_870 = arith.constant 127 : i32
    %and3A_871 = vector.broadcast %and3A_870 : i32 to vector<16xi32>
    %and3A_872 = arith.andi %add3A_860, %and3A_871 : vector<16xi32>
    %gather3A_873 = tpu.vector_load_idx %arg6[%add3A_869, %iota3A, %and3A_872] : memref<17x16x128xf32, #tpu.memory_space<vmem>>[vector<16xi32>, vector<16xi32>, vector<16xi32>], vector<16xf32>,
    %eq3A_874 = arith.constant 1 : i32
    %eq3A_875 = vector.broadcast %eq3A_874 : i32 to vector<16xi32>
    %eq3A_876 = arith.cmpi eq, %and3A_857, %eq3A_875 : vector<16xi32>
    %neg3A_877 = arith.constant 0.000000e+00 : f32
    %neg3A_878 = vector.broadcast %neg3A_877 : f32 to vector<16xf32>
    %neg3A_879 = arith.subf %neg3A_878, %gather3A_873 : vector<16xf32>
    %select_n3A_880 = arith.select %eq3A_876, %neg3A_879, %gather3A_873 : vector<16xi1>, vector<16xf32>
    %abs3A_881 = math.absf %select_n3A_880 : vector<16xf32>
    %neg3A_882 = arith.constant 0.000000e+00 : f32
    %neg3A_883 = vector.broadcast %neg3A_882 : f32 to vector<16xf32>
    %neg3A_884 = arith.subf %neg3A_883, %abs3A_881 : vector<16xf32>
    %exp3A_885 = math.exp %neg3A_884 : vector<16xf32>
    %ge3A_886 = arith.constant 0.000000e+00 : f32
    %ge3A_887 = vector.broadcast %ge3A_886 : f32 to vector<16xf32>
    %ge3A_888 = arith.cmpf oge, %select_n3A_880, %ge3A_887 : vector<16xf32>
    %jit3A_889 = arith.constant 1.000000e+00 : f32
    %broadcast_in_dim3A_890 = vector.broadcast %jit3A_889 : f32 to vector<16xf32>
    %select_n3A_891 = arith.select %ge3A_888, %broadcast_in_dim3A_890, %exp3A_885 : vector<16xi1>, vector<16xf32>
    %mul3A_892 = arith.mulf %mul3A_846, %select_n3A_891 : vector<16xf32>
    %add3A_893 = arith.constant 1.000000e+00 : f32
    %add3A_894 = vector.broadcast %add3A_893 : f32 to vector<16xf32>
    %add3A_895 = arith.addf %add3A_894, %exp3A_885 : vector<16xf32>
    %mul3A_896 = arith.mulf %mul3A_850, %add3A_895 : vector<16xf32>
    %add3A_897 = arith.addi %add3A_851, %and3A_857 : vector<16xi32>
    %shift_right_arithmetic3A_898 = arith.constant 5 : i32
    %shift_right_arithmetic3A_899 = vector.broadcast %shift_right_arithmetic3A_898 : i32 to vector<16xi32>
    %shift_right_arithmetic3A_900 = arith.shrsi %get3A_443, %shift_right_arithmetic3A_899 : vector<16xi32>
    %and3A_901 = arith.constant 1 : i32
    %and3A_902 = vector.broadcast %and3A_901 : i32 to vector<16xi32>
    %and3A_903 = arith.andi %shift_right_arithmetic3A_900, %and3A_902 : vector<16xi32>
    %add3A_904 = arith.constant 1023 : i32
    %add3A_905 = vector.broadcast %add3A_904 : i32 to vector<16xi32>
    %add3A_906 = arith.addi %add3A_905, %add3A_897 : vector<16xi32>
    %shift_right_arithmetic3A_907 = arith.constant 7 : i32
    %shift_right_arithmetic3A_908 = vector.broadcast %shift_right_arithmetic3A_907 : i32 to vector<16xi32>
    %shift_right_arithmetic3A_909 = arith.shrsi %add3A_906, %shift_right_arithmetic3A_908 : vector<16xi32>
    %sub3A_910 = arith.constant 7 : i32
    %sub3A_911 = vector.broadcast %sub3A_910 : i32 to vector<16xi32>
    %sub3A_912 = arith.subi %shift_right_arithmetic3A_909, %sub3A_911 : vector<16xi32>
    %add3A_913 = arith.constant 5 : i32
    %add3A_914 = vector.broadcast %add3A_913 : i32 to vector<16xi32>
    %add3A_915 = arith.addi %add3A_914, %sub3A_912 : vector<16xi32>
    %and3A_916 = arith.constant 127 : i32
    %and3A_917 = vector.broadcast %and3A_916 : i32 to vector<16xi32>
    %and3A_918 = arith.andi %add3A_906, %and3A_917 : vector<16xi32>
    %gather3A_919 = tpu.vector_load_idx %arg6[%add3A_915, %iota3A, %and3A_918] : memref<17x16x128xf32, #tpu.memory_space<vmem>>[vector<16xi32>, vector<16xi32>, vector<16xi32>], vector<16xf32>,
    %eq3A_920 = arith.constant 1 : i32
    %eq3A_921 = vector.broadcast %eq3A_920 : i32 to vector<16xi32>
    %eq3A_922 = arith.cmpi eq, %and3A_903, %eq3A_921 : vector<16xi32>
    %neg3A_923 = arith.constant 0.000000e+00 : f32
    %neg3A_924 = vector.broadcast %neg3A_923 : f32 to vector<16xf32>
    %neg3A_925 = arith.subf %neg3A_924, %gather3A_919 : vector<16xf32>
    %select_n3A_926 = arith.select %eq3A_922, %neg3A_925, %gather3A_919 : vector<16xi1>, vector<16xf32>
    %abs3A_927 = math.absf %select_n3A_926 : vector<16xf32>
    %neg3A_928 = arith.constant 0.000000e+00 : f32
    %neg3A_929 = vector.broadcast %neg3A_928 : f32 to vector<16xf32>
    %neg3A_930 = arith.subf %neg3A_929, %abs3A_927 : vector<16xf32>
    %exp3A_931 = math.exp %neg3A_930 : vector<16xf32>
    %ge3A_932 = arith.constant 0.000000e+00 : f32
    %ge3A_933 = vector.broadcast %ge3A_932 : f32 to vector<16xf32>
    %ge3A_934 = arith.cmpf oge, %select_n3A_926, %ge3A_933 : vector<16xf32>
    %jit3A_935 = arith.constant 1.000000e+00 : f32
    %broadcast_in_dim3A_936 = vector.broadcast %jit3A_935 : f32 to vector<16xf32>
    %select_n3A_937 = arith.select %ge3A_934, %broadcast_in_dim3A_936, %exp3A_931 : vector<16xi1>, vector<16xf32>
    %mul3A_938 = arith.mulf %mul3A_892, %select_n3A_937 : vector<16xf32>
    %add3A_939 = arith.constant 1.000000e+00 : f32
    %add3A_940 = vector.broadcast %add3A_939 : f32 to vector<16xf32>
    %add3A_941 = arith.addf %add3A_940, %exp3A_931 : vector<16xf32>
    %mul3A_942 = arith.mulf %mul3A_896, %add3A_941 : vector<16xf32>
    %add3A_943 = arith.addi %add3A_897, %and3A_903 : vector<16xi32>
    %shift_right_arithmetic3A_944 = arith.constant 4 : i32
    %shift_right_arithmetic3A_945 = vector.broadcast %shift_right_arithmetic3A_944 : i32 to vector<16xi32>
    %shift_right_arithmetic3A_946 = arith.shrsi %get3A_443, %shift_right_arithmetic3A_945 : vector<16xi32>
    %and3A_947 = arith.constant 1 : i32
    %and3A_948 = vector.broadcast %and3A_947 : i32 to vector<16xi32>
    %and3A_949 = arith.andi %shift_right_arithmetic3A_946, %and3A_948 : vector<16xi32>
    %add3A_950 = arith.constant 2047 : i32
    %add3A_951 = vector.broadcast %add3A_950 : i32 to vector<16xi32>
    %add3A_952 = arith.addi %add3A_951, %add3A_943 : vector<16xi32>
    %shift_right_arithmetic3A_953 = arith.constant 7 : i32
    %shift_right_arithmetic3A_954 = vector.broadcast %shift_right_arithmetic3A_953 : i32 to vector<16xi32>
    %shift_right_arithmetic3A_955 = arith.shrsi %add3A_952, %shift_right_arithmetic3A_954 : vector<16xi32>
    %sub3A_956 = arith.constant 15 : i32
    %sub3A_957 = vector.broadcast %sub3A_956 : i32 to vector<16xi32>
    %sub3A_958 = arith.subi %shift_right_arithmetic3A_955, %sub3A_957 : vector<16xi32>
    %add3A_959 = arith.constant 7 : i32
    %add3A_960 = vector.broadcast %add3A_959 : i32 to vector<16xi32>
    %add3A_961 = arith.addi %add3A_960, %sub3A_958 : vector<16xi32>
    %and3A_962 = arith.constant 127 : i32
    %and3A_963 = vector.broadcast %and3A_962 : i32 to vector<16xi32>
    %and3A_964 = arith.andi %add3A_952, %and3A_963 : vector<16xi32>
    %gather3A_965 = tpu.vector_load_idx %arg6[%add3A_961, %iota3A, %and3A_964] : memref<17x16x128xf32, #tpu.memory_space<vmem>>[vector<16xi32>, vector<16xi32>, vector<16xi32>], vector<16xf32>,
    %eq3A_966 = arith.constant 1 : i32
    %eq3A_967 = vector.broadcast %eq3A_966 : i32 to vector<16xi32>
    %eq3A_968 = arith.cmpi eq, %and3A_949, %eq3A_967 : vector<16xi32>
    %neg3A_969 = arith.constant 0.000000e+00 : f32
    %neg3A_970 = vector.broadcast %neg3A_969 : f32 to vector<16xf32>
    %neg3A_971 = arith.subf %neg3A_970, %gather3A_965 : vector<16xf32>
    %select_n3A_972 = arith.select %eq3A_968, %neg3A_971, %gather3A_965 : vector<16xi1>, vector<16xf32>
    %abs3A_973 = math.absf %select_n3A_972 : vector<16xf32>
    %neg3A_974 = arith.constant 0.000000e+00 : f32
    %neg3A_975 = vector.broadcast %neg3A_974 : f32 to vector<16xf32>
    %neg3A_976 = arith.subf %neg3A_975, %abs3A_973 : vector<16xf32>
    %exp3A_977 = math.exp %neg3A_976 : vector<16xf32>
    %ge3A_978 = arith.constant 0.000000e+00 : f32
    %ge3A_979 = vector.broadcast %ge3A_978 : f32 to vector<16xf32>
    %ge3A_980 = arith.cmpf oge, %select_n3A_972, %ge3A_979 : vector<16xf32>
    %jit3A_981 = arith.constant 1.000000e+00 : f32
    %broadcast_in_dim3A_982 = vector.broadcast %jit3A_981 : f32 to vector<16xf32>
    %select_n3A_983 = arith.select %ge3A_980, %broadcast_in_dim3A_982, %exp3A_977 : vector<16xi1>, vector<16xf32>
    %mul3A_984 = arith.mulf %mul3A_938, %select_n3A_983 : vector<16xf32>
    %add3A_985 = arith.constant 1.000000e+00 : f32
    %add3A_986 = vector.broadcast %add3A_985 : f32 to vector<16xf32>
    %add3A_987 = arith.addf %add3A_986, %exp3A_977 : vector<16xf32>
    %mul3A_988 = arith.mulf %mul3A_942, %add3A_987 : vector<16xf32>
    %add3A_989 = arith.addi %add3A_943, %and3A_949 : vector<16xi32>
    %shift_right_arithmetic3A_990 = arith.constant 3 : i32
    %shift_right_arithmetic3A_991 = vector.broadcast %shift_right_arithmetic3A_990 : i32 to vector<16xi32>
    %shift_right_arithmetic3A_992 = arith.shrsi %get3A_443, %shift_right_arithmetic3A_991 : vector<16xi32>
    %and3A_993 = arith.constant 1 : i32
    %and3A_994 = vector.broadcast %and3A_993 : i32 to vector<16xi32>
    %and3A_995 = arith.andi %shift_right_arithmetic3A_992, %and3A_994 : vector<16xi32>
    %add3A_996 = arith.constant 4095 : i32
    %add3A_997 = vector.broadcast %add3A_996 : i32 to vector<16xi32>
    %add3A_998 = arith.addi %add3A_997, %add3A_989 : vector<16xi32>
    %shift_right_arithmetic3A_999 = arith.constant 7 : i32
    %shift_right_arithmetic3A_1000 = vector.broadcast %shift_right_arithmetic3A_999 : i32 to vector<16xi32>
    %shift_right_arithmetic3A_1001 = arith.shrsi %add3A_998, %shift_right_arithmetic3A_1000 : vector<16xi32>
    %sub3A_1002 = arith.constant 31 : i32
    %sub3A_1003 = vector.broadcast %sub3A_1002 : i32 to vector<16xi32>
    %sub3A_1004 = arith.subi %shift_right_arithmetic3A_1001, %sub3A_1003 : vector<16xi32>
    %add3A_1005 = arith.constant 9 : i32
    %add3A_1006 = vector.broadcast %add3A_1005 : i32 to vector<16xi32>
    %add3A_1007 = arith.addi %add3A_1006, %sub3A_1004 : vector<16xi32>
    %and3A_1008 = arith.constant 127 : i32
    %and3A_1009 = vector.broadcast %and3A_1008 : i32 to vector<16xi32>
    %and3A_1010 = arith.andi %add3A_998, %and3A_1009 : vector<16xi32>
    %gather3A_1011 = tpu.vector_load_idx %arg6[%add3A_1007, %iota3A, %and3A_1010] : memref<17x16x128xf32, #tpu.memory_space<vmem>>[vector<16xi32>, vector<16xi32>, vector<16xi32>], vector<16xf32>,
    %eq3A_1012 = arith.constant 1 : i32
    %eq3A_1013 = vector.broadcast %eq3A_1012 : i32 to vector<16xi32>
    %eq3A_1014 = arith.cmpi eq, %and3A_995, %eq3A_1013 : vector<16xi32>
    %neg3A_1015 = arith.constant 0.000000e+00 : f32
    %neg3A_1016 = vector.broadcast %neg3A_1015 : f32 to vector<16xf32>
    %neg3A_1017 = arith.subf %neg3A_1016, %gather3A_1011 : vector<16xf32>
    %select_n3A_1018 = arith.select %eq3A_1014, %neg3A_1017, %gather3A_1011 : vector<16xi1>, vector<16xf32>
    %abs3A_1019 = math.absf %select_n3A_1018 : vector<16xf32>
    %neg3A_1020 = arith.constant 0.000000e+00 : f32
    %neg3A_1021 = vector.broadcast %neg3A_1020 : f32 to vector<16xf32>
    %neg3A_1022 = arith.subf %neg3A_1021, %abs3A_1019 : vector<16xf32>
    %exp3A_1023 = math.exp %neg3A_1022 : vector<16xf32>
    %ge3A_1024 = arith.constant 0.000000e+00 : f32
    %ge3A_1025 = vector.broadcast %ge3A_1024 : f32 to vector<16xf32>
    %ge3A_1026 = arith.cmpf oge, %select_n3A_1018, %ge3A_1025 : vector<16xf32>
    %jit3A_1027 = arith.constant 1.000000e+00 : f32
    %broadcast_in_dim3A_1028 = vector.broadcast %jit3A_1027 : f32 to vector<16xf32>
    %select_n3A_1029 = arith.select %ge3A_1026, %broadcast_in_dim3A_1028, %exp3A_1023 : vector<16xi1>, vector<16xf32>
    %mul3A_1030 = arith.mulf %mul3A_984, %select_n3A_1029 : vector<16xf32>
    %add3A_1031 = arith.constant 1.000000e+00 : f32
    %add3A_1032 = vector.broadcast %add3A_1031 : f32 to vector<16xf32>
    %add3A_1033 = arith.addf %add3A_1032, %exp3A_1023 : vector<16xf32>
    %mul3A_1034 = arith.mulf %mul3A_988, %add3A_1033 : vector<16xf32>
    %add3A_1035 = arith.addi %add3A_989, %and3A_995 : vector<16xi32>
    %shift_right_arithmetic3A_1036 = arith.constant 2 : i32
    %shift_right_arithmetic3A_1037 = vector.broadcast %shift_right_arithmetic3A_1036 : i32 to vector<16xi32>
    %shift_right_arithmetic3A_1038 = arith.shrsi %get3A_443, %shift_right_arithmetic3A_1037 : vector<16xi32>
    %and3A_1039 = arith.constant 1 : i32
    %and3A_1040 = vector.broadcast %and3A_1039 : i32 to vector<16xi32>
    %and3A_1041 = arith.andi %shift_right_arithmetic3A_1038, %and3A_1040 : vector<16xi32>
    %add3A_1042 = arith.constant 8191 : i32
    %add3A_1043 = vector.broadcast %add3A_1042 : i32 to vector<16xi32>
    %add3A_1044 = arith.addi %add3A_1043, %add3A_1035 : vector<16xi32>
    %shift_right_arithmetic3A_1045 = arith.constant 7 : i32
    %shift_right_arithmetic3A_1046 = vector.broadcast %shift_right_arithmetic3A_1045 : i32 to vector<16xi32>
    %shift_right_arithmetic3A_1047 = arith.shrsi %add3A_1044, %shift_right_arithmetic3A_1046 : vector<16xi32>
    %sub3A_1048 = arith.constant 63 : i32
    %sub3A_1049 = vector.broadcast %sub3A_1048 : i32 to vector<16xi32>
    %sub3A_1050 = arith.subi %shift_right_arithmetic3A_1047, %sub3A_1049 : vector<16xi32>
    %add3A_1051 = arith.constant 11 : i32
    %add3A_1052 = vector.broadcast %add3A_1051 : i32 to vector<16xi32>
    %add3A_1053 = arith.addi %add3A_1052, %sub3A_1050 : vector<16xi32>
    %and3A_1054 = arith.constant 127 : i32
    %and3A_1055 = vector.broadcast %and3A_1054 : i32 to vector<16xi32>
    %and3A_1056 = arith.andi %add3A_1044, %and3A_1055 : vector<16xi32>
    %gather3A_1057 = tpu.vector_load_idx %arg6[%add3A_1053, %iota3A, %and3A_1056] : memref<17x16x128xf32, #tpu.memory_space<vmem>>[vector<16xi32>, vector<16xi32>, vector<16xi32>], vector<16xf32>,
    %eq3A_1058 = arith.constant 1 : i32
    %eq3A_1059 = vector.broadcast %eq3A_1058 : i32 to vector<16xi32>
    %eq3A_1060 = arith.cmpi eq, %and3A_1041, %eq3A_1059 : vector<16xi32>
    %neg3A_1061 = arith.constant 0.000000e+00 : f32
    %neg3A_1062 = vector.broadcast %neg3A_1061 : f32 to vector<16xf32>
    %neg3A_1063 = arith.subf %neg3A_1062, %gather3A_1057 : vector<16xf32>
    %select_n3A_1064 = arith.select %eq3A_1060, %neg3A_1063, %gather3A_1057 : vector<16xi1>, vector<16xf32>
    %abs3A_1065 = math.absf %select_n3A_1064 : vector<16xf32>
    %neg3A_1066 = arith.constant 0.000000e+00 : f32
    %neg3A_1067 = vector.broadcast %neg3A_1066 : f32 to vector<16xf32>
    %neg3A_1068 = arith.subf %neg3A_1067, %abs3A_1065 : vector<16xf32>
    %exp3A_1069 = math.exp %neg3A_1068 : vector<16xf32>
    %ge3A_1070 = arith.constant 0.000000e+00 : f32
    %ge3A_1071 = vector.broadcast %ge3A_1070 : f32 to vector<16xf32>
    %ge3A_1072 = arith.cmpf oge, %select_n3A_1064, %ge3A_1071 : vector<16xf32>
    %jit3A_1073 = arith.constant 1.000000e+00 : f32
    %broadcast_in_dim3A_1074 = vector.broadcast %jit3A_1073 : f32 to vector<16xf32>
    %select_n3A_1075 = arith.select %ge3A_1072, %broadcast_in_dim3A_1074, %exp3A_1069 : vector<16xi1>, vector<16xf32>
    %mul3A_1076 = arith.mulf %mul3A_1030, %select_n3A_1075 : vector<16xf32>
    %add3A_1077 = arith.constant 1.000000e+00 : f32
    %add3A_1078 = vector.broadcast %add3A_1077 : f32 to vector<16xf32>
    %add3A_1079 = arith.addf %add3A_1078, %exp3A_1069 : vector<16xf32>
    %mul3A_1080 = arith.mulf %mul3A_1034, %add3A_1079 : vector<16xf32>
    %add3A_1081 = arith.addi %add3A_1035, %and3A_1041 : vector<16xi32>
    %shift_right_arithmetic3A_1082 = arith.constant 1 : i32
    %shift_right_arithmetic3A_1083 = vector.broadcast %shift_right_arithmetic3A_1082 : i32 to vector<16xi32>
    %shift_right_arithmetic3A_1084 = arith.shrsi %get3A_443, %shift_right_arithmetic3A_1083 : vector<16xi32>
    %and3A_1085 = arith.constant 1 : i32
    %and3A_1086 = vector.broadcast %and3A_1085 : i32 to vector<16xi32>
    %and3A_1087 = arith.andi %shift_right_arithmetic3A_1084, %and3A_1086 : vector<16xi32>
    %add3A_1088 = arith.constant 16383 : i32
    %add3A_1089 = vector.broadcast %add3A_1088 : i32 to vector<16xi32>
    %add3A_1090 = arith.addi %add3A_1089, %add3A_1081 : vector<16xi32>
    %shift_right_arithmetic3A_1091 = arith.constant 7 : i32
    %shift_right_arithmetic3A_1092 = vector.broadcast %shift_right_arithmetic3A_1091 : i32 to vector<16xi32>
    %shift_right_arithmetic3A_1093 = arith.shrsi %add3A_1090, %shift_right_arithmetic3A_1092 : vector<16xi32>
    %sub3A_1094 = arith.constant 127 : i32
    %sub3A_1095 = vector.broadcast %sub3A_1094 : i32 to vector<16xi32>
    %sub3A_1096 = arith.subi %shift_right_arithmetic3A_1093, %sub3A_1095 : vector<16xi32>
    %add3A_1097 = arith.constant 13 : i32
    %add3A_1098 = vector.broadcast %add3A_1097 : i32 to vector<16xi32>
    %add3A_1099 = arith.addi %add3A_1098, %sub3A_1096 : vector<16xi32>
    %and3A_1100 = arith.constant 127 : i32
    %and3A_1101 = vector.broadcast %and3A_1100 : i32 to vector<16xi32>
    %and3A_1102 = arith.andi %add3A_1090, %and3A_1101 : vector<16xi32>
    %gather3A_1103 = tpu.vector_load_idx %arg6[%add3A_1099, %iota3A, %and3A_1102] : memref<17x16x128xf32, #tpu.memory_space<vmem>>[vector<16xi32>, vector<16xi32>, vector<16xi32>], vector<16xf32>,
    %eq3A_1104 = arith.constant 1 : i32
    %eq3A_1105 = vector.broadcast %eq3A_1104 : i32 to vector<16xi32>
    %eq3A_1106 = arith.cmpi eq, %and3A_1087, %eq3A_1105 : vector<16xi32>
    %neg3A_1107 = arith.constant 0.000000e+00 : f32
    %neg3A_1108 = vector.broadcast %neg3A_1107 : f32 to vector<16xf32>
    %neg3A_1109 = arith.subf %neg3A_1108, %gather3A_1103 : vector<16xf32>
    %select_n3A_1110 = arith.select %eq3A_1106, %neg3A_1109, %gather3A_1103 : vector<16xi1>, vector<16xf32>
    %abs3A_1111 = math.absf %select_n3A_1110 : vector<16xf32>
    %neg3A_1112 = arith.constant 0.000000e+00 : f32
    %neg3A_1113 = vector.broadcast %neg3A_1112 : f32 to vector<16xf32>
    %neg3A_1114 = arith.subf %neg3A_1113, %abs3A_1111 : vector<16xf32>
    %exp3A_1115 = math.exp %neg3A_1114 : vector<16xf32>
    %ge3A_1116 = arith.constant 0.000000e+00 : f32
    %ge3A_1117 = vector.broadcast %ge3A_1116 : f32 to vector<16xf32>
    %ge3A_1118 = arith.cmpf oge, %select_n3A_1110, %ge3A_1117 : vector<16xf32>
    %jit3A_1119 = arith.constant 1.000000e+00 : f32
    %broadcast_in_dim3A_1120 = vector.broadcast %jit3A_1119 : f32 to vector<16xf32>
    %select_n3A_1121 = arith.select %ge3A_1118, %broadcast_in_dim3A_1120, %exp3A_1115 : vector<16xi1>, vector<16xf32>
    %mul3A_1122 = arith.mulf %mul3A_1076, %select_n3A_1121 : vector<16xf32>
    %add3A_1123 = arith.constant 1.000000e+00 : f32
    %add3A_1124 = vector.broadcast %add3A_1123 : f32 to vector<16xf32>
    %add3A_1125 = arith.addf %add3A_1124, %exp3A_1115 : vector<16xf32>
    %mul3A_1126 = arith.mulf %mul3A_1080, %add3A_1125 : vector<16xf32>
    %add3A_1127 = arith.addi %add3A_1081, %and3A_1087 : vector<16xi32>
    %shift_right_arithmetic3A_1128 = arith.constant 0 : i32
    %shift_right_arithmetic3A_1129 = vector.broadcast %shift_right_arithmetic3A_1128 : i32 to vector<16xi32>
    %shift_right_arithmetic3A_1130 = arith.shrsi %get3A_443, %shift_right_arithmetic3A_1129 : vector<16xi32>
    %and3A_1131 = arith.constant 1 : i32
    %and3A_1132 = vector.broadcast %and3A_1131 : i32 to vector<16xi32>
    %and3A_1133 = arith.andi %shift_right_arithmetic3A_1130, %and3A_1132 : vector<16xi32>
    %add3A_1134 = arith.constant 32767 : i32
    %add3A_1135 = vector.broadcast %add3A_1134 : i32 to vector<16xi32>
    %add3A_1136 = arith.addi %add3A_1135, %add3A_1127 : vector<16xi32>
    %shift_right_arithmetic3A_1137 = arith.constant 7 : i32
    %shift_right_arithmetic3A_1138 = vector.broadcast %shift_right_arithmetic3A_1137 : i32 to vector<16xi32>
    %shift_right_arithmetic3A_1139 = arith.shrsi %add3A_1136, %shift_right_arithmetic3A_1138 : vector<16xi32>
    %sub3A_1140 = arith.constant 255 : i32
    %sub3A_1141 = vector.broadcast %sub3A_1140 : i32 to vector<16xi32>
    %sub3A_1142 = arith.subi %shift_right_arithmetic3A_1139, %sub3A_1141 : vector<16xi32>
    %add3A_1143 = arith.constant 15 : i32
    %add3A_1144 = vector.broadcast %add3A_1143 : i32 to vector<16xi32>
    %add3A_1145 = arith.addi %add3A_1144, %sub3A_1142 : vector<16xi32>
    %and3A_1146 = arith.constant 127 : i32
    %and3A_1147 = vector.broadcast %and3A_1146 : i32 to vector<16xi32>
    %and3A_1148 = arith.andi %add3A_1136, %and3A_1147 : vector<16xi32>
    %gather3A_1149 = tpu.vector_load_idx %arg6[%add3A_1145, %iota3A, %and3A_1148] : memref<17x16x128xf32, #tpu.memory_space<vmem>>[vector<16xi32>, vector<16xi32>, vector<16xi32>], vector<16xf32>,
    %eq3A_1150 = arith.constant 1 : i32
    %eq3A_1151 = vector.broadcast %eq3A_1150 : i32 to vector<16xi32>
    %eq3A_1152 = arith.cmpi eq, %and3A_1133, %eq3A_1151 : vector<16xi32>
    %neg3A_1153 = arith.constant 0.000000e+00 : f32
    %neg3A_1154 = vector.broadcast %neg3A_1153 : f32 to vector<16xf32>
    %neg3A_1155 = arith.subf %neg3A_1154, %gather3A_1149 : vector<16xf32>
    %select_n3A_1156 = arith.select %eq3A_1152, %neg3A_1155, %gather3A_1149 : vector<16xi1>, vector<16xf32>
    %abs3A_1157 = math.absf %select_n3A_1156 : vector<16xf32>
    %neg3A_1158 = arith.constant 0.000000e+00 : f32
    %neg3A_1159 = vector.broadcast %neg3A_1158 : f32 to vector<16xf32>
    %neg3A_1160 = arith.subf %neg3A_1159, %abs3A_1157 : vector<16xf32>
    %exp3A_1161 = math.exp %neg3A_1160 : vector<16xf32>
    %ge3A_1162 = arith.constant 0.000000e+00 : f32
    %ge3A_1163 = vector.broadcast %ge3A_1162 : f32 to vector<16xf32>
    %ge3A_1164 = arith.cmpf oge, %select_n3A_1156, %ge3A_1163 : vector<16xf32>
    %jit3A_1165 = arith.constant 1.000000e+00 : f32
    %broadcast_in_dim3A_1166 = vector.broadcast %jit3A_1165 : f32 to vector<16xf32>
    %select_n3A_1167 = arith.select %ge3A_1164, %broadcast_in_dim3A_1166, %exp3A_1161 : vector<16xi1>, vector<16xf32>
    %mul3A_1168 = arith.mulf %mul3A_1122, %select_n3A_1167 : vector<16xf32>
    %add3A_1169 = arith.constant 1.000000e+00 : f32
    %add3A_1170 = vector.broadcast %add3A_1169 : f32 to vector<16xf32>
    %add3A_1171 = arith.addf %add3A_1170, %exp3A_1161 : vector<16xf32>
    %mul3A_1172 = arith.mulf %mul3A_1126, %add3A_1171 : vector<16xf32>
    %add3A_1173 = arith.addi %add3A_1127, %and3A_1133 : vector<16xi32>
    %div3A = arith.divf %mul3A_1168, %mul3A_1172 : vector<16xf32>
    %max3A = arith.constant 1.17549435E-38 : f32
    %max3A_1174 = vector.broadcast %max3A : f32 to vector<16xf32>
    %max3A_1175 = arith.maximumf %div3A, %max3A_1174 : vector<16xf32>
    %bitcast3A = vector.bitcast %max3A_1175 : vector<16xf32> to vector<16xi32>
    %shift_right_arithmetic3A_1176 = arith.constant 23 : i32
    %shift_right_arithmetic3A_1177 = vector.broadcast %shift_right_arithmetic3A_1176 : i32 to vector<16xi32>
    %shift_right_arithmetic3A_1178 = arith.shrsi %bitcast3A, %shift_right_arithmetic3A_1177 : vector<16xi32>
    %and3A_1179 = arith.constant 255 : i32
    %and3A_1180 = vector.broadcast %and3A_1179 : i32 to vector<16xi32>
    %and3A_1181 = arith.andi %shift_right_arithmetic3A_1178, %and3A_1180 : vector<16xi32>
    %sub3A_1182 = arith.constant 127 : i32
    %sub3A_1183 = vector.broadcast %sub3A_1182 : i32 to vector<16xi32>
    %sub3A_1184 = arith.subi %and3A_1181, %sub3A_1183 : vector<16xi32>
    %and3A_1185 = arith.constant 8388607 : i32
    %and3A_1186 = vector.broadcast %and3A_1185 : i32 to vector<16xi32>
    %and3A_1187 = arith.andi %bitcast3A, %and3A_1186 : vector<16xi32>
    %or3A = arith.constant 1065353216 : i32
    %or3A_1188 = vector.broadcast %or3A : i32 to vector<16xi32>
    %or3A_1189 = arith.ori %and3A_1187, %or3A_1188 : vector<16xi32>
    %bitcast3A_1190 = vector.bitcast %or3A_1189 : vector<16xi32> to vector<16xf32>
    %sub3A_1191 = arith.constant 1.000000e+00 : f32
    %sub3A_1192 = vector.broadcast %sub3A_1191 : f32 to vector<16xf32>
    %sub3A_1193 = arith.subf %bitcast3A_1190, %sub3A_1192 : vector<16xf32>
    %add3A_1194 = arith.constant 1.000000e+00 : f32
    %add3A_1195 = vector.broadcast %add3A_1194 : f32 to vector<16xf32>
    %add3A_1196 = arith.addf %bitcast3A_1190, %add3A_1195 : vector<16xf32>
    %div3A_1197 = arith.divf %sub3A_1193, %add3A_1196 : vector<16xf32>
    %mul3A_1198 = arith.mulf %div3A_1197, %div3A_1197 : vector<16xf32>
    %mul3A_1199 = arith.constant 0.412198573 : f32
    %mul3A_1200 = vector.broadcast %mul3A_1199 : f32 to vector<16xf32>
    %mul3A_1201 = arith.mulf %mul3A_1198, %mul3A_1200 : vector<16xf32>
    %add3A_1202 = arith.constant 0.577078044 : f32
    %add3A_1203 = vector.broadcast %add3A_1202 : f32 to vector<16xf32>
    %add3A_1204 = arith.addf %add3A_1203, %mul3A_1201 : vector<16xf32>
    %mul3A_1205 = arith.mulf %mul3A_1198, %add3A_1204 : vector<16xf32>
    %add3A_1206 = arith.constant 0.9617967 : f32
    %add3A_1207 = vector.broadcast %add3A_1206 : f32 to vector<16xf32>
    %add3A_1208 = arith.addf %add3A_1207, %mul3A_1205 : vector<16xf32>
    %mul3A_1209 = arith.mulf %mul3A_1198, %add3A_1208 : vector<16xf32>
    %add3A_1210 = arith.constant 2.885390e+00 : f32
    %add3A_1211 = vector.broadcast %add3A_1210 : f32 to vector<16xf32>
    %add3A_1212 = arith.addf %add3A_1211, %mul3A_1209 : vector<16xf32>
    %mul3A_1213 = arith.mulf %div3A_1197, %add3A_1212 : vector<16xf32>
    %neg3A_1214 = arith.constant 0.000000e+00 : f32
    %neg3A_1215 = arith.constant 0.693147182 : f32
    %neg3A_1216 = arith.subf %neg3A_1214, %neg3A_1215 : f32
    %convert_element_type3A = arith.sitofp %sub3A_1184 : vector<16xi32> to vector<16xf32>
    %add3A_1217 = arith.addf %convert_element_type3A, %mul3A_1213 : vector<16xf32>
    %mul3A_1218 = vector.broadcast %neg3A_1216 : f32 to vector<16xf32>
    %mul3A_1219 = arith.mulf %mul3A_1218, %add3A_1217 : vector<16xf32>
    %swap3A = arith.constant 0 : index
    %swap3A_1220 = tpu.vector_load %arg7[%swap3A] {strides = array<i32>} : memref<16xf32, #tpu.memory_space<vmem>>, vector<16xf32>,
    tpu.vector_store %arg7[%swap3A], %mul3A_1219 {strides = array<i32>} : memref<16xf32, #tpu.memory_space<vmem>>, vector<16xf32>,
    "tpu.region"() ({
      %run_scoped3A = tpu.sem_alloc : memref<!tpu.dma_semaphore, #tpu.memory_space<semaphore_mem>>
      %dma_start3A_1221 = arith.constant 0 : i32
      %dma_start3A_1222 = tpu.memref_slice %arg4[%add3A, %dma_start3A_1221] : memref<32x16xf32, #tpu.memory_space<hbm>> -> memref<1x16xf32, #tpu.memory_space<hbm>>
      %dma_start3A_1223 = tpu.memref_squeeze %dma_start3A_1222 : memref<1x16xf32, #tpu.memory_space<hbm>> -> memref<16xf32, #tpu.memory_space<hbm>>
      %dma_start3A_1224 = arith.constant 0 : i32
      %dma_start3A_1225 = tpu.memref_slice %arg4[%add3A, %dma_start3A_1224] : memref<32x16xf32, #tpu.memory_space<hbm>> -> memref<1x16xf32, #tpu.memory_space<hbm>>
      %dma_start3A_1226 = tpu.memref_squeeze %dma_start3A_1225 : memref<1x16xf32, #tpu.memory_space<hbm>> -> memref<16xf32, #tpu.memory_space<hbm>>
      tpu.enqueue_dma source(%arg7 : memref<16xf32, #tpu.memory_space<vmem>>) target(%dma_start3A_1226 : memref<16xf32, #tpu.memory_space<hbm>>) target_semaphore(%run_scoped3A : memref<!tpu.dma_semaphore, #tpu.memory_space<semaphore_mem>>)
      %dma_wait3A_1227 = arith.constant 0 : i32
      %dma_wait3A_1228 = tpu.memref_slice %arg4[%add3A, %dma_wait3A_1227] : memref<32x16xf32, #tpu.memory_space<hbm>> -> memref<1x16xf32, #tpu.memory_space<hbm>>
      %dma_wait3A_1229 = tpu.memref_squeeze %dma_wait3A_1228 : memref<1x16xf32, #tpu.memory_space<hbm>> -> memref<16xf32, #tpu.memory_space<hbm>>
      %dma_wait3A_1230 = arith.constant 0 : i32
      %dma_wait3A_1231 = tpu.memref_slice %arg4[%add3A, %dma_wait3A_1230] : memref<32x16xf32, #tpu.memory_space<hbm>> -> memref<1x16xf32, #tpu.memory_space<hbm>>
      %dma_wait3A_1232 = tpu.memref_squeeze %dma_wait3A_1231 : memref<1x16xf32, #tpu.memory_space<hbm>> -> memref<16xf32, #tpu.memory_space<hbm>>
      tpu.wait_dma2 semaphore(%run_scoped3A : memref<!tpu.dma_semaphore, #tpu.memory_space<semaphore_mem>>) src(%arg7 : memref<16xf32, #tpu.memory_space<vmem>>) dst(%dma_wait3A_1232 : memref<16xf32, #tpu.memory_space<hbm>>)
      tpu.yield
    }) : () -> ()
    return
  }
}

module attributes {stable_mosaic.version = 14 : i64} {
  func.func @_tc_body(%arg0: memref<1024x65536xf32, #tpu.memory_space<any>>, %arg1: memref<1024xi32, #tpu.memory_space<any>>, %arg2: memref<1x1xf32, #tpu.memory_space<smem>>, %arg3: memref<17x512x128xf32, #tpu.memory_space<vmem>>, %arg4: memref<512xi32, #tpu.memory_space<vmem>>, %arg5: memref<17x!tpu.dma_semaphore, #tpu.memory_space<semaphore_mem>>, %arg6: memref<!tpu.dma_semaphore, #tpu.memory_space<semaphore_mem>>) attributes {dimension_semantics = [], scalar_prefetch = 0 : i64, scratch_operands = 4 : i64, tpu.core_type = #tpu.core_type<tc>} {
    %dma_start3A = arith.constant 512 : i32
    %dma_start3A_0 = tpu.memref_slice %arg1[%dma_start3A] : memref<1024xi32, #tpu.memory_space<any>> -> memref<512xi32, #tpu.memory_space<any>>
    tpu.enqueue_dma source(%dma_start3A_0 : memref<512xi32, #tpu.memory_space<any>>) target(%arg4 : memref<512xi32, #tpu.memory_space<vmem>>) target_semaphore(%arg6 : memref<!tpu.dma_semaphore, #tpu.memory_space<semaphore_mem>>)
    %dma_start3A_1 = arith.constant 0 : i32
    %dma_start3A_2 = arith.constant 0 : i32
    %dma_start3A_3 = tpu.memref_slice %arg5[%dma_start3A_2] : memref<17x!tpu.dma_semaphore, #tpu.memory_space<semaphore_mem>> -> memref<1x!tpu.dma_semaphore, #tpu.memory_space<semaphore_mem>>
    %dma_start3A_4 = tpu.memref_squeeze %dma_start3A_3 : memref<1x!tpu.dma_semaphore, #tpu.memory_space<semaphore_mem>> -> memref<!tpu.dma_semaphore, #tpu.memory_space<semaphore_mem>>
    %dma_start3A_5 = arith.constant 0 : i32
    %dma_start3A_6 = arith.constant 0 : i32
    %dma_start3A_7 = tpu.memref_slice %arg3[%dma_start3A_1, %dma_start3A_5, %dma_start3A_6] : memref<17x512x128xf32, #tpu.memory_space<vmem>> -> memref<1x512x128xf32, #tpu.memory_space<vmem>>
    %dma_start3A_8 = tpu.memref_squeeze %dma_start3A_7 : memref<1x512x128xf32, #tpu.memory_space<vmem>> -> memref<512x128xf32, #tpu.memory_space<vmem>>
    %dma_start3A_9 = arith.constant 512 : i32
    %dma_start3A_10 = arith.constant 0 : i32
    %dma_start3A_11 = tpu.memref_slice %arg0[%dma_start3A_9, %dma_start3A_10] : memref<1024x65536xf32, #tpu.memory_space<any>> -> memref<512x128xf32, #tpu.memory_space<any>>
    tpu.enqueue_dma source(%dma_start3A_11 : memref<512x128xf32, #tpu.memory_space<any>>) target(%dma_start3A_8 : memref<512x128xf32, #tpu.memory_space<vmem>>) target_semaphore(%dma_start3A_4 : memref<!tpu.dma_semaphore, #tpu.memory_space<semaphore_mem>>)
    %dma_start3A_12 = arith.constant 1 : i32
    %dma_start3A_13 = arith.constant 1 : i32
    %dma_start3A_14 = tpu.memref_slice %arg5[%dma_start3A_13] : memref<17x!tpu.dma_semaphore, #tpu.memory_space<semaphore_mem>> -> memref<1x!tpu.dma_semaphore, #tpu.memory_space<semaphore_mem>>
    %dma_start3A_15 = tpu.memref_squeeze %dma_start3A_14 : memref<1x!tpu.dma_semaphore, #tpu.memory_space<semaphore_mem>> -> memref<!tpu.dma_semaphore, #tpu.memory_space<semaphore_mem>>
    %dma_start3A_16 = arith.constant 0 : i32
    %dma_start3A_17 = arith.constant 0 : i32
    %dma_start3A_18 = tpu.memref_slice %arg3[%dma_start3A_12, %dma_start3A_16, %dma_start3A_17] : memref<17x512x128xf32, #tpu.memory_space<vmem>> -> memref<1x512x128xf32, #tpu.memory_space<vmem>>
    %dma_start3A_19 = tpu.memref_squeeze %dma_start3A_18 : memref<1x512x128xf32, #tpu.memory_space<vmem>> -> memref<512x128xf32, #tpu.memory_space<vmem>>
    %dma_start3A_20 = arith.constant 512 : i32
    %dma_start3A_21 = arith.constant 128 : i32
    %dma_start3A_22 = tpu.memref_slice %arg0[%dma_start3A_20, %dma_start3A_21] : memref<1024x65536xf32, #tpu.memory_space<any>> -> memref<512x128xf32, #tpu.memory_space<any>>
    tpu.enqueue_dma source(%dma_start3A_22 : memref<512x128xf32, #tpu.memory_space<any>>) target(%dma_start3A_19 : memref<512x128xf32, #tpu.memory_space<vmem>>) target_semaphore(%dma_start3A_15 : memref<!tpu.dma_semaphore, #tpu.memory_space<semaphore_mem>>)
    %dma_start3A_23 = arith.constant 2 : i32
    %dma_start3A_24 = arith.constant 2 : i32
    %dma_start3A_25 = tpu.memref_slice %arg5[%dma_start3A_24] : memref<17x!tpu.dma_semaphore, #tpu.memory_space<semaphore_mem>> -> memref<1x!tpu.dma_semaphore, #tpu.memory_space<semaphore_mem>>
    %dma_start3A_26 = tpu.memref_squeeze %dma_start3A_25 : memref<1x!tpu.dma_semaphore, #tpu.memory_space<semaphore_mem>> -> memref<!tpu.dma_semaphore, #tpu.memory_space<semaphore_mem>>
    %dma_start3A_27 = arith.constant 0 : i32
    %dma_start3A_28 = arith.constant 0 : i32
    %dma_start3A_29 = tpu.memref_slice %arg3[%dma_start3A_23, %dma_start3A_27, %dma_start3A_28] : memref<17x512x128xf32, #tpu.memory_space<vmem>> -> memref<1x512x128xf32, #tpu.memory_space<vmem>>
    %dma_start3A_30 = tpu.memref_squeeze %dma_start3A_29 : memref<1x512x128xf32, #tpu.memory_space<vmem>> -> memref<512x128xf32, #tpu.memory_space<vmem>>
    %dma_start3A_31 = arith.constant 512 : i32
    %dma_start3A_32 = arith.constant 256 : i32
    %dma_start3A_33 = tpu.memref_slice %arg0[%dma_start3A_31, %dma_start3A_32] : memref<1024x65536xf32, #tpu.memory_space<any>> -> memref<512x128xf32, #tpu.memory_space<any>>
    tpu.enqueue_dma source(%dma_start3A_33 : memref<512x128xf32, #tpu.memory_space<any>>) target(%dma_start3A_30 : memref<512x128xf32, #tpu.memory_space<vmem>>) target_semaphore(%dma_start3A_26 : memref<!tpu.dma_semaphore, #tpu.memory_space<semaphore_mem>>)
    %dma_start3A_34 = arith.constant 3 : i32
    %dma_start3A_35 = arith.constant 3 : i32
    %dma_start3A_36 = tpu.memref_slice %arg5[%dma_start3A_35] : memref<17x!tpu.dma_semaphore, #tpu.memory_space<semaphore_mem>> -> memref<1x!tpu.dma_semaphore, #tpu.memory_space<semaphore_mem>>
    %dma_start3A_37 = tpu.memref_squeeze %dma_start3A_36 : memref<1x!tpu.dma_semaphore, #tpu.memory_space<semaphore_mem>> -> memref<!tpu.dma_semaphore, #tpu.memory_space<semaphore_mem>>
    %dma_start3A_38 = arith.constant 0 : i32
    %dma_start3A_39 = arith.constant 0 : i32
    %dma_start3A_40 = tpu.memref_slice %arg3[%dma_start3A_34, %dma_start3A_38, %dma_start3A_39] : memref<17x512x128xf32, #tpu.memory_space<vmem>> -> memref<1x512x128xf32, #tpu.memory_space<vmem>>
    %dma_start3A_41 = tpu.memref_squeeze %dma_start3A_40 : memref<1x512x128xf32, #tpu.memory_space<vmem>> -> memref<512x128xf32, #tpu.memory_space<vmem>>
    %dma_start3A_42 = arith.constant 512 : i32
    %dma_start3A_43 = arith.constant 384 : i32
    %dma_start3A_44 = tpu.memref_slice %arg0[%dma_start3A_42, %dma_start3A_43] : memref<1024x65536xf32, #tpu.memory_space<any>> -> memref<512x128xf32, #tpu.memory_space<any>>
    tpu.enqueue_dma source(%dma_start3A_44 : memref<512x128xf32, #tpu.memory_space<any>>) target(%dma_start3A_41 : memref<512x128xf32, #tpu.memory_space<vmem>>) target_semaphore(%dma_start3A_37 : memref<!tpu.dma_semaphore, #tpu.memory_space<semaphore_mem>>)
    %dma_start3A_45 = arith.constant 4 : i32
    %dma_start3A_46 = arith.constant 4 : i32
    %dma_start3A_47 = tpu.memref_slice %arg5[%dma_start3A_46] : memref<17x!tpu.dma_semaphore, #tpu.memory_space<semaphore_mem>> -> memref<1x!tpu.dma_semaphore, #tpu.memory_space<semaphore_mem>>
    %dma_start3A_48 = tpu.memref_squeeze %dma_start3A_47 : memref<1x!tpu.dma_semaphore, #tpu.memory_space<semaphore_mem>> -> memref<!tpu.dma_semaphore, #tpu.memory_space<semaphore_mem>>
    %dma_start3A_49 = arith.constant 0 : i32
    %dma_start3A_50 = arith.constant 0 : i32
    %dma_start3A_51 = tpu.memref_slice %arg3[%dma_start3A_45, %dma_start3A_49, %dma_start3A_50] : memref<17x512x128xf32, #tpu.memory_space<vmem>> -> memref<1x512x128xf32, #tpu.memory_space<vmem>>
    %dma_start3A_52 = tpu.memref_squeeze %dma_start3A_51 : memref<1x512x128xf32, #tpu.memory_space<vmem>> -> memref<512x128xf32, #tpu.memory_space<vmem>>
    %dma_start3A_53 = arith.constant 512 : i32
    %dma_start3A_54 = arith.constant 512 : i32
    %dma_start3A_55 = tpu.memref_slice %arg0[%dma_start3A_53, %dma_start3A_54] : memref<1024x65536xf32, #tpu.memory_space<any>> -> memref<512x128xf32, #tpu.memory_space<any>>
    tpu.enqueue_dma source(%dma_start3A_55 : memref<512x128xf32, #tpu.memory_space<any>>) target(%dma_start3A_52 : memref<512x128xf32, #tpu.memory_space<vmem>>) target_semaphore(%dma_start3A_48 : memref<!tpu.dma_semaphore, #tpu.memory_space<semaphore_mem>>)
    %dma_start3A_56 = arith.constant 5 : i32
    %dma_start3A_57 = arith.constant 5 : i32
    %dma_start3A_58 = tpu.memref_slice %arg5[%dma_start3A_57] : memref<17x!tpu.dma_semaphore, #tpu.memory_space<semaphore_mem>> -> memref<1x!tpu.dma_semaphore, #tpu.memory_space<semaphore_mem>>
    %dma_start3A_59 = tpu.memref_squeeze %dma_start3A_58 : memref<1x!tpu.dma_semaphore, #tpu.memory_space<semaphore_mem>> -> memref<!tpu.dma_semaphore, #tpu.memory_space<semaphore_mem>>
    %dma_start3A_60 = arith.constant 0 : i32
    %dma_start3A_61 = arith.constant 0 : i32
    %dma_start3A_62 = tpu.memref_slice %arg3[%dma_start3A_56, %dma_start3A_60, %dma_start3A_61] : memref<17x512x128xf32, #tpu.memory_space<vmem>> -> memref<1x512x128xf32, #tpu.memory_space<vmem>>
    %dma_start3A_63 = tpu.memref_squeeze %dma_start3A_62 : memref<1x512x128xf32, #tpu.memory_space<vmem>> -> memref<512x128xf32, #tpu.memory_space<vmem>>
    %dma_start3A_64 = arith.constant 512 : i32
    %dma_start3A_65 = arith.constant 896 : i32
    %dma_start3A_66 = tpu.memref_slice %arg0[%dma_start3A_64, %dma_start3A_65] : memref<1024x65536xf32, #tpu.memory_space<any>> -> memref<512x128xf32, #tpu.memory_space<any>>
    tpu.enqueue_dma source(%dma_start3A_66 : memref<512x128xf32, #tpu.memory_space<any>>) target(%dma_start3A_63 : memref<512x128xf32, #tpu.memory_space<vmem>>) target_semaphore(%dma_start3A_59 : memref<!tpu.dma_semaphore, #tpu.memory_space<semaphore_mem>>)
    %dma_start3A_67 = arith.constant 6 : i32
    %dma_start3A_68 = arith.constant 6 : i32
    %dma_start3A_69 = tpu.memref_slice %arg5[%dma_start3A_68] : memref<17x!tpu.dma_semaphore, #tpu.memory_space<semaphore_mem>> -> memref<1x!tpu.dma_semaphore, #tpu.memory_space<semaphore_mem>>
    %dma_start3A_70 = tpu.memref_squeeze %dma_start3A_69 : memref<1x!tpu.dma_semaphore, #tpu.memory_space<semaphore_mem>> -> memref<!tpu.dma_semaphore, #tpu.memory_space<semaphore_mem>>
    %dma_start3A_71 = arith.constant 0 : i32
    %dma_start3A_72 = arith.constant 0 : i32
    %dma_start3A_73 = tpu.memref_slice %arg3[%dma_start3A_67, %dma_start3A_71, %dma_start3A_72] : memref<17x512x128xf32, #tpu.memory_space<vmem>> -> memref<1x512x128xf32, #tpu.memory_space<vmem>>
    %dma_start3A_74 = tpu.memref_squeeze %dma_start3A_73 : memref<1x512x128xf32, #tpu.memory_space<vmem>> -> memref<512x128xf32, #tpu.memory_space<vmem>>
    %dma_start3A_75 = arith.constant 512 : i32
    %dma_start3A_76 = arith.constant 1024 : i32
    %dma_start3A_77 = tpu.memref_slice %arg0[%dma_start3A_75, %dma_start3A_76] : memref<1024x65536xf32, #tpu.memory_space<any>> -> memref<512x128xf32, #tpu.memory_space<any>>
    tpu.enqueue_dma source(%dma_start3A_77 : memref<512x128xf32, #tpu.memory_space<any>>) target(%dma_start3A_74 : memref<512x128xf32, #tpu.memory_space<vmem>>) target_semaphore(%dma_start3A_70 : memref<!tpu.dma_semaphore, #tpu.memory_space<semaphore_mem>>)
    %dma_start3A_78 = arith.constant 7 : i32
    %dma_start3A_79 = arith.constant 7 : i32
    %dma_start3A_80 = tpu.memref_slice %arg5[%dma_start3A_79] : memref<17x!tpu.dma_semaphore, #tpu.memory_space<semaphore_mem>> -> memref<1x!tpu.dma_semaphore, #tpu.memory_space<semaphore_mem>>
    %dma_start3A_81 = tpu.memref_squeeze %dma_start3A_80 : memref<1x!tpu.dma_semaphore, #tpu.memory_space<semaphore_mem>> -> memref<!tpu.dma_semaphore, #tpu.memory_space<semaphore_mem>>
    %dma_start3A_82 = arith.constant 0 : i32
    %dma_start3A_83 = arith.constant 0 : i32
    %dma_start3A_84 = tpu.memref_slice %arg3[%dma_start3A_78, %dma_start3A_82, %dma_start3A_83] : memref<17x512x128xf32, #tpu.memory_space<vmem>> -> memref<1x512x128xf32, #tpu.memory_space<vmem>>
    %dma_start3A_85 = tpu.memref_squeeze %dma_start3A_84 : memref<1x512x128xf32, #tpu.memory_space<vmem>> -> memref<512x128xf32, #tpu.memory_space<vmem>>
    %dma_start3A_86 = arith.constant 512 : i32
    %dma_start3A_87 = arith.constant 1920 : i32
    %dma_start3A_88 = tpu.memref_slice %arg0[%dma_start3A_86, %dma_start3A_87] : memref<1024x65536xf32, #tpu.memory_space<any>> -> memref<512x128xf32, #tpu.memory_space<any>>
    tpu.enqueue_dma source(%dma_start3A_88 : memref<512x128xf32, #tpu.memory_space<any>>) target(%dma_start3A_85 : memref<512x128xf32, #tpu.memory_space<vmem>>) target_semaphore(%dma_start3A_81 : memref<!tpu.dma_semaphore, #tpu.memory_space<semaphore_mem>>)
    %dma_start3A_89 = arith.constant 8 : i32
    %dma_start3A_90 = arith.constant 8 : i32
    %dma_start3A_91 = tpu.memref_slice %arg5[%dma_start3A_90] : memref<17x!tpu.dma_semaphore, #tpu.memory_space<semaphore_mem>> -> memref<1x!tpu.dma_semaphore, #tpu.memory_space<semaphore_mem>>
    %dma_start3A_92 = tpu.memref_squeeze %dma_start3A_91 : memref<1x!tpu.dma_semaphore, #tpu.memory_space<semaphore_mem>> -> memref<!tpu.dma_semaphore, #tpu.memory_space<semaphore_mem>>
    %dma_start3A_93 = arith.constant 0 : i32
    %dma_start3A_94 = arith.constant 0 : i32
    %dma_start3A_95 = tpu.memref_slice %arg3[%dma_start3A_89, %dma_start3A_93, %dma_start3A_94] : memref<17x512x128xf32, #tpu.memory_space<vmem>> -> memref<1x512x128xf32, #tpu.memory_space<vmem>>
    %dma_start3A_96 = tpu.memref_squeeze %dma_start3A_95 : memref<1x512x128xf32, #tpu.memory_space<vmem>> -> memref<512x128xf32, #tpu.memory_space<vmem>>
    %dma_start3A_97 = arith.constant 512 : i32
    %dma_start3A_98 = arith.constant 2048 : i32
    %dma_start3A_99 = tpu.memref_slice %arg0[%dma_start3A_97, %dma_start3A_98] : memref<1024x65536xf32, #tpu.memory_space<any>> -> memref<512x128xf32, #tpu.memory_space<any>>
    tpu.enqueue_dma source(%dma_start3A_99 : memref<512x128xf32, #tpu.memory_space<any>>) target(%dma_start3A_96 : memref<512x128xf32, #tpu.memory_space<vmem>>) target_semaphore(%dma_start3A_92 : memref<!tpu.dma_semaphore, #tpu.memory_space<semaphore_mem>>)
    %dma_start3A_100 = arith.constant 9 : i32
    %dma_start3A_101 = arith.constant 9 : i32
    %dma_start3A_102 = tpu.memref_slice %arg5[%dma_start3A_101] : memref<17x!tpu.dma_semaphore, #tpu.memory_space<semaphore_mem>> -> memref<1x!tpu.dma_semaphore, #tpu.memory_space<semaphore_mem>>
    %dma_start3A_103 = tpu.memref_squeeze %dma_start3A_102 : memref<1x!tpu.dma_semaphore, #tpu.memory_space<semaphore_mem>> -> memref<!tpu.dma_semaphore, #tpu.memory_space<semaphore_mem>>
    %dma_start3A_104 = arith.constant 0 : i32
    %dma_start3A_105 = arith.constant 0 : i32
    %dma_start3A_106 = tpu.memref_slice %arg3[%dma_start3A_100, %dma_start3A_104, %dma_start3A_105] : memref<17x512x128xf32, #tpu.memory_space<vmem>> -> memref<1x512x128xf32, #tpu.memory_space<vmem>>
    %dma_start3A_107 = tpu.memref_squeeze %dma_start3A_106 : memref<1x512x128xf32, #tpu.memory_space<vmem>> -> memref<512x128xf32, #tpu.memory_space<vmem>>
    %dma_start3A_108 = arith.constant 512 : i32
    %dma_start3A_109 = arith.constant 3968 : i32
    %dma_start3A_110 = tpu.memref_slice %arg0[%dma_start3A_108, %dma_start3A_109] : memref<1024x65536xf32, #tpu.memory_space<any>> -> memref<512x128xf32, #tpu.memory_space<any>>
    tpu.enqueue_dma source(%dma_start3A_110 : memref<512x128xf32, #tpu.memory_space<any>>) target(%dma_start3A_107 : memref<512x128xf32, #tpu.memory_space<vmem>>) target_semaphore(%dma_start3A_103 : memref<!tpu.dma_semaphore, #tpu.memory_space<semaphore_mem>>)
    %dma_start3A_111 = arith.constant 10 : i32
    %dma_start3A_112 = arith.constant 10 : i32
    %dma_start3A_113 = tpu.memref_slice %arg5[%dma_start3A_112] : memref<17x!tpu.dma_semaphore, #tpu.memory_space<semaphore_mem>> -> memref<1x!tpu.dma_semaphore, #tpu.memory_space<semaphore_mem>>
    %dma_start3A_114 = tpu.memref_squeeze %dma_start3A_113 : memref<1x!tpu.dma_semaphore, #tpu.memory_space<semaphore_mem>> -> memref<!tpu.dma_semaphore, #tpu.memory_space<semaphore_mem>>
    %dma_start3A_115 = arith.constant 0 : i32
    %dma_start3A_116 = arith.constant 0 : i32
    %dma_start3A_117 = tpu.memref_slice %arg3[%dma_start3A_111, %dma_start3A_115, %dma_start3A_116] : memref<17x512x128xf32, #tpu.memory_space<vmem>> -> memref<1x512x128xf32, #tpu.memory_space<vmem>>
    %dma_start3A_118 = tpu.memref_squeeze %dma_start3A_117 : memref<1x512x128xf32, #tpu.memory_space<vmem>> -> memref<512x128xf32, #tpu.memory_space<vmem>>
    %dma_start3A_119 = arith.constant 512 : i32
    %dma_start3A_120 = arith.constant 4096 : i32
    %dma_start3A_121 = tpu.memref_slice %arg0[%dma_start3A_119, %dma_start3A_120] : memref<1024x65536xf32, #tpu.memory_space<any>> -> memref<512x128xf32, #tpu.memory_space<any>>
    tpu.enqueue_dma source(%dma_start3A_121 : memref<512x128xf32, #tpu.memory_space<any>>) target(%dma_start3A_118 : memref<512x128xf32, #tpu.memory_space<vmem>>) target_semaphore(%dma_start3A_114 : memref<!tpu.dma_semaphore, #tpu.memory_space<semaphore_mem>>)
    %dma_start3A_122 = arith.constant 11 : i32
    %dma_start3A_123 = arith.constant 11 : i32
    %dma_start3A_124 = tpu.memref_slice %arg5[%dma_start3A_123] : memref<17x!tpu.dma_semaphore, #tpu.memory_space<semaphore_mem>> -> memref<1x!tpu.dma_semaphore, #tpu.memory_space<semaphore_mem>>
    %dma_start3A_125 = tpu.memref_squeeze %dma_start3A_124 : memref<1x!tpu.dma_semaphore, #tpu.memory_space<semaphore_mem>> -> memref<!tpu.dma_semaphore, #tpu.memory_space<semaphore_mem>>
    %dma_start3A_126 = arith.constant 0 : i32
    %dma_start3A_127 = arith.constant 0 : i32
    %dma_start3A_128 = tpu.memref_slice %arg3[%dma_start3A_122, %dma_start3A_126, %dma_start3A_127] : memref<17x512x128xf32, #tpu.memory_space<vmem>> -> memref<1x512x128xf32, #tpu.memory_space<vmem>>
    %dma_start3A_129 = tpu.memref_squeeze %dma_start3A_128 : memref<1x512x128xf32, #tpu.memory_space<vmem>> -> memref<512x128xf32, #tpu.memory_space<vmem>>
    %dma_start3A_130 = arith.constant 512 : i32
    %dma_start3A_131 = arith.constant 8064 : i32
    %dma_start3A_132 = tpu.memref_slice %arg0[%dma_start3A_130, %dma_start3A_131] : memref<1024x65536xf32, #tpu.memory_space<any>> -> memref<512x128xf32, #tpu.memory_space<any>>
    tpu.enqueue_dma source(%dma_start3A_132 : memref<512x128xf32, #tpu.memory_space<any>>) target(%dma_start3A_129 : memref<512x128xf32, #tpu.memory_space<vmem>>) target_semaphore(%dma_start3A_125 : memref<!tpu.dma_semaphore, #tpu.memory_space<semaphore_mem>>)
    %dma_start3A_133 = arith.constant 12 : i32
    %dma_start3A_134 = arith.constant 12 : i32
    %dma_start3A_135 = tpu.memref_slice %arg5[%dma_start3A_134] : memref<17x!tpu.dma_semaphore, #tpu.memory_space<semaphore_mem>> -> memref<1x!tpu.dma_semaphore, #tpu.memory_space<semaphore_mem>>
    %dma_start3A_136 = tpu.memref_squeeze %dma_start3A_135 : memref<1x!tpu.dma_semaphore, #tpu.memory_space<semaphore_mem>> -> memref<!tpu.dma_semaphore, #tpu.memory_space<semaphore_mem>>
    %dma_start3A_137 = arith.constant 0 : i32
    %dma_start3A_138 = arith.constant 0 : i32
    %dma_start3A_139 = tpu.memref_slice %arg3[%dma_start3A_133, %dma_start3A_137, %dma_start3A_138] : memref<17x512x128xf32, #tpu.memory_space<vmem>> -> memref<1x512x128xf32, #tpu.memory_space<vmem>>
    %dma_start3A_140 = tpu.memref_squeeze %dma_start3A_139 : memref<1x512x128xf32, #tpu.memory_space<vmem>> -> memref<512x128xf32, #tpu.memory_space<vmem>>
    %dma_start3A_141 = arith.constant 512 : i32
    %dma_start3A_142 = arith.constant 8192 : i32
    %dma_start3A_143 = tpu.memref_slice %arg0[%dma_start3A_141, %dma_start3A_142] : memref<1024x65536xf32, #tpu.memory_space<any>> -> memref<512x128xf32, #tpu.memory_space<any>>
    tpu.enqueue_dma source(%dma_start3A_143 : memref<512x128xf32, #tpu.memory_space<any>>) target(%dma_start3A_140 : memref<512x128xf32, #tpu.memory_space<vmem>>) target_semaphore(%dma_start3A_136 : memref<!tpu.dma_semaphore, #tpu.memory_space<semaphore_mem>>)
    %dma_start3A_144 = arith.constant 13 : i32
    %dma_start3A_145 = arith.constant 13 : i32
    %dma_start3A_146 = tpu.memref_slice %arg5[%dma_start3A_145] : memref<17x!tpu.dma_semaphore, #tpu.memory_space<semaphore_mem>> -> memref<1x!tpu.dma_semaphore, #tpu.memory_space<semaphore_mem>>
    %dma_start3A_147 = tpu.memref_squeeze %dma_start3A_146 : memref<1x!tpu.dma_semaphore, #tpu.memory_space<semaphore_mem>> -> memref<!tpu.dma_semaphore, #tpu.memory_space<semaphore_mem>>
    %dma_start3A_148 = arith.constant 0 : i32
    %dma_start3A_149 = arith.constant 0 : i32
    %dma_start3A_150 = tpu.memref_slice %arg3[%dma_start3A_144, %dma_start3A_148, %dma_start3A_149] : memref<17x512x128xf32, #tpu.memory_space<vmem>> -> memref<1x512x128xf32, #tpu.memory_space<vmem>>
    %dma_start3A_151 = tpu.memref_squeeze %dma_start3A_150 : memref<1x512x128xf32, #tpu.memory_space<vmem>> -> memref<512x128xf32, #tpu.memory_space<vmem>>
    %dma_start3A_152 = arith.constant 512 : i32
    %dma_start3A_153 = arith.constant 16256 : i32
    %dma_start3A_154 = tpu.memref_slice %arg0[%dma_start3A_152, %dma_start3A_153] : memref<1024x65536xf32, #tpu.memory_space<any>> -> memref<512x128xf32, #tpu.memory_space<any>>
    tpu.enqueue_dma source(%dma_start3A_154 : memref<512x128xf32, #tpu.memory_space<any>>) target(%dma_start3A_151 : memref<512x128xf32, #tpu.memory_space<vmem>>) target_semaphore(%dma_start3A_147 : memref<!tpu.dma_semaphore, #tpu.memory_space<semaphore_mem>>)
    %dma_start3A_155 = arith.constant 14 : i32
    %dma_start3A_156 = arith.constant 14 : i32
    %dma_start3A_157 = tpu.memref_slice %arg5[%dma_start3A_156] : memref<17x!tpu.dma_semaphore, #tpu.memory_space<semaphore_mem>> -> memref<1x!tpu.dma_semaphore, #tpu.memory_space<semaphore_mem>>
    %dma_start3A_158 = tpu.memref_squeeze %dma_start3A_157 : memref<1x!tpu.dma_semaphore, #tpu.memory_space<semaphore_mem>> -> memref<!tpu.dma_semaphore, #tpu.memory_space<semaphore_mem>>
    %dma_start3A_159 = arith.constant 0 : i32
    %dma_start3A_160 = arith.constant 0 : i32
    %dma_start3A_161 = tpu.memref_slice %arg3[%dma_start3A_155, %dma_start3A_159, %dma_start3A_160] : memref<17x512x128xf32, #tpu.memory_space<vmem>> -> memref<1x512x128xf32, #tpu.memory_space<vmem>>
    %dma_start3A_162 = tpu.memref_squeeze %dma_start3A_161 : memref<1x512x128xf32, #tpu.memory_space<vmem>> -> memref<512x128xf32, #tpu.memory_space<vmem>>
    %dma_start3A_163 = arith.constant 512 : i32
    %dma_start3A_164 = arith.constant 16384 : i32
    %dma_start3A_165 = tpu.memref_slice %arg0[%dma_start3A_163, %dma_start3A_164] : memref<1024x65536xf32, #tpu.memory_space<any>> -> memref<512x128xf32, #tpu.memory_space<any>>
    tpu.enqueue_dma source(%dma_start3A_165 : memref<512x128xf32, #tpu.memory_space<any>>) target(%dma_start3A_162 : memref<512x128xf32, #tpu.memory_space<vmem>>) target_semaphore(%dma_start3A_158 : memref<!tpu.dma_semaphore, #tpu.memory_space<semaphore_mem>>)
    %dma_start3A_166 = arith.constant 15 : i32
    %dma_start3A_167 = arith.constant 15 : i32
    %dma_start3A_168 = tpu.memref_slice %arg5[%dma_start3A_167] : memref<17x!tpu.dma_semaphore, #tpu.memory_space<semaphore_mem>> -> memref<1x!tpu.dma_semaphore, #tpu.memory_space<semaphore_mem>>
    %dma_start3A_169 = tpu.memref_squeeze %dma_start3A_168 : memref<1x!tpu.dma_semaphore, #tpu.memory_space<semaphore_mem>> -> memref<!tpu.dma_semaphore, #tpu.memory_space<semaphore_mem>>
    %dma_start3A_170 = arith.constant 0 : i32
    %dma_start3A_171 = arith.constant 0 : i32
    %dma_start3A_172 = tpu.memref_slice %arg3[%dma_start3A_166, %dma_start3A_170, %dma_start3A_171] : memref<17x512x128xf32, #tpu.memory_space<vmem>> -> memref<1x512x128xf32, #tpu.memory_space<vmem>>
    %dma_start3A_173 = tpu.memref_squeeze %dma_start3A_172 : memref<1x512x128xf32, #tpu.memory_space<vmem>> -> memref<512x128xf32, #tpu.memory_space<vmem>>
    %dma_start3A_174 = arith.constant 512 : i32
    %dma_start3A_175 = arith.constant 32640 : i32
    %dma_start3A_176 = tpu.memref_slice %arg0[%dma_start3A_174, %dma_start3A_175] : memref<1024x65536xf32, #tpu.memory_space<any>> -> memref<512x128xf32, #tpu.memory_space<any>>
    tpu.enqueue_dma source(%dma_start3A_176 : memref<512x128xf32, #tpu.memory_space<any>>) target(%dma_start3A_173 : memref<512x128xf32, #tpu.memory_space<vmem>>) target_semaphore(%dma_start3A_169 : memref<!tpu.dma_semaphore, #tpu.memory_space<semaphore_mem>>)
    %dma_start3A_177 = arith.constant 16 : i32
    %dma_start3A_178 = arith.constant 16 : i32
    %dma_start3A_179 = tpu.memref_slice %arg5[%dma_start3A_178] : memref<17x!tpu.dma_semaphore, #tpu.memory_space<semaphore_mem>> -> memref<1x!tpu.dma_semaphore, #tpu.memory_space<semaphore_mem>>
    %dma_start3A_180 = tpu.memref_squeeze %dma_start3A_179 : memref<1x!tpu.dma_semaphore, #tpu.memory_space<semaphore_mem>> -> memref<!tpu.dma_semaphore, #tpu.memory_space<semaphore_mem>>
    %dma_start3A_181 = arith.constant 0 : i32
    %dma_start3A_182 = arith.constant 0 : i32
    %dma_start3A_183 = tpu.memref_slice %arg3[%dma_start3A_177, %dma_start3A_181, %dma_start3A_182] : memref<17x512x128xf32, #tpu.memory_space<vmem>> -> memref<1x512x128xf32, #tpu.memory_space<vmem>>
    %dma_start3A_184 = tpu.memref_squeeze %dma_start3A_183 : memref<1x512x128xf32, #tpu.memory_space<vmem>> -> memref<512x128xf32, #tpu.memory_space<vmem>>
    %dma_start3A_185 = arith.constant 512 : i32
    %dma_start3A_186 = arith.constant 32768 : i32
    %dma_start3A_187 = tpu.memref_slice %arg0[%dma_start3A_185, %dma_start3A_186] : memref<1024x65536xf32, #tpu.memory_space<any>> -> memref<512x128xf32, #tpu.memory_space<any>>
    tpu.enqueue_dma source(%dma_start3A_187 : memref<512x128xf32, #tpu.memory_space<any>>) target(%dma_start3A_184 : memref<512x128xf32, #tpu.memory_space<vmem>>) target_semaphore(%dma_start3A_180 : memref<!tpu.dma_semaphore, #tpu.memory_space<semaphore_mem>>)
    %dma_wait3A = arith.constant 512 : i32
    %dma_wait3A_188 = tpu.memref_slice %arg1[%dma_wait3A] : memref<1024xi32, #tpu.memory_space<any>> -> memref<512xi32, #tpu.memory_space<any>>
    tpu.wait_dma2 semaphore(%arg6 : memref<!tpu.dma_semaphore, #tpu.memory_space<semaphore_mem>>) src(%dma_wait3A_188 : memref<512xi32, #tpu.memory_space<any>>) dst(%arg4 : memref<512xi32, #tpu.memory_space<vmem>>)
    %get3A = arith.constant 0 : index
    %get3A_189 = vector.load %arg4[%get3A] : memref<512xi32, #tpu.memory_space<vmem>>, vector<512xi32>
    %broadcast_in_dim3A = vector.shape_cast %get3A_189 : vector<512xi32> to vector<512x1xi32>
    %iota3A = tpu.iota {dimensions = array<i32: 1>} : vector<512x128xi32>
    %broadcast_in_dim3A_190 = arith.constant 0.000000e+00 : f32
    %broadcast_in_dim3A_191 = vector.broadcast %broadcast_in_dim3A_190 : f32 to vector<512x128xf32>
    %broadcast_in_dim3A_192 = arith.constant 0.000000e+00 : f32
    %broadcast_in_dim3A_193 = vector.broadcast %broadcast_in_dim3A_192 : f32 to vector<512x1xf32>
    %broadcast_in_dim3A_194 = arith.constant 0 : i32
    %broadcast_in_dim3A_195 = vector.broadcast %broadcast_in_dim3A_194 : i32 to vector<512x1xi32>
    %dma_wait3A_196 = arith.constant 0 : i32
    %dma_wait3A_197 = arith.constant 0 : i32
    %dma_wait3A_198 = tpu.memref_slice %arg5[%dma_wait3A_197] : memref<17x!tpu.dma_semaphore, #tpu.memory_space<semaphore_mem>> -> memref<1x!tpu.dma_semaphore, #tpu.memory_space<semaphore_mem>>
    %dma_wait3A_199 = tpu.memref_squeeze %dma_wait3A_198 : memref<1x!tpu.dma_semaphore, #tpu.memory_space<semaphore_mem>> -> memref<!tpu.dma_semaphore, #tpu.memory_space<semaphore_mem>>
    %dma_wait3A_200 = arith.constant 0 : i32
    %dma_wait3A_201 = arith.constant 0 : i32
    %dma_wait3A_202 = tpu.memref_slice %arg3[%dma_wait3A_196, %dma_wait3A_200, %dma_wait3A_201] : memref<17x512x128xf32, #tpu.memory_space<vmem>> -> memref<1x512x128xf32, #tpu.memory_space<vmem>>
    %dma_wait3A_203 = tpu.memref_squeeze %dma_wait3A_202 : memref<1x512x128xf32, #tpu.memory_space<vmem>> -> memref<512x128xf32, #tpu.memory_space<vmem>>
    %dma_wait3A_204 = arith.constant 512 : i32
    %dma_wait3A_205 = arith.constant 0 : i32
    %dma_wait3A_206 = tpu.memref_slice %arg0[%dma_wait3A_204, %dma_wait3A_205] : memref<1024x65536xf32, #tpu.memory_space<any>> -> memref<512x128xf32, #tpu.memory_space<any>>
    tpu.wait_dma2 semaphore(%dma_wait3A_199 : memref<!tpu.dma_semaphore, #tpu.memory_space<semaphore_mem>>) src(%dma_wait3A_206 : memref<512x128xf32, #tpu.memory_space<any>>) dst(%dma_wait3A_203 : memref<512x128xf32, #tpu.memory_space<vmem>>)
    %shift_right_arithmetic3A = arith.constant 15 : i32
    %shift_right_arithmetic3A_207 = vector.broadcast %shift_right_arithmetic3A : i32 to vector<512x1xi32>
    %shift_right_arithmetic3A_208 = arith.shrsi %broadcast_in_dim3A, %shift_right_arithmetic3A_207 : vector<512x1xi32>
    %and3A = arith.constant 1 : i32
    %and3A_209 = vector.broadcast %and3A : i32 to vector<512x1xi32>
    %and3A_210 = arith.andi %shift_right_arithmetic3A_208, %and3A_209 : vector<512x1xi32>
    %add3A = arith.constant 0 : i32
    %add3A_211 = vector.broadcast %add3A : i32 to vector<512x1xi32>
    %add3A_212 = arith.addi %add3A_211, %broadcast_in_dim3A_195 : vector<512x1xi32>
    %shift_right_arithmetic3A_213 = arith.constant 7 : i32
    %shift_right_arithmetic3A_214 = vector.broadcast %shift_right_arithmetic3A_213 : i32 to vector<512x1xi32>
    %shift_right_arithmetic3A_215 = arith.shrsi %add3A_212, %shift_right_arithmetic3A_214 : vector<512x1xi32>
    %sub3A = arith.constant 0 : i32
    %sub3A_216 = vector.broadcast %sub3A : i32 to vector<512x1xi32>
    %sub3A_217 = arith.subi %shift_right_arithmetic3A_215, %sub3A_216 : vector<512x1xi32>
    %and3A_218 = arith.constant 127 : i32
    %and3A_219 = vector.broadcast %and3A_218 : i32 to vector<512x1xi32>
    %and3A_220 = arith.andi %add3A_212, %and3A_219 : vector<512x1xi32>
    %eq3A = vector.broadcast %and3A_220 : vector<512x1xi32> to vector<512x128xi32>
    %eq3A_221 = arith.cmpi eq, %iota3A, %eq3A : vector<512x128xi32>
    %eq3A_222 = arith.constant 0 : i32
    %eq3A_223 = vector.broadcast %eq3A_222 : i32 to vector<512x1xi32>
    %eq3A_224 = arith.cmpi eq, %sub3A_217, %eq3A_223 : vector<512x1xi32>
    %and3A_225 = vector.broadcast %eq3A_224 : vector<512x1xi1> to vector<512x128xi1>
    %and3A_226 = arith.andi %eq3A_221, %and3A_225 : vector<512x128xi1>
    %get3A_227 = arith.constant 0 : index
    %get3A_228 = arith.constant 0 : index
    %get3A_229 = arith.constant 0 : index
    %get3A_230 = vector.load %arg3[%get3A_227, %get3A_228, %get3A_229] : memref<17x512x128xf32, #tpu.memory_space<vmem>>, vector<1x512x128xf32>
    %get3A_231 = vector.shape_cast %get3A_230 : vector<1x512x128xf32> to vector<512x128xf32>
    %select_n3A = arith.select %and3A_226, %get3A_231, %broadcast_in_dim3A_191 : vector<512x128xi1>, vector<512x128xf32>
    %reduce_sum3A = arith.constant dense<0.000000e+00> : vector<512xf32>
    %reduce_sum3A_232 = vector.multi_reduction <add>, %select_n3A, %reduce_sum3A [1] : vector<512x128xf32> to vector<512xf32>
    %broadcast_in_dim3A_233 = vector.shape_cast %reduce_sum3A_232 : vector<512xf32> to vector<512x1xf32>
    %eq3A_234 = arith.constant 1 : i32
    %eq3A_235 = vector.broadcast %eq3A_234 : i32 to vector<512x1xi32>
    %eq3A_236 = arith.cmpi eq, %and3A_210, %eq3A_235 : vector<512x1xi32>
    %neg3A = arith.constant 0.000000e+00 : f32
    %neg3A_237 = vector.broadcast %neg3A : f32 to vector<512x1xf32>
    %neg3A_238 = arith.subf %neg3A_237, %broadcast_in_dim3A_233 : vector<512x1xf32>
    %select_n3A_239 = arith.select %eq3A_236, %neg3A_238, %broadcast_in_dim3A_233 : vector<512x1xi1>, vector<512x1xf32>
    %neg3A_240 = arith.constant 0.000000e+00 : f32
    %neg3A_241 = vector.broadcast %neg3A_240 : f32 to vector<512x1xf32>
    %neg3A_242 = arith.subf %neg3A_241, %select_n3A_239 : vector<512x1xf32>
    %max3A = arith.constant 0.000000e+00 : f32
    %max3A_243 = vector.broadcast %max3A : f32 to vector<512x1xf32>
    %max3A_244 = arith.maximumf %neg3A_242, %max3A_243 : vector<512x1xf32>
    %add3A_245 = arith.addf %broadcast_in_dim3A_193, %max3A_244 : vector<512x1xf32>
    %abs3A = math.absf %select_n3A_239 : vector<512x1xf32>
    %neg3A_246 = arith.constant 0.000000e+00 : f32
    %neg3A_247 = vector.broadcast %neg3A_246 : f32 to vector<512x1xf32>
    %neg3A_248 = arith.subf %neg3A_247, %abs3A : vector<512x1xf32>
    %exp3A = math.exp %neg3A_248 : vector<512x1xf32>
    %add3A_249 = arith.constant 1.000000e+00 : f32
    %add3A_250 = vector.broadcast %add3A_249 : f32 to vector<512x1xf32>
    %add3A_251 = arith.addf %add3A_250, %exp3A : vector<512x1xf32>
    %log3A = math.log %add3A_251 : vector<512x1xf32>
    %add3A_252 = arith.addf %add3A_245, %log3A : vector<512x1xf32>
    %add3A_253 = arith.addi %broadcast_in_dim3A_195, %and3A_210 : vector<512x1xi32>
    %shift_right_arithmetic3A_254 = arith.constant 14 : i32
    %shift_right_arithmetic3A_255 = vector.broadcast %shift_right_arithmetic3A_254 : i32 to vector<512x1xi32>
    %shift_right_arithmetic3A_256 = arith.shrsi %broadcast_in_dim3A, %shift_right_arithmetic3A_255 : vector<512x1xi32>
    %and3A_257 = arith.constant 1 : i32
    %and3A_258 = vector.broadcast %and3A_257 : i32 to vector<512x1xi32>
    %and3A_259 = arith.andi %shift_right_arithmetic3A_256, %and3A_258 : vector<512x1xi32>
    %add3A_260 = arith.constant 1 : i32
    %add3A_261 = vector.broadcast %add3A_260 : i32 to vector<512x1xi32>
    %add3A_262 = arith.addi %add3A_261, %add3A_253 : vector<512x1xi32>
    %shift_right_arithmetic3A_263 = arith.constant 7 : i32
    %shift_right_arithmetic3A_264 = vector.broadcast %shift_right_arithmetic3A_263 : i32 to vector<512x1xi32>
    %shift_right_arithmetic3A_265 = arith.shrsi %add3A_262, %shift_right_arithmetic3A_264 : vector<512x1xi32>
    %sub3A_266 = arith.constant 0 : i32
    %sub3A_267 = vector.broadcast %sub3A_266 : i32 to vector<512x1xi32>
    %sub3A_268 = arith.subi %shift_right_arithmetic3A_265, %sub3A_267 : vector<512x1xi32>
    %and3A_269 = arith.constant 127 : i32
    %and3A_270 = vector.broadcast %and3A_269 : i32 to vector<512x1xi32>
    %and3A_271 = arith.andi %add3A_262, %and3A_270 : vector<512x1xi32>
    %eq3A_272 = vector.broadcast %and3A_271 : vector<512x1xi32> to vector<512x128xi32>
    %eq3A_273 = arith.cmpi eq, %iota3A, %eq3A_272 : vector<512x128xi32>
    %eq3A_274 = arith.constant 0 : i32
    %eq3A_275 = vector.broadcast %eq3A_274 : i32 to vector<512x1xi32>
    %eq3A_276 = arith.cmpi eq, %sub3A_268, %eq3A_275 : vector<512x1xi32>
    %and3A_277 = vector.broadcast %eq3A_276 : vector<512x1xi1> to vector<512x128xi1>
    %and3A_278 = arith.andi %eq3A_273, %and3A_277 : vector<512x128xi1>
    %get3A_279 = arith.constant 0 : index
    %get3A_280 = arith.constant 0 : index
    %get3A_281 = arith.constant 0 : index
    %get3A_282 = vector.load %arg3[%get3A_279, %get3A_280, %get3A_281] : memref<17x512x128xf32, #tpu.memory_space<vmem>>, vector<1x512x128xf32>
    %get3A_283 = vector.shape_cast %get3A_282 : vector<1x512x128xf32> to vector<512x128xf32>
    %select_n3A_284 = arith.select %and3A_278, %get3A_283, %broadcast_in_dim3A_191 : vector<512x128xi1>, vector<512x128xf32>
    %reduce_sum3A_285 = arith.constant dense<0.000000e+00> : vector<512xf32>
    %reduce_sum3A_286 = vector.multi_reduction <add>, %select_n3A_284, %reduce_sum3A_285 [1] : vector<512x128xf32> to vector<512xf32>
    %broadcast_in_dim3A_287 = vector.shape_cast %reduce_sum3A_286 : vector<512xf32> to vector<512x1xf32>
    %eq3A_288 = arith.constant 1 : i32
    %eq3A_289 = vector.broadcast %eq3A_288 : i32 to vector<512x1xi32>
    %eq3A_290 = arith.cmpi eq, %and3A_259, %eq3A_289 : vector<512x1xi32>
    %neg3A_291 = arith.constant 0.000000e+00 : f32
    %neg3A_292 = vector.broadcast %neg3A_291 : f32 to vector<512x1xf32>
    %neg3A_293 = arith.subf %neg3A_292, %broadcast_in_dim3A_287 : vector<512x1xf32>
    %select_n3A_294 = arith.select %eq3A_290, %neg3A_293, %broadcast_in_dim3A_287 : vector<512x1xi1>, vector<512x1xf32>
    %neg3A_295 = arith.constant 0.000000e+00 : f32
    %neg3A_296 = vector.broadcast %neg3A_295 : f32 to vector<512x1xf32>
    %neg3A_297 = arith.subf %neg3A_296, %select_n3A_294 : vector<512x1xf32>
    %max3A_298 = arith.constant 0.000000e+00 : f32
    %max3A_299 = vector.broadcast %max3A_298 : f32 to vector<512x1xf32>
    %max3A_300 = arith.maximumf %neg3A_297, %max3A_299 : vector<512x1xf32>
    %add3A_301 = arith.addf %add3A_252, %max3A_300 : vector<512x1xf32>
    %abs3A_302 = math.absf %select_n3A_294 : vector<512x1xf32>
    %neg3A_303 = arith.constant 0.000000e+00 : f32
    %neg3A_304 = vector.broadcast %neg3A_303 : f32 to vector<512x1xf32>
    %neg3A_305 = arith.subf %neg3A_304, %abs3A_302 : vector<512x1xf32>
    %exp3A_306 = math.exp %neg3A_305 : vector<512x1xf32>
    %add3A_307 = arith.constant 1.000000e+00 : f32
    %add3A_308 = vector.broadcast %add3A_307 : f32 to vector<512x1xf32>
    %add3A_309 = arith.addf %add3A_308, %exp3A_306 : vector<512x1xf32>
    %log3A_310 = math.log %add3A_309 : vector<512x1xf32>
    %add3A_311 = arith.addf %add3A_301, %log3A_310 : vector<512x1xf32>
    %add3A_312 = arith.addi %add3A_253, %and3A_259 : vector<512x1xi32>
    %shift_right_arithmetic3A_313 = arith.constant 13 : i32
    %shift_right_arithmetic3A_314 = vector.broadcast %shift_right_arithmetic3A_313 : i32 to vector<512x1xi32>
    %shift_right_arithmetic3A_315 = arith.shrsi %broadcast_in_dim3A, %shift_right_arithmetic3A_314 : vector<512x1xi32>
    %and3A_316 = arith.constant 1 : i32
    %and3A_317 = vector.broadcast %and3A_316 : i32 to vector<512x1xi32>
    %and3A_318 = arith.andi %shift_right_arithmetic3A_315, %and3A_317 : vector<512x1xi32>
    %add3A_319 = arith.constant 3 : i32
    %add3A_320 = vector.broadcast %add3A_319 : i32 to vector<512x1xi32>
    %add3A_321 = arith.addi %add3A_320, %add3A_312 : vector<512x1xi32>
    %shift_right_arithmetic3A_322 = arith.constant 7 : i32
    %shift_right_arithmetic3A_323 = vector.broadcast %shift_right_arithmetic3A_322 : i32 to vector<512x1xi32>
    %shift_right_arithmetic3A_324 = arith.shrsi %add3A_321, %shift_right_arithmetic3A_323 : vector<512x1xi32>
    %sub3A_325 = arith.constant 0 : i32
    %sub3A_326 = vector.broadcast %sub3A_325 : i32 to vector<512x1xi32>
    %sub3A_327 = arith.subi %shift_right_arithmetic3A_324, %sub3A_326 : vector<512x1xi32>
    %and3A_328 = arith.constant 127 : i32
    %and3A_329 = vector.broadcast %and3A_328 : i32 to vector<512x1xi32>
    %and3A_330 = arith.andi %add3A_321, %and3A_329 : vector<512x1xi32>
    %eq3A_331 = vector.broadcast %and3A_330 : vector<512x1xi32> to vector<512x128xi32>
    %eq3A_332 = arith.cmpi eq, %iota3A, %eq3A_331 : vector<512x128xi32>
    %eq3A_333 = arith.constant 0 : i32
    %eq3A_334 = vector.broadcast %eq3A_333 : i32 to vector<512x1xi32>
    %eq3A_335 = arith.cmpi eq, %sub3A_327, %eq3A_334 : vector<512x1xi32>
    %and3A_336 = vector.broadcast %eq3A_335 : vector<512x1xi1> to vector<512x128xi1>
    %and3A_337 = arith.andi %eq3A_332, %and3A_336 : vector<512x128xi1>
    %get3A_338 = arith.constant 0 : index
    %get3A_339 = arith.constant 0 : index
    %get3A_340 = arith.constant 0 : index
    %get3A_341 = vector.load %arg3[%get3A_338, %get3A_339, %get3A_340] : memref<17x512x128xf32, #tpu.memory_space<vmem>>, vector<1x512x128xf32>
    %get3A_342 = vector.shape_cast %get3A_341 : vector<1x512x128xf32> to vector<512x128xf32>
    %select_n3A_343 = arith.select %and3A_337, %get3A_342, %broadcast_in_dim3A_191 : vector<512x128xi1>, vector<512x128xf32>
    %reduce_sum3A_344 = arith.constant dense<0.000000e+00> : vector<512xf32>
    %reduce_sum3A_345 = vector.multi_reduction <add>, %select_n3A_343, %reduce_sum3A_344 [1] : vector<512x128xf32> to vector<512xf32>
    %broadcast_in_dim3A_346 = vector.shape_cast %reduce_sum3A_345 : vector<512xf32> to vector<512x1xf32>
    %eq3A_347 = arith.constant 1 : i32
    %eq3A_348 = vector.broadcast %eq3A_347 : i32 to vector<512x1xi32>
    %eq3A_349 = arith.cmpi eq, %and3A_318, %eq3A_348 : vector<512x1xi32>
    %neg3A_350 = arith.constant 0.000000e+00 : f32
    %neg3A_351 = vector.broadcast %neg3A_350 : f32 to vector<512x1xf32>
    %neg3A_352 = arith.subf %neg3A_351, %broadcast_in_dim3A_346 : vector<512x1xf32>
    %select_n3A_353 = arith.select %eq3A_349, %neg3A_352, %broadcast_in_dim3A_346 : vector<512x1xi1>, vector<512x1xf32>
    %neg3A_354 = arith.constant 0.000000e+00 : f32
    %neg3A_355 = vector.broadcast %neg3A_354 : f32 to vector<512x1xf32>
    %neg3A_356 = arith.subf %neg3A_355, %select_n3A_353 : vector<512x1xf32>
    %max3A_357 = arith.constant 0.000000e+00 : f32
    %max3A_358 = vector.broadcast %max3A_357 : f32 to vector<512x1xf32>
    %max3A_359 = arith.maximumf %neg3A_356, %max3A_358 : vector<512x1xf32>
    %add3A_360 = arith.addf %add3A_311, %max3A_359 : vector<512x1xf32>
    %abs3A_361 = math.absf %select_n3A_353 : vector<512x1xf32>
    %neg3A_362 = arith.constant 0.000000e+00 : f32
    %neg3A_363 = vector.broadcast %neg3A_362 : f32 to vector<512x1xf32>
    %neg3A_364 = arith.subf %neg3A_363, %abs3A_361 : vector<512x1xf32>
    %exp3A_365 = math.exp %neg3A_364 : vector<512x1xf32>
    %add3A_366 = arith.constant 1.000000e+00 : f32
    %add3A_367 = vector.broadcast %add3A_366 : f32 to vector<512x1xf32>
    %add3A_368 = arith.addf %add3A_367, %exp3A_365 : vector<512x1xf32>
    %log3A_369 = math.log %add3A_368 : vector<512x1xf32>
    %add3A_370 = arith.addf %add3A_360, %log3A_369 : vector<512x1xf32>
    %add3A_371 = arith.addi %add3A_312, %and3A_318 : vector<512x1xi32>
    %shift_right_arithmetic3A_372 = arith.constant 12 : i32
    %shift_right_arithmetic3A_373 = vector.broadcast %shift_right_arithmetic3A_372 : i32 to vector<512x1xi32>
    %shift_right_arithmetic3A_374 = arith.shrsi %broadcast_in_dim3A, %shift_right_arithmetic3A_373 : vector<512x1xi32>
    %and3A_375 = arith.constant 1 : i32
    %and3A_376 = vector.broadcast %and3A_375 : i32 to vector<512x1xi32>
    %and3A_377 = arith.andi %shift_right_arithmetic3A_374, %and3A_376 : vector<512x1xi32>
    %add3A_378 = arith.constant 7 : i32
    %add3A_379 = vector.broadcast %add3A_378 : i32 to vector<512x1xi32>
    %add3A_380 = arith.addi %add3A_379, %add3A_371 : vector<512x1xi32>
    %shift_right_arithmetic3A_381 = arith.constant 7 : i32
    %shift_right_arithmetic3A_382 = vector.broadcast %shift_right_arithmetic3A_381 : i32 to vector<512x1xi32>
    %shift_right_arithmetic3A_383 = arith.shrsi %add3A_380, %shift_right_arithmetic3A_382 : vector<512x1xi32>
    %sub3A_384 = arith.constant 0 : i32
    %sub3A_385 = vector.broadcast %sub3A_384 : i32 to vector<512x1xi32>
    %sub3A_386 = arith.subi %shift_right_arithmetic3A_383, %sub3A_385 : vector<512x1xi32>
    %and3A_387 = arith.constant 127 : i32
    %and3A_388 = vector.broadcast %and3A_387 : i32 to vector<512x1xi32>
    %and3A_389 = arith.andi %add3A_380, %and3A_388 : vector<512x1xi32>
    %eq3A_390 = vector.broadcast %and3A_389 : vector<512x1xi32> to vector<512x128xi32>
    %eq3A_391 = arith.cmpi eq, %iota3A, %eq3A_390 : vector<512x128xi32>
    %eq3A_392 = arith.constant 0 : i32
    %eq3A_393 = vector.broadcast %eq3A_392 : i32 to vector<512x1xi32>
    %eq3A_394 = arith.cmpi eq, %sub3A_386, %eq3A_393 : vector<512x1xi32>
    %and3A_395 = vector.broadcast %eq3A_394 : vector<512x1xi1> to vector<512x128xi1>
    %and3A_396 = arith.andi %eq3A_391, %and3A_395 : vector<512x128xi1>
    %get3A_397 = arith.constant 0 : index
    %get3A_398 = arith.constant 0 : index
    %get3A_399 = arith.constant 0 : index
    %get3A_400 = vector.load %arg3[%get3A_397, %get3A_398, %get3A_399] : memref<17x512x128xf32, #tpu.memory_space<vmem>>, vector<1x512x128xf32>
    %get3A_401 = vector.shape_cast %get3A_400 : vector<1x512x128xf32> to vector<512x128xf32>
    %select_n3A_402 = arith.select %and3A_396, %get3A_401, %broadcast_in_dim3A_191 : vector<512x128xi1>, vector<512x128xf32>
    %reduce_sum3A_403 = arith.constant dense<0.000000e+00> : vector<512xf32>
    %reduce_sum3A_404 = vector.multi_reduction <add>, %select_n3A_402, %reduce_sum3A_403 [1] : vector<512x128xf32> to vector<512xf32>
    %broadcast_in_dim3A_405 = vector.shape_cast %reduce_sum3A_404 : vector<512xf32> to vector<512x1xf32>
    %eq3A_406 = arith.constant 1 : i32
    %eq3A_407 = vector.broadcast %eq3A_406 : i32 to vector<512x1xi32>
    %eq3A_408 = arith.cmpi eq, %and3A_377, %eq3A_407 : vector<512x1xi32>
    %neg3A_409 = arith.constant 0.000000e+00 : f32
    %neg3A_410 = vector.broadcast %neg3A_409 : f32 to vector<512x1xf32>
    %neg3A_411 = arith.subf %neg3A_410, %broadcast_in_dim3A_405 : vector<512x1xf32>
    %select_n3A_412 = arith.select %eq3A_408, %neg3A_411, %broadcast_in_dim3A_405 : vector<512x1xi1>, vector<512x1xf32>
    %neg3A_413 = arith.constant 0.000000e+00 : f32
    %neg3A_414 = vector.broadcast %neg3A_413 : f32 to vector<512x1xf32>
    %neg3A_415 = arith.subf %neg3A_414, %select_n3A_412 : vector<512x1xf32>
    %max3A_416 = arith.constant 0.000000e+00 : f32
    %max3A_417 = vector.broadcast %max3A_416 : f32 to vector<512x1xf32>
    %max3A_418 = arith.maximumf %neg3A_415, %max3A_417 : vector<512x1xf32>
    %add3A_419 = arith.addf %add3A_370, %max3A_418 : vector<512x1xf32>
    %abs3A_420 = math.absf %select_n3A_412 : vector<512x1xf32>
    %neg3A_421 = arith.constant 0.000000e+00 : f32
    %neg3A_422 = vector.broadcast %neg3A_421 : f32 to vector<512x1xf32>
    %neg3A_423 = arith.subf %neg3A_422, %abs3A_420 : vector<512x1xf32>
    %exp3A_424 = math.exp %neg3A_423 : vector<512x1xf32>
    %add3A_425 = arith.constant 1.000000e+00 : f32
    %add3A_426 = vector.broadcast %add3A_425 : f32 to vector<512x1xf32>
    %add3A_427 = arith.addf %add3A_426, %exp3A_424 : vector<512x1xf32>
    %log3A_428 = math.log %add3A_427 : vector<512x1xf32>
    %add3A_429 = arith.addf %add3A_419, %log3A_428 : vector<512x1xf32>
    %add3A_430 = arith.addi %add3A_371, %and3A_377 : vector<512x1xi32>
    %shift_right_arithmetic3A_431 = arith.constant 11 : i32
    %shift_right_arithmetic3A_432 = vector.broadcast %shift_right_arithmetic3A_431 : i32 to vector<512x1xi32>
    %shift_right_arithmetic3A_433 = arith.shrsi %broadcast_in_dim3A, %shift_right_arithmetic3A_432 : vector<512x1xi32>
    %and3A_434 = arith.constant 1 : i32
    %and3A_435 = vector.broadcast %and3A_434 : i32 to vector<512x1xi32>
    %and3A_436 = arith.andi %shift_right_arithmetic3A_433, %and3A_435 : vector<512x1xi32>
    %add3A_437 = arith.constant 15 : i32
    %add3A_438 = vector.broadcast %add3A_437 : i32 to vector<512x1xi32>
    %add3A_439 = arith.addi %add3A_438, %add3A_430 : vector<512x1xi32>
    %shift_right_arithmetic3A_440 = arith.constant 7 : i32
    %shift_right_arithmetic3A_441 = vector.broadcast %shift_right_arithmetic3A_440 : i32 to vector<512x1xi32>
    %shift_right_arithmetic3A_442 = arith.shrsi %add3A_439, %shift_right_arithmetic3A_441 : vector<512x1xi32>
    %sub3A_443 = arith.constant 0 : i32
    %sub3A_444 = vector.broadcast %sub3A_443 : i32 to vector<512x1xi32>
    %sub3A_445 = arith.subi %shift_right_arithmetic3A_442, %sub3A_444 : vector<512x1xi32>
    %and3A_446 = arith.constant 127 : i32
    %and3A_447 = vector.broadcast %and3A_446 : i32 to vector<512x1xi32>
    %and3A_448 = arith.andi %add3A_439, %and3A_447 : vector<512x1xi32>
    %eq3A_449 = vector.broadcast %and3A_448 : vector<512x1xi32> to vector<512x128xi32>
    %eq3A_450 = arith.cmpi eq, %iota3A, %eq3A_449 : vector<512x128xi32>
    %eq3A_451 = arith.constant 0 : i32
    %eq3A_452 = vector.broadcast %eq3A_451 : i32 to vector<512x1xi32>
    %eq3A_453 = arith.cmpi eq, %sub3A_445, %eq3A_452 : vector<512x1xi32>
    %and3A_454 = vector.broadcast %eq3A_453 : vector<512x1xi1> to vector<512x128xi1>
    %and3A_455 = arith.andi %eq3A_450, %and3A_454 : vector<512x128xi1>
    %get3A_456 = arith.constant 0 : index
    %get3A_457 = arith.constant 0 : index
    %get3A_458 = arith.constant 0 : index
    %get3A_459 = vector.load %arg3[%get3A_456, %get3A_457, %get3A_458] : memref<17x512x128xf32, #tpu.memory_space<vmem>>, vector<1x512x128xf32>
    %get3A_460 = vector.shape_cast %get3A_459 : vector<1x512x128xf32> to vector<512x128xf32>
    %select_n3A_461 = arith.select %and3A_455, %get3A_460, %broadcast_in_dim3A_191 : vector<512x128xi1>, vector<512x128xf32>
    %reduce_sum3A_462 = arith.constant dense<0.000000e+00> : vector<512xf32>
    %reduce_sum3A_463 = vector.multi_reduction <add>, %select_n3A_461, %reduce_sum3A_462 [1] : vector<512x128xf32> to vector<512xf32>
    %broadcast_in_dim3A_464 = vector.shape_cast %reduce_sum3A_463 : vector<512xf32> to vector<512x1xf32>
    %eq3A_465 = arith.constant 1 : i32
    %eq3A_466 = vector.broadcast %eq3A_465 : i32 to vector<512x1xi32>
    %eq3A_467 = arith.cmpi eq, %and3A_436, %eq3A_466 : vector<512x1xi32>
    %neg3A_468 = arith.constant 0.000000e+00 : f32
    %neg3A_469 = vector.broadcast %neg3A_468 : f32 to vector<512x1xf32>
    %neg3A_470 = arith.subf %neg3A_469, %broadcast_in_dim3A_464 : vector<512x1xf32>
    %select_n3A_471 = arith.select %eq3A_467, %neg3A_470, %broadcast_in_dim3A_464 : vector<512x1xi1>, vector<512x1xf32>
    %neg3A_472 = arith.constant 0.000000e+00 : f32
    %neg3A_473 = vector.broadcast %neg3A_472 : f32 to vector<512x1xf32>
    %neg3A_474 = arith.subf %neg3A_473, %select_n3A_471 : vector<512x1xf32>
    %max3A_475 = arith.constant 0.000000e+00 : f32
    %max3A_476 = vector.broadcast %max3A_475 : f32 to vector<512x1xf32>
    %max3A_477 = arith.maximumf %neg3A_474, %max3A_476 : vector<512x1xf32>
    %add3A_478 = arith.addf %add3A_429, %max3A_477 : vector<512x1xf32>
    %abs3A_479 = math.absf %select_n3A_471 : vector<512x1xf32>
    %neg3A_480 = arith.constant 0.000000e+00 : f32
    %neg3A_481 = vector.broadcast %neg3A_480 : f32 to vector<512x1xf32>
    %neg3A_482 = arith.subf %neg3A_481, %abs3A_479 : vector<512x1xf32>
    %exp3A_483 = math.exp %neg3A_482 : vector<512x1xf32>
    %add3A_484 = arith.constant 1.000000e+00 : f32
    %add3A_485 = vector.broadcast %add3A_484 : f32 to vector<512x1xf32>
    %add3A_486 = arith.addf %add3A_485, %exp3A_483 : vector<512x1xf32>
    %log3A_487 = math.log %add3A_486 : vector<512x1xf32>
    %add3A_488 = arith.addf %add3A_478, %log3A_487 : vector<512x1xf32>
    %add3A_489 = arith.addi %add3A_430, %and3A_436 : vector<512x1xi32>
    %shift_right_arithmetic3A_490 = arith.constant 10 : i32
    %shift_right_arithmetic3A_491 = vector.broadcast %shift_right_arithmetic3A_490 : i32 to vector<512x1xi32>
    %shift_right_arithmetic3A_492 = arith.shrsi %broadcast_in_dim3A, %shift_right_arithmetic3A_491 : vector<512x1xi32>
    %and3A_493 = arith.constant 1 : i32
    %and3A_494 = vector.broadcast %and3A_493 : i32 to vector<512x1xi32>
    %and3A_495 = arith.andi %shift_right_arithmetic3A_492, %and3A_494 : vector<512x1xi32>
    %add3A_496 = arith.constant 31 : i32
    %add3A_497 = vector.broadcast %add3A_496 : i32 to vector<512x1xi32>
    %add3A_498 = arith.addi %add3A_497, %add3A_489 : vector<512x1xi32>
    %shift_right_arithmetic3A_499 = arith.constant 7 : i32
    %shift_right_arithmetic3A_500 = vector.broadcast %shift_right_arithmetic3A_499 : i32 to vector<512x1xi32>
    %shift_right_arithmetic3A_501 = arith.shrsi %add3A_498, %shift_right_arithmetic3A_500 : vector<512x1xi32>
    %sub3A_502 = arith.constant 0 : i32
    %sub3A_503 = vector.broadcast %sub3A_502 : i32 to vector<512x1xi32>
    %sub3A_504 = arith.subi %shift_right_arithmetic3A_501, %sub3A_503 : vector<512x1xi32>
    %and3A_505 = arith.constant 127 : i32
    %and3A_506 = vector.broadcast %and3A_505 : i32 to vector<512x1xi32>
    %and3A_507 = arith.andi %add3A_498, %and3A_506 : vector<512x1xi32>
    %eq3A_508 = vector.broadcast %and3A_507 : vector<512x1xi32> to vector<512x128xi32>
    %eq3A_509 = arith.cmpi eq, %iota3A, %eq3A_508 : vector<512x128xi32>
    %eq3A_510 = arith.constant 0 : i32
    %eq3A_511 = vector.broadcast %eq3A_510 : i32 to vector<512x1xi32>
    %eq3A_512 = arith.cmpi eq, %sub3A_504, %eq3A_511 : vector<512x1xi32>
    %and3A_513 = vector.broadcast %eq3A_512 : vector<512x1xi1> to vector<512x128xi1>
    %and3A_514 = arith.andi %eq3A_509, %and3A_513 : vector<512x128xi1>
    %get3A_515 = arith.constant 0 : index
    %get3A_516 = arith.constant 0 : index
    %get3A_517 = arith.constant 0 : index
    %get3A_518 = vector.load %arg3[%get3A_515, %get3A_516, %get3A_517] : memref<17x512x128xf32, #tpu.memory_space<vmem>>, vector<1x512x128xf32>
    %get3A_519 = vector.shape_cast %get3A_518 : vector<1x512x128xf32> to vector<512x128xf32>
    %select_n3A_520 = arith.select %and3A_514, %get3A_519, %broadcast_in_dim3A_191 : vector<512x128xi1>, vector<512x128xf32>
    %reduce_sum3A_521 = arith.constant dense<0.000000e+00> : vector<512xf32>
    %reduce_sum3A_522 = vector.multi_reduction <add>, %select_n3A_520, %reduce_sum3A_521 [1] : vector<512x128xf32> to vector<512xf32>
    %broadcast_in_dim3A_523 = vector.shape_cast %reduce_sum3A_522 : vector<512xf32> to vector<512x1xf32>
    %eq3A_524 = arith.constant 1 : i32
    %eq3A_525 = vector.broadcast %eq3A_524 : i32 to vector<512x1xi32>
    %eq3A_526 = arith.cmpi eq, %and3A_495, %eq3A_525 : vector<512x1xi32>
    %neg3A_527 = arith.constant 0.000000e+00 : f32
    %neg3A_528 = vector.broadcast %neg3A_527 : f32 to vector<512x1xf32>
    %neg3A_529 = arith.subf %neg3A_528, %broadcast_in_dim3A_523 : vector<512x1xf32>
    %select_n3A_530 = arith.select %eq3A_526, %neg3A_529, %broadcast_in_dim3A_523 : vector<512x1xi1>, vector<512x1xf32>
    %neg3A_531 = arith.constant 0.000000e+00 : f32
    %neg3A_532 = vector.broadcast %neg3A_531 : f32 to vector<512x1xf32>
    %neg3A_533 = arith.subf %neg3A_532, %select_n3A_530 : vector<512x1xf32>
    %max3A_534 = arith.constant 0.000000e+00 : f32
    %max3A_535 = vector.broadcast %max3A_534 : f32 to vector<512x1xf32>
    %max3A_536 = arith.maximumf %neg3A_533, %max3A_535 : vector<512x1xf32>
    %add3A_537 = arith.addf %add3A_488, %max3A_536 : vector<512x1xf32>
    %abs3A_538 = math.absf %select_n3A_530 : vector<512x1xf32>
    %neg3A_539 = arith.constant 0.000000e+00 : f32
    %neg3A_540 = vector.broadcast %neg3A_539 : f32 to vector<512x1xf32>
    %neg3A_541 = arith.subf %neg3A_540, %abs3A_538 : vector<512x1xf32>
    %exp3A_542 = math.exp %neg3A_541 : vector<512x1xf32>
    %add3A_543 = arith.constant 1.000000e+00 : f32
    %add3A_544 = vector.broadcast %add3A_543 : f32 to vector<512x1xf32>
    %add3A_545 = arith.addf %add3A_544, %exp3A_542 : vector<512x1xf32>
    %log3A_546 = math.log %add3A_545 : vector<512x1xf32>
    %add3A_547 = arith.addf %add3A_537, %log3A_546 : vector<512x1xf32>
    %add3A_548 = arith.addi %add3A_489, %and3A_495 : vector<512x1xi32>
    %shift_right_arithmetic3A_549 = arith.constant 9 : i32
    %shift_right_arithmetic3A_550 = vector.broadcast %shift_right_arithmetic3A_549 : i32 to vector<512x1xi32>
    %shift_right_arithmetic3A_551 = arith.shrsi %broadcast_in_dim3A, %shift_right_arithmetic3A_550 : vector<512x1xi32>
    %and3A_552 = arith.constant 1 : i32
    %and3A_553 = vector.broadcast %and3A_552 : i32 to vector<512x1xi32>
    %and3A_554 = arith.andi %shift_right_arithmetic3A_551, %and3A_553 : vector<512x1xi32>
    %add3A_555 = arith.constant 63 : i32
    %add3A_556 = vector.broadcast %add3A_555 : i32 to vector<512x1xi32>
    %add3A_557 = arith.addi %add3A_556, %add3A_548 : vector<512x1xi32>
    %shift_right_arithmetic3A_558 = arith.constant 7 : i32
    %shift_right_arithmetic3A_559 = vector.broadcast %shift_right_arithmetic3A_558 : i32 to vector<512x1xi32>
    %shift_right_arithmetic3A_560 = arith.shrsi %add3A_557, %shift_right_arithmetic3A_559 : vector<512x1xi32>
    %sub3A_561 = arith.constant 0 : i32
    %sub3A_562 = vector.broadcast %sub3A_561 : i32 to vector<512x1xi32>
    %sub3A_563 = arith.subi %shift_right_arithmetic3A_560, %sub3A_562 : vector<512x1xi32>
    %and3A_564 = arith.constant 127 : i32
    %and3A_565 = vector.broadcast %and3A_564 : i32 to vector<512x1xi32>
    %and3A_566 = arith.andi %add3A_557, %and3A_565 : vector<512x1xi32>
    %eq3A_567 = vector.broadcast %and3A_566 : vector<512x1xi32> to vector<512x128xi32>
    %eq3A_568 = arith.cmpi eq, %iota3A, %eq3A_567 : vector<512x128xi32>
    %eq3A_569 = arith.constant 0 : i32
    %eq3A_570 = vector.broadcast %eq3A_569 : i32 to vector<512x1xi32>
    %eq3A_571 = arith.cmpi eq, %sub3A_563, %eq3A_570 : vector<512x1xi32>
    %and3A_572 = vector.broadcast %eq3A_571 : vector<512x1xi1> to vector<512x128xi1>
    %and3A_573 = arith.andi %eq3A_568, %and3A_572 : vector<512x128xi1>
    %get3A_574 = arith.constant 0 : index
    %get3A_575 = arith.constant 0 : index
    %get3A_576 = arith.constant 0 : index
    %get3A_577 = vector.load %arg3[%get3A_574, %get3A_575, %get3A_576] : memref<17x512x128xf32, #tpu.memory_space<vmem>>, vector<1x512x128xf32>
    %get3A_578 = vector.shape_cast %get3A_577 : vector<1x512x128xf32> to vector<512x128xf32>
    %select_n3A_579 = arith.select %and3A_573, %get3A_578, %broadcast_in_dim3A_191 : vector<512x128xi1>, vector<512x128xf32>
    %reduce_sum3A_580 = arith.constant dense<0.000000e+00> : vector<512xf32>
    %reduce_sum3A_581 = vector.multi_reduction <add>, %select_n3A_579, %reduce_sum3A_580 [1] : vector<512x128xf32> to vector<512xf32>
    %broadcast_in_dim3A_582 = vector.shape_cast %reduce_sum3A_581 : vector<512xf32> to vector<512x1xf32>
    %eq3A_583 = arith.constant 1 : i32
    %eq3A_584 = vector.broadcast %eq3A_583 : i32 to vector<512x1xi32>
    %eq3A_585 = arith.cmpi eq, %and3A_554, %eq3A_584 : vector<512x1xi32>
    %neg3A_586 = arith.constant 0.000000e+00 : f32
    %neg3A_587 = vector.broadcast %neg3A_586 : f32 to vector<512x1xf32>
    %neg3A_588 = arith.subf %neg3A_587, %broadcast_in_dim3A_582 : vector<512x1xf32>
    %select_n3A_589 = arith.select %eq3A_585, %neg3A_588, %broadcast_in_dim3A_582 : vector<512x1xi1>, vector<512x1xf32>
    %neg3A_590 = arith.constant 0.000000e+00 : f32
    %neg3A_591 = vector.broadcast %neg3A_590 : f32 to vector<512x1xf32>
    %neg3A_592 = arith.subf %neg3A_591, %select_n3A_589 : vector<512x1xf32>
    %max3A_593 = arith.constant 0.000000e+00 : f32
    %max3A_594 = vector.broadcast %max3A_593 : f32 to vector<512x1xf32>
    %max3A_595 = arith.maximumf %neg3A_592, %max3A_594 : vector<512x1xf32>
    %add3A_596 = arith.addf %add3A_547, %max3A_595 : vector<512x1xf32>
    %abs3A_597 = math.absf %select_n3A_589 : vector<512x1xf32>
    %neg3A_598 = arith.constant 0.000000e+00 : f32
    %neg3A_599 = vector.broadcast %neg3A_598 : f32 to vector<512x1xf32>
    %neg3A_600 = arith.subf %neg3A_599, %abs3A_597 : vector<512x1xf32>
    %exp3A_601 = math.exp %neg3A_600 : vector<512x1xf32>
    %add3A_602 = arith.constant 1.000000e+00 : f32
    %add3A_603 = vector.broadcast %add3A_602 : f32 to vector<512x1xf32>
    %add3A_604 = arith.addf %add3A_603, %exp3A_601 : vector<512x1xf32>
    %log3A_605 = math.log %add3A_604 : vector<512x1xf32>
    %add3A_606 = arith.addf %add3A_596, %log3A_605 : vector<512x1xf32>
    %add3A_607 = arith.addi %add3A_548, %and3A_554 : vector<512x1xi32>
    %dma_wait3A_608 = arith.constant 1 : i32
    %dma_wait3A_609 = arith.constant 1 : i32
    %dma_wait3A_610 = tpu.memref_slice %arg5[%dma_wait3A_609] : memref<17x!tpu.dma_semaphore, #tpu.memory_space<semaphore_mem>> -> memref<1x!tpu.dma_semaphore, #tpu.memory_space<semaphore_mem>>
    %dma_wait3A_611 = tpu.memref_squeeze %dma_wait3A_610 : memref<1x!tpu.dma_semaphore, #tpu.memory_space<semaphore_mem>> -> memref<!tpu.dma_semaphore, #tpu.memory_space<semaphore_mem>>
    %dma_wait3A_612 = arith.constant 0 : i32
    %dma_wait3A_613 = arith.constant 0 : i32
    %dma_wait3A_614 = tpu.memref_slice %arg3[%dma_wait3A_608, %dma_wait3A_612, %dma_wait3A_613] : memref<17x512x128xf32, #tpu.memory_space<vmem>> -> memref<1x512x128xf32, #tpu.memory_space<vmem>>
    %dma_wait3A_615 = tpu.memref_squeeze %dma_wait3A_614 : memref<1x512x128xf32, #tpu.memory_space<vmem>> -> memref<512x128xf32, #tpu.memory_space<vmem>>
    %dma_wait3A_616 = arith.constant 512 : i32
    %dma_wait3A_617 = arith.constant 128 : i32
    %dma_wait3A_618 = tpu.memref_slice %arg0[%dma_wait3A_616, %dma_wait3A_617] : memref<1024x65536xf32, #tpu.memory_space<any>> -> memref<512x128xf32, #tpu.memory_space<any>>
    tpu.wait_dma2 semaphore(%dma_wait3A_611 : memref<!tpu.dma_semaphore, #tpu.memory_space<semaphore_mem>>) src(%dma_wait3A_618 : memref<512x128xf32, #tpu.memory_space<any>>) dst(%dma_wait3A_615 : memref<512x128xf32, #tpu.memory_space<vmem>>)
    %shift_right_arithmetic3A_619 = arith.constant 8 : i32
    %shift_right_arithmetic3A_620 = vector.broadcast %shift_right_arithmetic3A_619 : i32 to vector<512x1xi32>
    %shift_right_arithmetic3A_621 = arith.shrsi %broadcast_in_dim3A, %shift_right_arithmetic3A_620 : vector<512x1xi32>
    %and3A_622 = arith.constant 1 : i32
    %and3A_623 = vector.broadcast %and3A_622 : i32 to vector<512x1xi32>
    %and3A_624 = arith.andi %shift_right_arithmetic3A_621, %and3A_623 : vector<512x1xi32>
    %add3A_625 = arith.constant 127 : i32
    %add3A_626 = vector.broadcast %add3A_625 : i32 to vector<512x1xi32>
    %add3A_627 = arith.addi %add3A_626, %add3A_607 : vector<512x1xi32>
    %shift_right_arithmetic3A_628 = arith.constant 7 : i32
    %shift_right_arithmetic3A_629 = vector.broadcast %shift_right_arithmetic3A_628 : i32 to vector<512x1xi32>
    %shift_right_arithmetic3A_630 = arith.shrsi %add3A_627, %shift_right_arithmetic3A_629 : vector<512x1xi32>
    %sub3A_631 = arith.constant 0 : i32
    %sub3A_632 = vector.broadcast %sub3A_631 : i32 to vector<512x1xi32>
    %sub3A_633 = arith.subi %shift_right_arithmetic3A_630, %sub3A_632 : vector<512x1xi32>
    %and3A_634 = arith.constant 127 : i32
    %and3A_635 = vector.broadcast %and3A_634 : i32 to vector<512x1xi32>
    %and3A_636 = arith.andi %add3A_627, %and3A_635 : vector<512x1xi32>
    %eq3A_637 = vector.broadcast %and3A_636 : vector<512x1xi32> to vector<512x128xi32>
    %eq3A_638 = arith.cmpi eq, %iota3A, %eq3A_637 : vector<512x128xi32>
    %eq3A_639 = arith.constant 0 : i32
    %eq3A_640 = vector.broadcast %eq3A_639 : i32 to vector<512x1xi32>
    %eq3A_641 = arith.cmpi eq, %sub3A_633, %eq3A_640 : vector<512x1xi32>
    %and3A_642 = vector.broadcast %eq3A_641 : vector<512x1xi1> to vector<512x128xi1>
    %and3A_643 = arith.andi %eq3A_638, %and3A_642 : vector<512x128xi1>
    %get3A_644 = arith.constant 0 : index
    %get3A_645 = arith.constant 0 : index
    %get3A_646 = arith.constant 0 : index
    %get3A_647 = vector.load %arg3[%get3A_644, %get3A_645, %get3A_646] : memref<17x512x128xf32, #tpu.memory_space<vmem>>, vector<1x512x128xf32>
    %get3A_648 = vector.shape_cast %get3A_647 : vector<1x512x128xf32> to vector<512x128xf32>
    %select_n3A_649 = arith.select %and3A_643, %get3A_648, %broadcast_in_dim3A_191 : vector<512x128xi1>, vector<512x128xf32>
    %eq3A_650 = vector.broadcast %and3A_636 : vector<512x1xi32> to vector<512x128xi32>
    %eq3A_651 = arith.cmpi eq, %iota3A, %eq3A_650 : vector<512x128xi32>
    %eq3A_652 = arith.constant 1 : i32
    %eq3A_653 = vector.broadcast %eq3A_652 : i32 to vector<512x1xi32>
    %eq3A_654 = arith.cmpi eq, %sub3A_633, %eq3A_653 : vector<512x1xi32>
    %and3A_655 = vector.broadcast %eq3A_654 : vector<512x1xi1> to vector<512x128xi1>
    %and3A_656 = arith.andi %eq3A_651, %and3A_655 : vector<512x128xi1>
    %get3A_657 = arith.constant 1 : index
    %get3A_658 = arith.constant 0 : index
    %get3A_659 = arith.constant 0 : index
    %get3A_660 = vector.load %arg3[%get3A_657, %get3A_658, %get3A_659] : memref<17x512x128xf32, #tpu.memory_space<vmem>>, vector<1x512x128xf32>
    %get3A_661 = vector.shape_cast %get3A_660 : vector<1x512x128xf32> to vector<512x128xf32>
    %select_n3A_662 = arith.select %and3A_656, %get3A_661, %broadcast_in_dim3A_191 : vector<512x128xi1>, vector<512x128xf32>
    %add3A_663 = arith.addf %select_n3A_649, %select_n3A_662 : vector<512x128xf32>
    %reduce_sum3A_664 = arith.constant dense<0.000000e+00> : vector<512xf32>
    %reduce_sum3A_665 = vector.multi_reduction <add>, %add3A_663, %reduce_sum3A_664 [1] : vector<512x128xf32> to vector<512xf32>
    %broadcast_in_dim3A_666 = vector.shape_cast %reduce_sum3A_665 : vector<512xf32> to vector<512x1xf32>
    %eq3A_667 = arith.constant 1 : i32
    %eq3A_668 = vector.broadcast %eq3A_667 : i32 to vector<512x1xi32>
    %eq3A_669 = arith.cmpi eq, %and3A_624, %eq3A_668 : vector<512x1xi32>
    %neg3A_670 = arith.constant 0.000000e+00 : f32
    %neg3A_671 = vector.broadcast %neg3A_670 : f32 to vector<512x1xf32>
    %neg3A_672 = arith.subf %neg3A_671, %broadcast_in_dim3A_666 : vector<512x1xf32>
    %select_n3A_673 = arith.select %eq3A_669, %neg3A_672, %broadcast_in_dim3A_666 : vector<512x1xi1>, vector<512x1xf32>
    %neg3A_674 = arith.constant 0.000000e+00 : f32
    %neg3A_675 = vector.broadcast %neg3A_674 : f32 to vector<512x1xf32>
    %neg3A_676 = arith.subf %neg3A_675, %select_n3A_673 : vector<512x1xf32>
    %max3A_677 = arith.constant 0.000000e+00 : f32
    %max3A_678 = vector.broadcast %max3A_677 : f32 to vector<512x1xf32>
    %max3A_679 = arith.maximumf %neg3A_676, %max3A_678 : vector<512x1xf32>
    %add3A_680 = arith.addf %add3A_606, %max3A_679 : vector<512x1xf32>
    %abs3A_681 = math.absf %select_n3A_673 : vector<512x1xf32>
    %neg3A_682 = arith.constant 0.000000e+00 : f32
    %neg3A_683 = vector.broadcast %neg3A_682 : f32 to vector<512x1xf32>
    %neg3A_684 = arith.subf %neg3A_683, %abs3A_681 : vector<512x1xf32>
    %exp3A_685 = math.exp %neg3A_684 : vector<512x1xf32>
    %add3A_686 = arith.constant 1.000000e+00 : f32
    %add3A_687 = vector.broadcast %add3A_686 : f32 to vector<512x1xf32>
    %add3A_688 = arith.addf %add3A_687, %exp3A_685 : vector<512x1xf32>
    %log3A_689 = math.log %add3A_688 : vector<512x1xf32>
    %add3A_690 = arith.addf %add3A_680, %log3A_689 : vector<512x1xf32>
    %add3A_691 = arith.addi %add3A_607, %and3A_624 : vector<512x1xi32>
    %dma_wait3A_692 = arith.constant 2 : i32
    %dma_wait3A_693 = arith.constant 2 : i32
    %dma_wait3A_694 = tpu.memref_slice %arg5[%dma_wait3A_693] : memref<17x!tpu.dma_semaphore, #tpu.memory_space<semaphore_mem>> -> memref<1x!tpu.dma_semaphore, #tpu.memory_space<semaphore_mem>>
    %dma_wait3A_695 = tpu.memref_squeeze %dma_wait3A_694 : memref<1x!tpu.dma_semaphore, #tpu.memory_space<semaphore_mem>> -> memref<!tpu.dma_semaphore, #tpu.memory_space<semaphore_mem>>
    %dma_wait3A_696 = arith.constant 0 : i32
    %dma_wait3A_697 = arith.constant 0 : i32
    %dma_wait3A_698 = tpu.memref_slice %arg3[%dma_wait3A_692, %dma_wait3A_696, %dma_wait3A_697] : memref<17x512x128xf32, #tpu.memory_space<vmem>> -> memref<1x512x128xf32, #tpu.memory_space<vmem>>
    %dma_wait3A_699 = tpu.memref_squeeze %dma_wait3A_698 : memref<1x512x128xf32, #tpu.memory_space<vmem>> -> memref<512x128xf32, #tpu.memory_space<vmem>>
    %dma_wait3A_700 = arith.constant 512 : i32
    %dma_wait3A_701 = arith.constant 256 : i32
    %dma_wait3A_702 = tpu.memref_slice %arg0[%dma_wait3A_700, %dma_wait3A_701] : memref<1024x65536xf32, #tpu.memory_space<any>> -> memref<512x128xf32, #tpu.memory_space<any>>
    tpu.wait_dma2 semaphore(%dma_wait3A_695 : memref<!tpu.dma_semaphore, #tpu.memory_space<semaphore_mem>>) src(%dma_wait3A_702 : memref<512x128xf32, #tpu.memory_space<any>>) dst(%dma_wait3A_699 : memref<512x128xf32, #tpu.memory_space<vmem>>)
    %shift_right_arithmetic3A_703 = arith.constant 7 : i32
    %shift_right_arithmetic3A_704 = vector.broadcast %shift_right_arithmetic3A_703 : i32 to vector<512x1xi32>
    %shift_right_arithmetic3A_705 = arith.shrsi %broadcast_in_dim3A, %shift_right_arithmetic3A_704 : vector<512x1xi32>
    %and3A_706 = arith.constant 1 : i32
    %and3A_707 = vector.broadcast %and3A_706 : i32 to vector<512x1xi32>
    %and3A_708 = arith.andi %shift_right_arithmetic3A_705, %and3A_707 : vector<512x1xi32>
    %add3A_709 = arith.constant 255 : i32
    %add3A_710 = vector.broadcast %add3A_709 : i32 to vector<512x1xi32>
    %add3A_711 = arith.addi %add3A_710, %add3A_691 : vector<512x1xi32>
    %shift_right_arithmetic3A_712 = arith.constant 7 : i32
    %shift_right_arithmetic3A_713 = vector.broadcast %shift_right_arithmetic3A_712 : i32 to vector<512x1xi32>
    %shift_right_arithmetic3A_714 = arith.shrsi %add3A_711, %shift_right_arithmetic3A_713 : vector<512x1xi32>
    %sub3A_715 = arith.constant 1 : i32
    %sub3A_716 = vector.broadcast %sub3A_715 : i32 to vector<512x1xi32>
    %sub3A_717 = arith.subi %shift_right_arithmetic3A_714, %sub3A_716 : vector<512x1xi32>
    %and3A_718 = arith.constant 127 : i32
    %and3A_719 = vector.broadcast %and3A_718 : i32 to vector<512x1xi32>
    %and3A_720 = arith.andi %add3A_711, %and3A_719 : vector<512x1xi32>
    %eq3A_721 = vector.broadcast %and3A_720 : vector<512x1xi32> to vector<512x128xi32>
    %eq3A_722 = arith.cmpi eq, %iota3A, %eq3A_721 : vector<512x128xi32>
    %eq3A_723 = arith.constant 0 : i32
    %eq3A_724 = vector.broadcast %eq3A_723 : i32 to vector<512x1xi32>
    %eq3A_725 = arith.cmpi eq, %sub3A_717, %eq3A_724 : vector<512x1xi32>
    %and3A_726 = vector.broadcast %eq3A_725 : vector<512x1xi1> to vector<512x128xi1>
    %and3A_727 = arith.andi %eq3A_722, %and3A_726 : vector<512x128xi1>
    %get3A_728 = arith.constant 1 : index
    %get3A_729 = arith.constant 0 : index
    %get3A_730 = arith.constant 0 : index
    %get3A_731 = vector.load %arg3[%get3A_728, %get3A_729, %get3A_730] : memref<17x512x128xf32, #tpu.memory_space<vmem>>, vector<1x512x128xf32>
    %get3A_732 = vector.shape_cast %get3A_731 : vector<1x512x128xf32> to vector<512x128xf32>
    %select_n3A_733 = arith.select %and3A_727, %get3A_732, %broadcast_in_dim3A_191 : vector<512x128xi1>, vector<512x128xf32>
    %eq3A_734 = vector.broadcast %and3A_720 : vector<512x1xi32> to vector<512x128xi32>
    %eq3A_735 = arith.cmpi eq, %iota3A, %eq3A_734 : vector<512x128xi32>
    %eq3A_736 = arith.constant 1 : i32
    %eq3A_737 = vector.broadcast %eq3A_736 : i32 to vector<512x1xi32>
    %eq3A_738 = arith.cmpi eq, %sub3A_717, %eq3A_737 : vector<512x1xi32>
    %and3A_739 = vector.broadcast %eq3A_738 : vector<512x1xi1> to vector<512x128xi1>
    %and3A_740 = arith.andi %eq3A_735, %and3A_739 : vector<512x128xi1>
    %get3A_741 = arith.constant 2 : index
    %get3A_742 = arith.constant 0 : index
    %get3A_743 = arith.constant 0 : index
    %get3A_744 = vector.load %arg3[%get3A_741, %get3A_742, %get3A_743] : memref<17x512x128xf32, #tpu.memory_space<vmem>>, vector<1x512x128xf32>
    %get3A_745 = vector.shape_cast %get3A_744 : vector<1x512x128xf32> to vector<512x128xf32>
    %select_n3A_746 = arith.select %and3A_740, %get3A_745, %broadcast_in_dim3A_191 : vector<512x128xi1>, vector<512x128xf32>
    %add3A_747 = arith.addf %select_n3A_733, %select_n3A_746 : vector<512x128xf32>
    %reduce_sum3A_748 = arith.constant dense<0.000000e+00> : vector<512xf32>
    %reduce_sum3A_749 = vector.multi_reduction <add>, %add3A_747, %reduce_sum3A_748 [1] : vector<512x128xf32> to vector<512xf32>
    %broadcast_in_dim3A_750 = vector.shape_cast %reduce_sum3A_749 : vector<512xf32> to vector<512x1xf32>
    %eq3A_751 = arith.constant 1 : i32
    %eq3A_752 = vector.broadcast %eq3A_751 : i32 to vector<512x1xi32>
    %eq3A_753 = arith.cmpi eq, %and3A_708, %eq3A_752 : vector<512x1xi32>
    %neg3A_754 = arith.constant 0.000000e+00 : f32
    %neg3A_755 = vector.broadcast %neg3A_754 : f32 to vector<512x1xf32>
    %neg3A_756 = arith.subf %neg3A_755, %broadcast_in_dim3A_750 : vector<512x1xf32>
    %select_n3A_757 = arith.select %eq3A_753, %neg3A_756, %broadcast_in_dim3A_750 : vector<512x1xi1>, vector<512x1xf32>
    %neg3A_758 = arith.constant 0.000000e+00 : f32
    %neg3A_759 = vector.broadcast %neg3A_758 : f32 to vector<512x1xf32>
    %neg3A_760 = arith.subf %neg3A_759, %select_n3A_757 : vector<512x1xf32>
    %max3A_761 = arith.constant 0.000000e+00 : f32
    %max3A_762 = vector.broadcast %max3A_761 : f32 to vector<512x1xf32>
    %max3A_763 = arith.maximumf %neg3A_760, %max3A_762 : vector<512x1xf32>
    %add3A_764 = arith.addf %add3A_690, %max3A_763 : vector<512x1xf32>
    %abs3A_765 = math.absf %select_n3A_757 : vector<512x1xf32>
    %neg3A_766 = arith.constant 0.000000e+00 : f32
    %neg3A_767 = vector.broadcast %neg3A_766 : f32 to vector<512x1xf32>
    %neg3A_768 = arith.subf %neg3A_767, %abs3A_765 : vector<512x1xf32>
    %exp3A_769 = math.exp %neg3A_768 : vector<512x1xf32>
    %add3A_770 = arith.constant 1.000000e+00 : f32
    %add3A_771 = vector.broadcast %add3A_770 : f32 to vector<512x1xf32>
    %add3A_772 = arith.addf %add3A_771, %exp3A_769 : vector<512x1xf32>
    %log3A_773 = math.log %add3A_772 : vector<512x1xf32>
    %add3A_774 = arith.addf %add3A_764, %log3A_773 : vector<512x1xf32>
    %add3A_775 = arith.addi %add3A_691, %and3A_708 : vector<512x1xi32>
    %dma_wait3A_776 = arith.constant 3 : i32
    %dma_wait3A_777 = arith.constant 3 : i32
    %dma_wait3A_778 = tpu.memref_slice %arg5[%dma_wait3A_777] : memref<17x!tpu.dma_semaphore, #tpu.memory_space<semaphore_mem>> -> memref<1x!tpu.dma_semaphore, #tpu.memory_space<semaphore_mem>>
    %dma_wait3A_779 = tpu.memref_squeeze %dma_wait3A_778 : memref<1x!tpu.dma_semaphore, #tpu.memory_space<semaphore_mem>> -> memref<!tpu.dma_semaphore, #tpu.memory_space<semaphore_mem>>
    %dma_wait3A_780 = arith.constant 0 : i32
    %dma_wait3A_781 = arith.constant 0 : i32
    %dma_wait3A_782 = tpu.memref_slice %arg3[%dma_wait3A_776, %dma_wait3A_780, %dma_wait3A_781] : memref<17x512x128xf32, #tpu.memory_space<vmem>> -> memref<1x512x128xf32, #tpu.memory_space<vmem>>
    %dma_wait3A_783 = tpu.memref_squeeze %dma_wait3A_782 : memref<1x512x128xf32, #tpu.memory_space<vmem>> -> memref<512x128xf32, #tpu.memory_space<vmem>>
    %dma_wait3A_784 = arith.constant 512 : i32
    %dma_wait3A_785 = arith.constant 384 : i32
    %dma_wait3A_786 = tpu.memref_slice %arg0[%dma_wait3A_784, %dma_wait3A_785] : memref<1024x65536xf32, #tpu.memory_space<any>> -> memref<512x128xf32, #tpu.memory_space<any>>
    tpu.wait_dma2 semaphore(%dma_wait3A_779 : memref<!tpu.dma_semaphore, #tpu.memory_space<semaphore_mem>>) src(%dma_wait3A_786 : memref<512x128xf32, #tpu.memory_space<any>>) dst(%dma_wait3A_783 : memref<512x128xf32, #tpu.memory_space<vmem>>)
    %dma_wait3A_787 = arith.constant 4 : i32
    %dma_wait3A_788 = arith.constant 4 : i32
    %dma_wait3A_789 = tpu.memref_slice %arg5[%dma_wait3A_788] : memref<17x!tpu.dma_semaphore, #tpu.memory_space<semaphore_mem>> -> memref<1x!tpu.dma_semaphore, #tpu.memory_space<semaphore_mem>>
    %dma_wait3A_790 = tpu.memref_squeeze %dma_wait3A_789 : memref<1x!tpu.dma_semaphore, #tpu.memory_space<semaphore_mem>> -> memref<!tpu.dma_semaphore, #tpu.memory_space<semaphore_mem>>
    %dma_wait3A_791 = arith.constant 0 : i32
    %dma_wait3A_792 = arith.constant 0 : i32
    %dma_wait3A_793 = tpu.memref_slice %arg3[%dma_wait3A_787, %dma_wait3A_791, %dma_wait3A_792] : memref<17x512x128xf32, #tpu.memory_space<vmem>> -> memref<1x512x128xf32, #tpu.memory_space<vmem>>
    %dma_wait3A_794 = tpu.memref_squeeze %dma_wait3A_793 : memref<1x512x128xf32, #tpu.memory_space<vmem>> -> memref<512x128xf32, #tpu.memory_space<vmem>>
    %dma_wait3A_795 = arith.constant 512 : i32
    %dma_wait3A_796 = arith.constant 512 : i32
    %dma_wait3A_797 = tpu.memref_slice %arg0[%dma_wait3A_795, %dma_wait3A_796] : memref<1024x65536xf32, #tpu.memory_space<any>> -> memref<512x128xf32, #tpu.memory_space<any>>
    tpu.wait_dma2 semaphore(%dma_wait3A_790 : memref<!tpu.dma_semaphore, #tpu.memory_space<semaphore_mem>>) src(%dma_wait3A_797 : memref<512x128xf32, #tpu.memory_space<any>>) dst(%dma_wait3A_794 : memref<512x128xf32, #tpu.memory_space<vmem>>)
    %shift_right_arithmetic3A_798 = arith.constant 6 : i32
    %shift_right_arithmetic3A_799 = vector.broadcast %shift_right_arithmetic3A_798 : i32 to vector<512x1xi32>
    %shift_right_arithmetic3A_800 = arith.shrsi %broadcast_in_dim3A, %shift_right_arithmetic3A_799 : vector<512x1xi32>
    %and3A_801 = arith.constant 1 : i32
    %and3A_802 = vector.broadcast %and3A_801 : i32 to vector<512x1xi32>
    %and3A_803 = arith.andi %shift_right_arithmetic3A_800, %and3A_802 : vector<512x1xi32>
    %add3A_804 = arith.constant 511 : i32
    %add3A_805 = vector.broadcast %add3A_804 : i32 to vector<512x1xi32>
    %add3A_806 = arith.addi %add3A_805, %add3A_775 : vector<512x1xi32>
    %shift_right_arithmetic3A_807 = arith.constant 7 : i32
    %shift_right_arithmetic3A_808 = vector.broadcast %shift_right_arithmetic3A_807 : i32 to vector<512x1xi32>
    %shift_right_arithmetic3A_809 = arith.shrsi %add3A_806, %shift_right_arithmetic3A_808 : vector<512x1xi32>
    %sub3A_810 = arith.constant 3 : i32
    %sub3A_811 = vector.broadcast %sub3A_810 : i32 to vector<512x1xi32>
    %sub3A_812 = arith.subi %shift_right_arithmetic3A_809, %sub3A_811 : vector<512x1xi32>
    %and3A_813 = arith.constant 127 : i32
    %and3A_814 = vector.broadcast %and3A_813 : i32 to vector<512x1xi32>
    %and3A_815 = arith.andi %add3A_806, %and3A_814 : vector<512x1xi32>
    %eq3A_816 = vector.broadcast %and3A_815 : vector<512x1xi32> to vector<512x128xi32>
    %eq3A_817 = arith.cmpi eq, %iota3A, %eq3A_816 : vector<512x128xi32>
    %eq3A_818 = arith.constant 0 : i32
    %eq3A_819 = vector.broadcast %eq3A_818 : i32 to vector<512x1xi32>
    %eq3A_820 = arith.cmpi eq, %sub3A_812, %eq3A_819 : vector<512x1xi32>
    %and3A_821 = vector.broadcast %eq3A_820 : vector<512x1xi1> to vector<512x128xi1>
    %and3A_822 = arith.andi %eq3A_817, %and3A_821 : vector<512x128xi1>
    %get3A_823 = arith.constant 3 : index
    %get3A_824 = arith.constant 0 : index
    %get3A_825 = arith.constant 0 : index
    %get3A_826 = vector.load %arg3[%get3A_823, %get3A_824, %get3A_825] : memref<17x512x128xf32, #tpu.memory_space<vmem>>, vector<1x512x128xf32>
    %get3A_827 = vector.shape_cast %get3A_826 : vector<1x512x128xf32> to vector<512x128xf32>
    %select_n3A_828 = arith.select %and3A_822, %get3A_827, %broadcast_in_dim3A_191 : vector<512x128xi1>, vector<512x128xf32>
    %eq3A_829 = vector.broadcast %and3A_815 : vector<512x1xi32> to vector<512x128xi32>
    %eq3A_830 = arith.cmpi eq, %iota3A, %eq3A_829 : vector<512x128xi32>
    %eq3A_831 = arith.constant 1 : i32
    %eq3A_832 = vector.broadcast %eq3A_831 : i32 to vector<512x1xi32>
    %eq3A_833 = arith.cmpi eq, %sub3A_812, %eq3A_832 : vector<512x1xi32>
    %and3A_834 = vector.broadcast %eq3A_833 : vector<512x1xi1> to vector<512x128xi1>
    %and3A_835 = arith.andi %eq3A_830, %and3A_834 : vector<512x128xi1>
    %get3A_836 = arith.constant 4 : index
    %get3A_837 = arith.constant 0 : index
    %get3A_838 = arith.constant 0 : index
    %get3A_839 = vector.load %arg3[%get3A_836, %get3A_837, %get3A_838] : memref<17x512x128xf32, #tpu.memory_space<vmem>>, vector<1x512x128xf32>
    %get3A_840 = vector.shape_cast %get3A_839 : vector<1x512x128xf32> to vector<512x128xf32>
    %select_n3A_841 = arith.select %and3A_835, %get3A_840, %broadcast_in_dim3A_191 : vector<512x128xi1>, vector<512x128xf32>
    %add3A_842 = arith.addf %select_n3A_828, %select_n3A_841 : vector<512x128xf32>
    %reduce_sum3A_843 = arith.constant dense<0.000000e+00> : vector<512xf32>
    %reduce_sum3A_844 = vector.multi_reduction <add>, %add3A_842, %reduce_sum3A_843 [1] : vector<512x128xf32> to vector<512xf32>
    %broadcast_in_dim3A_845 = vector.shape_cast %reduce_sum3A_844 : vector<512xf32> to vector<512x1xf32>
    %eq3A_846 = arith.constant 1 : i32
    %eq3A_847 = vector.broadcast %eq3A_846 : i32 to vector<512x1xi32>
    %eq3A_848 = arith.cmpi eq, %and3A_803, %eq3A_847 : vector<512x1xi32>
    %neg3A_849 = arith.constant 0.000000e+00 : f32
    %neg3A_850 = vector.broadcast %neg3A_849 : f32 to vector<512x1xf32>
    %neg3A_851 = arith.subf %neg3A_850, %broadcast_in_dim3A_845 : vector<512x1xf32>
    %select_n3A_852 = arith.select %eq3A_848, %neg3A_851, %broadcast_in_dim3A_845 : vector<512x1xi1>, vector<512x1xf32>
    %neg3A_853 = arith.constant 0.000000e+00 : f32
    %neg3A_854 = vector.broadcast %neg3A_853 : f32 to vector<512x1xf32>
    %neg3A_855 = arith.subf %neg3A_854, %select_n3A_852 : vector<512x1xf32>
    %max3A_856 = arith.constant 0.000000e+00 : f32
    %max3A_857 = vector.broadcast %max3A_856 : f32 to vector<512x1xf32>
    %max3A_858 = arith.maximumf %neg3A_855, %max3A_857 : vector<512x1xf32>
    %add3A_859 = arith.addf %add3A_774, %max3A_858 : vector<512x1xf32>
    %abs3A_860 = math.absf %select_n3A_852 : vector<512x1xf32>
    %neg3A_861 = arith.constant 0.000000e+00 : f32
    %neg3A_862 = vector.broadcast %neg3A_861 : f32 to vector<512x1xf32>
    %neg3A_863 = arith.subf %neg3A_862, %abs3A_860 : vector<512x1xf32>
    %exp3A_864 = math.exp %neg3A_863 : vector<512x1xf32>
    %add3A_865 = arith.constant 1.000000e+00 : f32
    %add3A_866 = vector.broadcast %add3A_865 : f32 to vector<512x1xf32>
    %add3A_867 = arith.addf %add3A_866, %exp3A_864 : vector<512x1xf32>
    %log3A_868 = math.log %add3A_867 : vector<512x1xf32>
    %add3A_869 = arith.addf %add3A_859, %log3A_868 : vector<512x1xf32>
    %add3A_870 = arith.addi %add3A_775, %and3A_803 : vector<512x1xi32>
    %dma_wait3A_871 = arith.constant 5 : i32
    %dma_wait3A_872 = arith.constant 5 : i32
    %dma_wait3A_873 = tpu.memref_slice %arg5[%dma_wait3A_872] : memref<17x!tpu.dma_semaphore, #tpu.memory_space<semaphore_mem>> -> memref<1x!tpu.dma_semaphore, #tpu.memory_space<semaphore_mem>>
    %dma_wait3A_874 = tpu.memref_squeeze %dma_wait3A_873 : memref<1x!tpu.dma_semaphore, #tpu.memory_space<semaphore_mem>> -> memref<!tpu.dma_semaphore, #tpu.memory_space<semaphore_mem>>
    %dma_wait3A_875 = arith.constant 0 : i32
    %dma_wait3A_876 = arith.constant 0 : i32
    %dma_wait3A_877 = tpu.memref_slice %arg3[%dma_wait3A_871, %dma_wait3A_875, %dma_wait3A_876] : memref<17x512x128xf32, #tpu.memory_space<vmem>> -> memref<1x512x128xf32, #tpu.memory_space<vmem>>
    %dma_wait3A_878 = tpu.memref_squeeze %dma_wait3A_877 : memref<1x512x128xf32, #tpu.memory_space<vmem>> -> memref<512x128xf32, #tpu.memory_space<vmem>>
    %dma_wait3A_879 = arith.constant 512 : i32
    %dma_wait3A_880 = arith.constant 896 : i32
    %dma_wait3A_881 = tpu.memref_slice %arg0[%dma_wait3A_879, %dma_wait3A_880] : memref<1024x65536xf32, #tpu.memory_space<any>> -> memref<512x128xf32, #tpu.memory_space<any>>
    tpu.wait_dma2 semaphore(%dma_wait3A_874 : memref<!tpu.dma_semaphore, #tpu.memory_space<semaphore_mem>>) src(%dma_wait3A_881 : memref<512x128xf32, #tpu.memory_space<any>>) dst(%dma_wait3A_878 : memref<512x128xf32, #tpu.memory_space<vmem>>)
    %dma_wait3A_882 = arith.constant 6 : i32
    %dma_wait3A_883 = arith.constant 6 : i32
    %dma_wait3A_884 = tpu.memref_slice %arg5[%dma_wait3A_883] : memref<17x!tpu.dma_semaphore, #tpu.memory_space<semaphore_mem>> -> memref<1x!tpu.dma_semaphore, #tpu.memory_space<semaphore_mem>>
    %dma_wait3A_885 = tpu.memref_squeeze %dma_wait3A_884 : memref<1x!tpu.dma_semaphore, #tpu.memory_space<semaphore_mem>> -> memref<!tpu.dma_semaphore, #tpu.memory_space<semaphore_mem>>
    %dma_wait3A_886 = arith.constant 0 : i32
    %dma_wait3A_887 = arith.constant 0 : i32
    %dma_wait3A_888 = tpu.memref_slice %arg3[%dma_wait3A_882, %dma_wait3A_886, %dma_wait3A_887] : memref<17x512x128xf32, #tpu.memory_space<vmem>> -> memref<1x512x128xf32, #tpu.memory_space<vmem>>
    %dma_wait3A_889 = tpu.memref_squeeze %dma_wait3A_888 : memref<1x512x128xf32, #tpu.memory_space<vmem>> -> memref<512x128xf32, #tpu.memory_space<vmem>>
    %dma_wait3A_890 = arith.constant 512 : i32
    %dma_wait3A_891 = arith.constant 1024 : i32
    %dma_wait3A_892 = tpu.memref_slice %arg0[%dma_wait3A_890, %dma_wait3A_891] : memref<1024x65536xf32, #tpu.memory_space<any>> -> memref<512x128xf32, #tpu.memory_space<any>>
    tpu.wait_dma2 semaphore(%dma_wait3A_885 : memref<!tpu.dma_semaphore, #tpu.memory_space<semaphore_mem>>) src(%dma_wait3A_892 : memref<512x128xf32, #tpu.memory_space<any>>) dst(%dma_wait3A_889 : memref<512x128xf32, #tpu.memory_space<vmem>>)
    %shift_right_arithmetic3A_893 = arith.constant 5 : i32
    %shift_right_arithmetic3A_894 = vector.broadcast %shift_right_arithmetic3A_893 : i32 to vector<512x1xi32>
    %shift_right_arithmetic3A_895 = arith.shrsi %broadcast_in_dim3A, %shift_right_arithmetic3A_894 : vector<512x1xi32>
    %and3A_896 = arith.constant 1 : i32
    %and3A_897 = vector.broadcast %and3A_896 : i32 to vector<512x1xi32>
    %and3A_898 = arith.andi %shift_right_arithmetic3A_895, %and3A_897 : vector<512x1xi32>
    %add3A_899 = arith.constant 1023 : i32
    %add3A_900 = vector.broadcast %add3A_899 : i32 to vector<512x1xi32>
    %add3A_901 = arith.addi %add3A_900, %add3A_870 : vector<512x1xi32>
    %shift_right_arithmetic3A_902 = arith.constant 7 : i32
    %shift_right_arithmetic3A_903 = vector.broadcast %shift_right_arithmetic3A_902 : i32 to vector<512x1xi32>
    %shift_right_arithmetic3A_904 = arith.shrsi %add3A_901, %shift_right_arithmetic3A_903 : vector<512x1xi32>
    %sub3A_905 = arith.constant 7 : i32
    %sub3A_906 = vector.broadcast %sub3A_905 : i32 to vector<512x1xi32>
    %sub3A_907 = arith.subi %shift_right_arithmetic3A_904, %sub3A_906 : vector<512x1xi32>
    %and3A_908 = arith.constant 127 : i32
    %and3A_909 = vector.broadcast %and3A_908 : i32 to vector<512x1xi32>
    %and3A_910 = arith.andi %add3A_901, %and3A_909 : vector<512x1xi32>
    %eq3A_911 = vector.broadcast %and3A_910 : vector<512x1xi32> to vector<512x128xi32>
    %eq3A_912 = arith.cmpi eq, %iota3A, %eq3A_911 : vector<512x128xi32>
    %eq3A_913 = arith.constant 0 : i32
    %eq3A_914 = vector.broadcast %eq3A_913 : i32 to vector<512x1xi32>
    %eq3A_915 = arith.cmpi eq, %sub3A_907, %eq3A_914 : vector<512x1xi32>
    %and3A_916 = vector.broadcast %eq3A_915 : vector<512x1xi1> to vector<512x128xi1>
    %and3A_917 = arith.andi %eq3A_912, %and3A_916 : vector<512x128xi1>
    %get3A_918 = arith.constant 5 : index
    %get3A_919 = arith.constant 0 : index
    %get3A_920 = arith.constant 0 : index
    %get3A_921 = vector.load %arg3[%get3A_918, %get3A_919, %get3A_920] : memref<17x512x128xf32, #tpu.memory_space<vmem>>, vector<1x512x128xf32>
    %get3A_922 = vector.shape_cast %get3A_921 : vector<1x512x128xf32> to vector<512x128xf32>
    %select_n3A_923 = arith.select %and3A_917, %get3A_922, %broadcast_in_dim3A_191 : vector<512x128xi1>, vector<512x128xf32>
    %eq3A_924 = vector.broadcast %and3A_910 : vector<512x1xi32> to vector<512x128xi32>
    %eq3A_925 = arith.cmpi eq, %iota3A, %eq3A_924 : vector<512x128xi32>
    %eq3A_926 = arith.constant 1 : i32
    %eq3A_927 = vector.broadcast %eq3A_926 : i32 to vector<512x1xi32>
    %eq3A_928 = arith.cmpi eq, %sub3A_907, %eq3A_927 : vector<512x1xi32>
    %and3A_929 = vector.broadcast %eq3A_928 : vector<512x1xi1> to vector<512x128xi1>
    %and3A_930 = arith.andi %eq3A_925, %and3A_929 : vector<512x128xi1>
    %get3A_931 = arith.constant 6 : index
    %get3A_932 = arith.constant 0 : index
    %get3A_933 = arith.constant 0 : index
    %get3A_934 = vector.load %arg3[%get3A_931, %get3A_932, %get3A_933] : memref<17x512x128xf32, #tpu.memory_space<vmem>>, vector<1x512x128xf32>
    %get3A_935 = vector.shape_cast %get3A_934 : vector<1x512x128xf32> to vector<512x128xf32>
    %select_n3A_936 = arith.select %and3A_930, %get3A_935, %broadcast_in_dim3A_191 : vector<512x128xi1>, vector<512x128xf32>
    %add3A_937 = arith.addf %select_n3A_923, %select_n3A_936 : vector<512x128xf32>
    %reduce_sum3A_938 = arith.constant dense<0.000000e+00> : vector<512xf32>
    %reduce_sum3A_939 = vector.multi_reduction <add>, %add3A_937, %reduce_sum3A_938 [1] : vector<512x128xf32> to vector<512xf32>
    %broadcast_in_dim3A_940 = vector.shape_cast %reduce_sum3A_939 : vector<512xf32> to vector<512x1xf32>
    %eq3A_941 = arith.constant 1 : i32
    %eq3A_942 = vector.broadcast %eq3A_941 : i32 to vector<512x1xi32>
    %eq3A_943 = arith.cmpi eq, %and3A_898, %eq3A_942 : vector<512x1xi32>
    %neg3A_944 = arith.constant 0.000000e+00 : f32
    %neg3A_945 = vector.broadcast %neg3A_944 : f32 to vector<512x1xf32>
    %neg3A_946 = arith.subf %neg3A_945, %broadcast_in_dim3A_940 : vector<512x1xf32>
    %select_n3A_947 = arith.select %eq3A_943, %neg3A_946, %broadcast_in_dim3A_940 : vector<512x1xi1>, vector<512x1xf32>
    %neg3A_948 = arith.constant 0.000000e+00 : f32
    %neg3A_949 = vector.broadcast %neg3A_948 : f32 to vector<512x1xf32>
    %neg3A_950 = arith.subf %neg3A_949, %select_n3A_947 : vector<512x1xf32>
    %max3A_951 = arith.constant 0.000000e+00 : f32
    %max3A_952 = vector.broadcast %max3A_951 : f32 to vector<512x1xf32>
    %max3A_953 = arith.maximumf %neg3A_950, %max3A_952 : vector<512x1xf32>
    %add3A_954 = arith.addf %add3A_869, %max3A_953 : vector<512x1xf32>
    %abs3A_955 = math.absf %select_n3A_947 : vector<512x1xf32>
    %neg3A_956 = arith.constant 0.000000e+00 : f32
    %neg3A_957 = vector.broadcast %neg3A_956 : f32 to vector<512x1xf32>
    %neg3A_958 = arith.subf %neg3A_957, %abs3A_955 : vector<512x1xf32>
    %exp3A_959 = math.exp %neg3A_958 : vector<512x1xf32>
    %add3A_960 = arith.constant 1.000000e+00 : f32
    %add3A_961 = vector.broadcast %add3A_960 : f32 to vector<512x1xf32>
    %add3A_962 = arith.addf %add3A_961, %exp3A_959 : vector<512x1xf32>
    %log3A_963 = math.log %add3A_962 : vector<512x1xf32>
    %add3A_964 = arith.addf %add3A_954, %log3A_963 : vector<512x1xf32>
    %add3A_965 = arith.addi %add3A_870, %and3A_898 : vector<512x1xi32>
    %dma_wait3A_966 = arith.constant 7 : i32
    %dma_wait3A_967 = arith.constant 7 : i32
    %dma_wait3A_968 = tpu.memref_slice %arg5[%dma_wait3A_967] : memref<17x!tpu.dma_semaphore, #tpu.memory_space<semaphore_mem>> -> memref<1x!tpu.dma_semaphore, #tpu.memory_space<semaphore_mem>>
    %dma_wait3A_969 = tpu.memref_squeeze %dma_wait3A_968 : memref<1x!tpu.dma_semaphore, #tpu.memory_space<semaphore_mem>> -> memref<!tpu.dma_semaphore, #tpu.memory_space<semaphore_mem>>
    %dma_wait3A_970 = arith.constant 0 : i32
    %dma_wait3A_971 = arith.constant 0 : i32
    %dma_wait3A_972 = tpu.memref_slice %arg3[%dma_wait3A_966, %dma_wait3A_970, %dma_wait3A_971] : memref<17x512x128xf32, #tpu.memory_space<vmem>> -> memref<1x512x128xf32, #tpu.memory_space<vmem>>
    %dma_wait3A_973 = tpu.memref_squeeze %dma_wait3A_972 : memref<1x512x128xf32, #tpu.memory_space<vmem>> -> memref<512x128xf32, #tpu.memory_space<vmem>>
    %dma_wait3A_974 = arith.constant 512 : i32
    %dma_wait3A_975 = arith.constant 1920 : i32
    %dma_wait3A_976 = tpu.memref_slice %arg0[%dma_wait3A_974, %dma_wait3A_975] : memref<1024x65536xf32, #tpu.memory_space<any>> -> memref<512x128xf32, #tpu.memory_space<any>>
    tpu.wait_dma2 semaphore(%dma_wait3A_969 : memref<!tpu.dma_semaphore, #tpu.memory_space<semaphore_mem>>) src(%dma_wait3A_976 : memref<512x128xf32, #tpu.memory_space<any>>) dst(%dma_wait3A_973 : memref<512x128xf32, #tpu.memory_space<vmem>>)
    %dma_wait3A_977 = arith.constant 8 : i32
    %dma_wait3A_978 = arith.constant 8 : i32
    %dma_wait3A_979 = tpu.memref_slice %arg5[%dma_wait3A_978] : memref<17x!tpu.dma_semaphore, #tpu.memory_space<semaphore_mem>> -> memref<1x!tpu.dma_semaphore, #tpu.memory_space<semaphore_mem>>
    %dma_wait3A_980 = tpu.memref_squeeze %dma_wait3A_979 : memref<1x!tpu.dma_semaphore, #tpu.memory_space<semaphore_mem>> -> memref<!tpu.dma_semaphore, #tpu.memory_space<semaphore_mem>>
    %dma_wait3A_981 = arith.constant 0 : i32
    %dma_wait3A_982 = arith.constant 0 : i32
    %dma_wait3A_983 = tpu.memref_slice %arg3[%dma_wait3A_977, %dma_wait3A_981, %dma_wait3A_982] : memref<17x512x128xf32, #tpu.memory_space<vmem>> -> memref<1x512x128xf32, #tpu.memory_space<vmem>>
    %dma_wait3A_984 = tpu.memref_squeeze %dma_wait3A_983 : memref<1x512x128xf32, #tpu.memory_space<vmem>> -> memref<512x128xf32, #tpu.memory_space<vmem>>
    %dma_wait3A_985 = arith.constant 512 : i32
    %dma_wait3A_986 = arith.constant 2048 : i32
    %dma_wait3A_987 = tpu.memref_slice %arg0[%dma_wait3A_985, %dma_wait3A_986] : memref<1024x65536xf32, #tpu.memory_space<any>> -> memref<512x128xf32, #tpu.memory_space<any>>
    tpu.wait_dma2 semaphore(%dma_wait3A_980 : memref<!tpu.dma_semaphore, #tpu.memory_space<semaphore_mem>>) src(%dma_wait3A_987 : memref<512x128xf32, #tpu.memory_space<any>>) dst(%dma_wait3A_984 : memref<512x128xf32, #tpu.memory_space<vmem>>)
    %shift_right_arithmetic3A_988 = arith.constant 4 : i32
    %shift_right_arithmetic3A_989 = vector.broadcast %shift_right_arithmetic3A_988 : i32 to vector<512x1xi32>
    %shift_right_arithmetic3A_990 = arith.shrsi %broadcast_in_dim3A, %shift_right_arithmetic3A_989 : vector<512x1xi32>
    %and3A_991 = arith.constant 1 : i32
    %and3A_992 = vector.broadcast %and3A_991 : i32 to vector<512x1xi32>
    %and3A_993 = arith.andi %shift_right_arithmetic3A_990, %and3A_992 : vector<512x1xi32>
    %add3A_994 = arith.constant 2047 : i32
    %add3A_995 = vector.broadcast %add3A_994 : i32 to vector<512x1xi32>
    %add3A_996 = arith.addi %add3A_995, %add3A_965 : vector<512x1xi32>
    %shift_right_arithmetic3A_997 = arith.constant 7 : i32
    %shift_right_arithmetic3A_998 = vector.broadcast %shift_right_arithmetic3A_997 : i32 to vector<512x1xi32>
    %shift_right_arithmetic3A_999 = arith.shrsi %add3A_996, %shift_right_arithmetic3A_998 : vector<512x1xi32>
    %sub3A_1000 = arith.constant 15 : i32
    %sub3A_1001 = vector.broadcast %sub3A_1000 : i32 to vector<512x1xi32>
    %sub3A_1002 = arith.subi %shift_right_arithmetic3A_999, %sub3A_1001 : vector<512x1xi32>
    %and3A_1003 = arith.constant 127 : i32
    %and3A_1004 = vector.broadcast %and3A_1003 : i32 to vector<512x1xi32>
    %and3A_1005 = arith.andi %add3A_996, %and3A_1004 : vector<512x1xi32>
    %eq3A_1006 = vector.broadcast %and3A_1005 : vector<512x1xi32> to vector<512x128xi32>
    %eq3A_1007 = arith.cmpi eq, %iota3A, %eq3A_1006 : vector<512x128xi32>
    %eq3A_1008 = arith.constant 0 : i32
    %eq3A_1009 = vector.broadcast %eq3A_1008 : i32 to vector<512x1xi32>
    %eq3A_1010 = arith.cmpi eq, %sub3A_1002, %eq3A_1009 : vector<512x1xi32>
    %and3A_1011 = vector.broadcast %eq3A_1010 : vector<512x1xi1> to vector<512x128xi1>
    %and3A_1012 = arith.andi %eq3A_1007, %and3A_1011 : vector<512x128xi1>
    %get3A_1013 = arith.constant 7 : index
    %get3A_1014 = arith.constant 0 : index
    %get3A_1015 = arith.constant 0 : index
    %get3A_1016 = vector.load %arg3[%get3A_1013, %get3A_1014, %get3A_1015] : memref<17x512x128xf32, #tpu.memory_space<vmem>>, vector<1x512x128xf32>
    %get3A_1017 = vector.shape_cast %get3A_1016 : vector<1x512x128xf32> to vector<512x128xf32>
    %select_n3A_1018 = arith.select %and3A_1012, %get3A_1017, %broadcast_in_dim3A_191 : vector<512x128xi1>, vector<512x128xf32>
    %eq3A_1019 = vector.broadcast %and3A_1005 : vector<512x1xi32> to vector<512x128xi32>
    %eq3A_1020 = arith.cmpi eq, %iota3A, %eq3A_1019 : vector<512x128xi32>
    %eq3A_1021 = arith.constant 1 : i32
    %eq3A_1022 = vector.broadcast %eq3A_1021 : i32 to vector<512x1xi32>
    %eq3A_1023 = arith.cmpi eq, %sub3A_1002, %eq3A_1022 : vector<512x1xi32>
    %and3A_1024 = vector.broadcast %eq3A_1023 : vector<512x1xi1> to vector<512x128xi1>
    %and3A_1025 = arith.andi %eq3A_1020, %and3A_1024 : vector<512x128xi1>
    %get3A_1026 = arith.constant 8 : index
    %get3A_1027 = arith.constant 0 : index
    %get3A_1028 = arith.constant 0 : index
    %get3A_1029 = vector.load %arg3[%get3A_1026, %get3A_1027, %get3A_1028] : memref<17x512x128xf32, #tpu.memory_space<vmem>>, vector<1x512x128xf32>
    %get3A_1030 = vector.shape_cast %get3A_1029 : vector<1x512x128xf32> to vector<512x128xf32>
    %select_n3A_1031 = arith.select %and3A_1025, %get3A_1030, %broadcast_in_dim3A_191 : vector<512x128xi1>, vector<512x128xf32>
    %add3A_1032 = arith.addf %select_n3A_1018, %select_n3A_1031 : vector<512x128xf32>
    %reduce_sum3A_1033 = arith.constant dense<0.000000e+00> : vector<512xf32>
    %reduce_sum3A_1034 = vector.multi_reduction <add>, %add3A_1032, %reduce_sum3A_1033 [1] : vector<512x128xf32> to vector<512xf32>
    %broadcast_in_dim3A_1035 = vector.shape_cast %reduce_sum3A_1034 : vector<512xf32> to vector<512x1xf32>
    %eq3A_1036 = arith.constant 1 : i32
    %eq3A_1037 = vector.broadcast %eq3A_1036 : i32 to vector<512x1xi32>
    %eq3A_1038 = arith.cmpi eq, %and3A_993, %eq3A_1037 : vector<512x1xi32>
    %neg3A_1039 = arith.constant 0.000000e+00 : f32
    %neg3A_1040 = vector.broadcast %neg3A_1039 : f32 to vector<512x1xf32>
    %neg3A_1041 = arith.subf %neg3A_1040, %broadcast_in_dim3A_1035 : vector<512x1xf32>
    %select_n3A_1042 = arith.select %eq3A_1038, %neg3A_1041, %broadcast_in_dim3A_1035 : vector<512x1xi1>, vector<512x1xf32>
    %neg3A_1043 = arith.constant 0.000000e+00 : f32
    %neg3A_1044 = vector.broadcast %neg3A_1043 : f32 to vector<512x1xf32>
    %neg3A_1045 = arith.subf %neg3A_1044, %select_n3A_1042 : vector<512x1xf32>
    %max3A_1046 = arith.constant 0.000000e+00 : f32
    %max3A_1047 = vector.broadcast %max3A_1046 : f32 to vector<512x1xf32>
    %max3A_1048 = arith.maximumf %neg3A_1045, %max3A_1047 : vector<512x1xf32>
    %add3A_1049 = arith.addf %add3A_964, %max3A_1048 : vector<512x1xf32>
    %abs3A_1050 = math.absf %select_n3A_1042 : vector<512x1xf32>
    %neg3A_1051 = arith.constant 0.000000e+00 : f32
    %neg3A_1052 = vector.broadcast %neg3A_1051 : f32 to vector<512x1xf32>
    %neg3A_1053 = arith.subf %neg3A_1052, %abs3A_1050 : vector<512x1xf32>
    %exp3A_1054 = math.exp %neg3A_1053 : vector<512x1xf32>
    %add3A_1055 = arith.constant 1.000000e+00 : f32
    %add3A_1056 = vector.broadcast %add3A_1055 : f32 to vector<512x1xf32>
    %add3A_1057 = arith.addf %add3A_1056, %exp3A_1054 : vector<512x1xf32>
    %log3A_1058 = math.log %add3A_1057 : vector<512x1xf32>
    %add3A_1059 = arith.addf %add3A_1049, %log3A_1058 : vector<512x1xf32>
    %add3A_1060 = arith.addi %add3A_965, %and3A_993 : vector<512x1xi32>
    %dma_wait3A_1061 = arith.constant 9 : i32
    %dma_wait3A_1062 = arith.constant 9 : i32
    %dma_wait3A_1063 = tpu.memref_slice %arg5[%dma_wait3A_1062] : memref<17x!tpu.dma_semaphore, #tpu.memory_space<semaphore_mem>> -> memref<1x!tpu.dma_semaphore, #tpu.memory_space<semaphore_mem>>
    %dma_wait3A_1064 = tpu.memref_squeeze %dma_wait3A_1063 : memref<1x!tpu.dma_semaphore, #tpu.memory_space<semaphore_mem>> -> memref<!tpu.dma_semaphore, #tpu.memory_space<semaphore_mem>>
    %dma_wait3A_1065 = arith.constant 0 : i32
    %dma_wait3A_1066 = arith.constant 0 : i32
    %dma_wait3A_1067 = tpu.memref_slice %arg3[%dma_wait3A_1061, %dma_wait3A_1065, %dma_wait3A_1066] : memref<17x512x128xf32, #tpu.memory_space<vmem>> -> memref<1x512x128xf32, #tpu.memory_space<vmem>>
    %dma_wait3A_1068 = tpu.memref_squeeze %dma_wait3A_1067 : memref<1x512x128xf32, #tpu.memory_space<vmem>> -> memref<512x128xf32, #tpu.memory_space<vmem>>
    %dma_wait3A_1069 = arith.constant 512 : i32
    %dma_wait3A_1070 = arith.constant 3968 : i32
    %dma_wait3A_1071 = tpu.memref_slice %arg0[%dma_wait3A_1069, %dma_wait3A_1070] : memref<1024x65536xf32, #tpu.memory_space<any>> -> memref<512x128xf32, #tpu.memory_space<any>>
    tpu.wait_dma2 semaphore(%dma_wait3A_1064 : memref<!tpu.dma_semaphore, #tpu.memory_space<semaphore_mem>>) src(%dma_wait3A_1071 : memref<512x128xf32, #tpu.memory_space<any>>) dst(%dma_wait3A_1068 : memref<512x128xf32, #tpu.memory_space<vmem>>)
    %dma_wait3A_1072 = arith.constant 10 : i32
    %dma_wait3A_1073 = arith.constant 10 : i32
    %dma_wait3A_1074 = tpu.memref_slice %arg5[%dma_wait3A_1073] : memref<17x!tpu.dma_semaphore, #tpu.memory_space<semaphore_mem>> -> memref<1x!tpu.dma_semaphore, #tpu.memory_space<semaphore_mem>>
    %dma_wait3A_1075 = tpu.memref_squeeze %dma_wait3A_1074 : memref<1x!tpu.dma_semaphore, #tpu.memory_space<semaphore_mem>> -> memref<!tpu.dma_semaphore, #tpu.memory_space<semaphore_mem>>
    %dma_wait3A_1076 = arith.constant 0 : i32
    %dma_wait3A_1077 = arith.constant 0 : i32
    %dma_wait3A_1078 = tpu.memref_slice %arg3[%dma_wait3A_1072, %dma_wait3A_1076, %dma_wait3A_1077] : memref<17x512x128xf32, #tpu.memory_space<vmem>> -> memref<1x512x128xf32, #tpu.memory_space<vmem>>
    %dma_wait3A_1079 = tpu.memref_squeeze %dma_wait3A_1078 : memref<1x512x128xf32, #tpu.memory_space<vmem>> -> memref<512x128xf32, #tpu.memory_space<vmem>>
    %dma_wait3A_1080 = arith.constant 512 : i32
    %dma_wait3A_1081 = arith.constant 4096 : i32
    %dma_wait3A_1082 = tpu.memref_slice %arg0[%dma_wait3A_1080, %dma_wait3A_1081] : memref<1024x65536xf32, #tpu.memory_space<any>> -> memref<512x128xf32, #tpu.memory_space<any>>
    tpu.wait_dma2 semaphore(%dma_wait3A_1075 : memref<!tpu.dma_semaphore, #tpu.memory_space<semaphore_mem>>) src(%dma_wait3A_1082 : memref<512x128xf32, #tpu.memory_space<any>>) dst(%dma_wait3A_1079 : memref<512x128xf32, #tpu.memory_space<vmem>>)
    %shift_right_arithmetic3A_1083 = arith.constant 3 : i32
    %shift_right_arithmetic3A_1084 = vector.broadcast %shift_right_arithmetic3A_1083 : i32 to vector<512x1xi32>
    %shift_right_arithmetic3A_1085 = arith.shrsi %broadcast_in_dim3A, %shift_right_arithmetic3A_1084 : vector<512x1xi32>
    %and3A_1086 = arith.constant 1 : i32
    %and3A_1087 = vector.broadcast %and3A_1086 : i32 to vector<512x1xi32>
    %and3A_1088 = arith.andi %shift_right_arithmetic3A_1085, %and3A_1087 : vector<512x1xi32>
    %add3A_1089 = arith.constant 4095 : i32
    %add3A_1090 = vector.broadcast %add3A_1089 : i32 to vector<512x1xi32>
    %add3A_1091 = arith.addi %add3A_1090, %add3A_1060 : vector<512x1xi32>
    %shift_right_arithmetic3A_1092 = arith.constant 7 : i32
    %shift_right_arithmetic3A_1093 = vector.broadcast %shift_right_arithmetic3A_1092 : i32 to vector<512x1xi32>
    %shift_right_arithmetic3A_1094 = arith.shrsi %add3A_1091, %shift_right_arithmetic3A_1093 : vector<512x1xi32>
    %sub3A_1095 = arith.constant 31 : i32
    %sub3A_1096 = vector.broadcast %sub3A_1095 : i32 to vector<512x1xi32>
    %sub3A_1097 = arith.subi %shift_right_arithmetic3A_1094, %sub3A_1096 : vector<512x1xi32>
    %and3A_1098 = arith.constant 127 : i32
    %and3A_1099 = vector.broadcast %and3A_1098 : i32 to vector<512x1xi32>
    %and3A_1100 = arith.andi %add3A_1091, %and3A_1099 : vector<512x1xi32>
    %eq3A_1101 = vector.broadcast %and3A_1100 : vector<512x1xi32> to vector<512x128xi32>
    %eq3A_1102 = arith.cmpi eq, %iota3A, %eq3A_1101 : vector<512x128xi32>
    %eq3A_1103 = arith.constant 0 : i32
    %eq3A_1104 = vector.broadcast %eq3A_1103 : i32 to vector<512x1xi32>
    %eq3A_1105 = arith.cmpi eq, %sub3A_1097, %eq3A_1104 : vector<512x1xi32>
    %and3A_1106 = vector.broadcast %eq3A_1105 : vector<512x1xi1> to vector<512x128xi1>
    %and3A_1107 = arith.andi %eq3A_1102, %and3A_1106 : vector<512x128xi1>
    %get3A_1108 = arith.constant 9 : index
    %get3A_1109 = arith.constant 0 : index
    %get3A_1110 = arith.constant 0 : index
    %get3A_1111 = vector.load %arg3[%get3A_1108, %get3A_1109, %get3A_1110] : memref<17x512x128xf32, #tpu.memory_space<vmem>>, vector<1x512x128xf32>
    %get3A_1112 = vector.shape_cast %get3A_1111 : vector<1x512x128xf32> to vector<512x128xf32>
    %select_n3A_1113 = arith.select %and3A_1107, %get3A_1112, %broadcast_in_dim3A_191 : vector<512x128xi1>, vector<512x128xf32>
    %eq3A_1114 = vector.broadcast %and3A_1100 : vector<512x1xi32> to vector<512x128xi32>
    %eq3A_1115 = arith.cmpi eq, %iota3A, %eq3A_1114 : vector<512x128xi32>
    %eq3A_1116 = arith.constant 1 : i32
    %eq3A_1117 = vector.broadcast %eq3A_1116 : i32 to vector<512x1xi32>
    %eq3A_1118 = arith.cmpi eq, %sub3A_1097, %eq3A_1117 : vector<512x1xi32>
    %and3A_1119 = vector.broadcast %eq3A_1118 : vector<512x1xi1> to vector<512x128xi1>
    %and3A_1120 = arith.andi %eq3A_1115, %and3A_1119 : vector<512x128xi1>
    %get3A_1121 = arith.constant 10 : index
    %get3A_1122 = arith.constant 0 : index
    %get3A_1123 = arith.constant 0 : index
    %get3A_1124 = vector.load %arg3[%get3A_1121, %get3A_1122, %get3A_1123] : memref<17x512x128xf32, #tpu.memory_space<vmem>>, vector<1x512x128xf32>
    %get3A_1125 = vector.shape_cast %get3A_1124 : vector<1x512x128xf32> to vector<512x128xf32>
    %select_n3A_1126 = arith.select %and3A_1120, %get3A_1125, %broadcast_in_dim3A_191 : vector<512x128xi1>, vector<512x128xf32>
    %add3A_1127 = arith.addf %select_n3A_1113, %select_n3A_1126 : vector<512x128xf32>
    %reduce_sum3A_1128 = arith.constant dense<0.000000e+00> : vector<512xf32>
    %reduce_sum3A_1129 = vector.multi_reduction <add>, %add3A_1127, %reduce_sum3A_1128 [1] : vector<512x128xf32> to vector<512xf32>
    %broadcast_in_dim3A_1130 = vector.shape_cast %reduce_sum3A_1129 : vector<512xf32> to vector<512x1xf32>
    %eq3A_1131 = arith.constant 1 : i32
    %eq3A_1132 = vector.broadcast %eq3A_1131 : i32 to vector<512x1xi32>
    %eq3A_1133 = arith.cmpi eq, %and3A_1088, %eq3A_1132 : vector<512x1xi32>
    %neg3A_1134 = arith.constant 0.000000e+00 : f32
    %neg3A_1135 = vector.broadcast %neg3A_1134 : f32 to vector<512x1xf32>
    %neg3A_1136 = arith.subf %neg3A_1135, %broadcast_in_dim3A_1130 : vector<512x1xf32>
    %select_n3A_1137 = arith.select %eq3A_1133, %neg3A_1136, %broadcast_in_dim3A_1130 : vector<512x1xi1>, vector<512x1xf32>
    %neg3A_1138 = arith.constant 0.000000e+00 : f32
    %neg3A_1139 = vector.broadcast %neg3A_1138 : f32 to vector<512x1xf32>
    %neg3A_1140 = arith.subf %neg3A_1139, %select_n3A_1137 : vector<512x1xf32>
    %max3A_1141 = arith.constant 0.000000e+00 : f32
    %max3A_1142 = vector.broadcast %max3A_1141 : f32 to vector<512x1xf32>
    %max3A_1143 = arith.maximumf %neg3A_1140, %max3A_1142 : vector<512x1xf32>
    %add3A_1144 = arith.addf %add3A_1059, %max3A_1143 : vector<512x1xf32>
    %abs3A_1145 = math.absf %select_n3A_1137 : vector<512x1xf32>
    %neg3A_1146 = arith.constant 0.000000e+00 : f32
    %neg3A_1147 = vector.broadcast %neg3A_1146 : f32 to vector<512x1xf32>
    %neg3A_1148 = arith.subf %neg3A_1147, %abs3A_1145 : vector<512x1xf32>
    %exp3A_1149 = math.exp %neg3A_1148 : vector<512x1xf32>
    %add3A_1150 = arith.constant 1.000000e+00 : f32
    %add3A_1151 = vector.broadcast %add3A_1150 : f32 to vector<512x1xf32>
    %add3A_1152 = arith.addf %add3A_1151, %exp3A_1149 : vector<512x1xf32>
    %log3A_1153 = math.log %add3A_1152 : vector<512x1xf32>
    %add3A_1154 = arith.addf %add3A_1144, %log3A_1153 : vector<512x1xf32>
    %add3A_1155 = arith.addi %add3A_1060, %and3A_1088 : vector<512x1xi32>
    %dma_wait3A_1156 = arith.constant 11 : i32
    %dma_wait3A_1157 = arith.constant 11 : i32
    %dma_wait3A_1158 = tpu.memref_slice %arg5[%dma_wait3A_1157] : memref<17x!tpu.dma_semaphore, #tpu.memory_space<semaphore_mem>> -> memref<1x!tpu.dma_semaphore, #tpu.memory_space<semaphore_mem>>
    %dma_wait3A_1159 = tpu.memref_squeeze %dma_wait3A_1158 : memref<1x!tpu.dma_semaphore, #tpu.memory_space<semaphore_mem>> -> memref<!tpu.dma_semaphore, #tpu.memory_space<semaphore_mem>>
    %dma_wait3A_1160 = arith.constant 0 : i32
    %dma_wait3A_1161 = arith.constant 0 : i32
    %dma_wait3A_1162 = tpu.memref_slice %arg3[%dma_wait3A_1156, %dma_wait3A_1160, %dma_wait3A_1161] : memref<17x512x128xf32, #tpu.memory_space<vmem>> -> memref<1x512x128xf32, #tpu.memory_space<vmem>>
    %dma_wait3A_1163 = tpu.memref_squeeze %dma_wait3A_1162 : memref<1x512x128xf32, #tpu.memory_space<vmem>> -> memref<512x128xf32, #tpu.memory_space<vmem>>
    %dma_wait3A_1164 = arith.constant 512 : i32
    %dma_wait3A_1165 = arith.constant 8064 : i32
    %dma_wait3A_1166 = tpu.memref_slice %arg0[%dma_wait3A_1164, %dma_wait3A_1165] : memref<1024x65536xf32, #tpu.memory_space<any>> -> memref<512x128xf32, #tpu.memory_space<any>>
    tpu.wait_dma2 semaphore(%dma_wait3A_1159 : memref<!tpu.dma_semaphore, #tpu.memory_space<semaphore_mem>>) src(%dma_wait3A_1166 : memref<512x128xf32, #tpu.memory_space<any>>) dst(%dma_wait3A_1163 : memref<512x128xf32, #tpu.memory_space<vmem>>)
    %dma_wait3A_1167 = arith.constant 12 : i32
    %dma_wait3A_1168 = arith.constant 12 : i32
    %dma_wait3A_1169 = tpu.memref_slice %arg5[%dma_wait3A_1168] : memref<17x!tpu.dma_semaphore, #tpu.memory_space<semaphore_mem>> -> memref<1x!tpu.dma_semaphore, #tpu.memory_space<semaphore_mem>>
    %dma_wait3A_1170 = tpu.memref_squeeze %dma_wait3A_1169 : memref<1x!tpu.dma_semaphore, #tpu.memory_space<semaphore_mem>> -> memref<!tpu.dma_semaphore, #tpu.memory_space<semaphore_mem>>
    %dma_wait3A_1171 = arith.constant 0 : i32
    %dma_wait3A_1172 = arith.constant 0 : i32
    %dma_wait3A_1173 = tpu.memref_slice %arg3[%dma_wait3A_1167, %dma_wait3A_1171, %dma_wait3A_1172] : memref<17x512x128xf32, #tpu.memory_space<vmem>> -> memref<1x512x128xf32, #tpu.memory_space<vmem>>
    %dma_wait3A_1174 = tpu.memref_squeeze %dma_wait3A_1173 : memref<1x512x128xf32, #tpu.memory_space<vmem>> -> memref<512x128xf32, #tpu.memory_space<vmem>>
    %dma_wait3A_1175 = arith.constant 512 : i32
    %dma_wait3A_1176 = arith.constant 8192 : i32
    %dma_wait3A_1177 = tpu.memref_slice %arg0[%dma_wait3A_1175, %dma_wait3A_1176] : memref<1024x65536xf32, #tpu.memory_space<any>> -> memref<512x128xf32, #tpu.memory_space<any>>
    tpu.wait_dma2 semaphore(%dma_wait3A_1170 : memref<!tpu.dma_semaphore, #tpu.memory_space<semaphore_mem>>) src(%dma_wait3A_1177 : memref<512x128xf32, #tpu.memory_space<any>>) dst(%dma_wait3A_1174 : memref<512x128xf32, #tpu.memory_space<vmem>>)
    %shift_right_arithmetic3A_1178 = arith.constant 2 : i32
    %shift_right_arithmetic3A_1179 = vector.broadcast %shift_right_arithmetic3A_1178 : i32 to vector<512x1xi32>
    %shift_right_arithmetic3A_1180 = arith.shrsi %broadcast_in_dim3A, %shift_right_arithmetic3A_1179 : vector<512x1xi32>
    %and3A_1181 = arith.constant 1 : i32
    %and3A_1182 = vector.broadcast %and3A_1181 : i32 to vector<512x1xi32>
    %and3A_1183 = arith.andi %shift_right_arithmetic3A_1180, %and3A_1182 : vector<512x1xi32>
    %add3A_1184 = arith.constant 8191 : i32
    %add3A_1185 = vector.broadcast %add3A_1184 : i32 to vector<512x1xi32>
    %add3A_1186 = arith.addi %add3A_1185, %add3A_1155 : vector<512x1xi32>
    %shift_right_arithmetic3A_1187 = arith.constant 7 : i32
    %shift_right_arithmetic3A_1188 = vector.broadcast %shift_right_arithmetic3A_1187 : i32 to vector<512x1xi32>
    %shift_right_arithmetic3A_1189 = arith.shrsi %add3A_1186, %shift_right_arithmetic3A_1188 : vector<512x1xi32>
    %sub3A_1190 = arith.constant 63 : i32
    %sub3A_1191 = vector.broadcast %sub3A_1190 : i32 to vector<512x1xi32>
    %sub3A_1192 = arith.subi %shift_right_arithmetic3A_1189, %sub3A_1191 : vector<512x1xi32>
    %and3A_1193 = arith.constant 127 : i32
    %and3A_1194 = vector.broadcast %and3A_1193 : i32 to vector<512x1xi32>
    %and3A_1195 = arith.andi %add3A_1186, %and3A_1194 : vector<512x1xi32>
    %eq3A_1196 = vector.broadcast %and3A_1195 : vector<512x1xi32> to vector<512x128xi32>
    %eq3A_1197 = arith.cmpi eq, %iota3A, %eq3A_1196 : vector<512x128xi32>
    %eq3A_1198 = arith.constant 0 : i32
    %eq3A_1199 = vector.broadcast %eq3A_1198 : i32 to vector<512x1xi32>
    %eq3A_1200 = arith.cmpi eq, %sub3A_1192, %eq3A_1199 : vector<512x1xi32>
    %and3A_1201 = vector.broadcast %eq3A_1200 : vector<512x1xi1> to vector<512x128xi1>
    %and3A_1202 = arith.andi %eq3A_1197, %and3A_1201 : vector<512x128xi1>
    %get3A_1203 = arith.constant 11 : index
    %get3A_1204 = arith.constant 0 : index
    %get3A_1205 = arith.constant 0 : index
    %get3A_1206 = vector.load %arg3[%get3A_1203, %get3A_1204, %get3A_1205] : memref<17x512x128xf32, #tpu.memory_space<vmem>>, vector<1x512x128xf32>
    %get3A_1207 = vector.shape_cast %get3A_1206 : vector<1x512x128xf32> to vector<512x128xf32>
    %select_n3A_1208 = arith.select %and3A_1202, %get3A_1207, %broadcast_in_dim3A_191 : vector<512x128xi1>, vector<512x128xf32>
    %eq3A_1209 = vector.broadcast %and3A_1195 : vector<512x1xi32> to vector<512x128xi32>
    %eq3A_1210 = arith.cmpi eq, %iota3A, %eq3A_1209 : vector<512x128xi32>
    %eq3A_1211 = arith.constant 1 : i32
    %eq3A_1212 = vector.broadcast %eq3A_1211 : i32 to vector<512x1xi32>
    %eq3A_1213 = arith.cmpi eq, %sub3A_1192, %eq3A_1212 : vector<512x1xi32>
    %and3A_1214 = vector.broadcast %eq3A_1213 : vector<512x1xi1> to vector<512x128xi1>
    %and3A_1215 = arith.andi %eq3A_1210, %and3A_1214 : vector<512x128xi1>
    %get3A_1216 = arith.constant 12 : index
    %get3A_1217 = arith.constant 0 : index
    %get3A_1218 = arith.constant 0 : index
    %get3A_1219 = vector.load %arg3[%get3A_1216, %get3A_1217, %get3A_1218] : memref<17x512x128xf32, #tpu.memory_space<vmem>>, vector<1x512x128xf32>
    %get3A_1220 = vector.shape_cast %get3A_1219 : vector<1x512x128xf32> to vector<512x128xf32>
    %select_n3A_1221 = arith.select %and3A_1215, %get3A_1220, %broadcast_in_dim3A_191 : vector<512x128xi1>, vector<512x128xf32>
    %add3A_1222 = arith.addf %select_n3A_1208, %select_n3A_1221 : vector<512x128xf32>
    %reduce_sum3A_1223 = arith.constant dense<0.000000e+00> : vector<512xf32>
    %reduce_sum3A_1224 = vector.multi_reduction <add>, %add3A_1222, %reduce_sum3A_1223 [1] : vector<512x128xf32> to vector<512xf32>
    %broadcast_in_dim3A_1225 = vector.shape_cast %reduce_sum3A_1224 : vector<512xf32> to vector<512x1xf32>
    %eq3A_1226 = arith.constant 1 : i32
    %eq3A_1227 = vector.broadcast %eq3A_1226 : i32 to vector<512x1xi32>
    %eq3A_1228 = arith.cmpi eq, %and3A_1183, %eq3A_1227 : vector<512x1xi32>
    %neg3A_1229 = arith.constant 0.000000e+00 : f32
    %neg3A_1230 = vector.broadcast %neg3A_1229 : f32 to vector<512x1xf32>
    %neg3A_1231 = arith.subf %neg3A_1230, %broadcast_in_dim3A_1225 : vector<512x1xf32>
    %select_n3A_1232 = arith.select %eq3A_1228, %neg3A_1231, %broadcast_in_dim3A_1225 : vector<512x1xi1>, vector<512x1xf32>
    %neg3A_1233 = arith.constant 0.000000e+00 : f32
    %neg3A_1234 = vector.broadcast %neg3A_1233 : f32 to vector<512x1xf32>
    %neg3A_1235 = arith.subf %neg3A_1234, %select_n3A_1232 : vector<512x1xf32>
    %max3A_1236 = arith.constant 0.000000e+00 : f32
    %max3A_1237 = vector.broadcast %max3A_1236 : f32 to vector<512x1xf32>
    %max3A_1238 = arith.maximumf %neg3A_1235, %max3A_1237 : vector<512x1xf32>
    %add3A_1239 = arith.addf %add3A_1154, %max3A_1238 : vector<512x1xf32>
    %abs3A_1240 = math.absf %select_n3A_1232 : vector<512x1xf32>
    %neg3A_1241 = arith.constant 0.000000e+00 : f32
    %neg3A_1242 = vector.broadcast %neg3A_1241 : f32 to vector<512x1xf32>
    %neg3A_1243 = arith.subf %neg3A_1242, %abs3A_1240 : vector<512x1xf32>
    %exp3A_1244 = math.exp %neg3A_1243 : vector<512x1xf32>
    %add3A_1245 = arith.constant 1.000000e+00 : f32
    %add3A_1246 = vector.broadcast %add3A_1245 : f32 to vector<512x1xf32>
    %add3A_1247 = arith.addf %add3A_1246, %exp3A_1244 : vector<512x1xf32>
    %log3A_1248 = math.log %add3A_1247 : vector<512x1xf32>
    %add3A_1249 = arith.addf %add3A_1239, %log3A_1248 : vector<512x1xf32>
    %add3A_1250 = arith.addi %add3A_1155, %and3A_1183 : vector<512x1xi32>
    %dma_wait3A_1251 = arith.constant 13 : i32
    %dma_wait3A_1252 = arith.constant 13 : i32
    %dma_wait3A_1253 = tpu.memref_slice %arg5[%dma_wait3A_1252] : memref<17x!tpu.dma_semaphore, #tpu.memory_space<semaphore_mem>> -> memref<1x!tpu.dma_semaphore, #tpu.memory_space<semaphore_mem>>
    %dma_wait3A_1254 = tpu.memref_squeeze %dma_wait3A_1253 : memref<1x!tpu.dma_semaphore, #tpu.memory_space<semaphore_mem>> -> memref<!tpu.dma_semaphore, #tpu.memory_space<semaphore_mem>>
    %dma_wait3A_1255 = arith.constant 0 : i32
    %dma_wait3A_1256 = arith.constant 0 : i32
    %dma_wait3A_1257 = tpu.memref_slice %arg3[%dma_wait3A_1251, %dma_wait3A_1255, %dma_wait3A_1256] : memref<17x512x128xf32, #tpu.memory_space<vmem>> -> memref<1x512x128xf32, #tpu.memory_space<vmem>>
    %dma_wait3A_1258 = tpu.memref_squeeze %dma_wait3A_1257 : memref<1x512x128xf32, #tpu.memory_space<vmem>> -> memref<512x128xf32, #tpu.memory_space<vmem>>
    %dma_wait3A_1259 = arith.constant 512 : i32
    %dma_wait3A_1260 = arith.constant 16256 : i32
    %dma_wait3A_1261 = tpu.memref_slice %arg0[%dma_wait3A_1259, %dma_wait3A_1260] : memref<1024x65536xf32, #tpu.memory_space<any>> -> memref<512x128xf32, #tpu.memory_space<any>>
    tpu.wait_dma2 semaphore(%dma_wait3A_1254 : memref<!tpu.dma_semaphore, #tpu.memory_space<semaphore_mem>>) src(%dma_wait3A_1261 : memref<512x128xf32, #tpu.memory_space<any>>) dst(%dma_wait3A_1258 : memref<512x128xf32, #tpu.memory_space<vmem>>)
    %dma_wait3A_1262 = arith.constant 14 : i32
    %dma_wait3A_1263 = arith.constant 14 : i32
    %dma_wait3A_1264 = tpu.memref_slice %arg5[%dma_wait3A_1263] : memref<17x!tpu.dma_semaphore, #tpu.memory_space<semaphore_mem>> -> memref<1x!tpu.dma_semaphore, #tpu.memory_space<semaphore_mem>>
    %dma_wait3A_1265 = tpu.memref_squeeze %dma_wait3A_1264 : memref<1x!tpu.dma_semaphore, #tpu.memory_space<semaphore_mem>> -> memref<!tpu.dma_semaphore, #tpu.memory_space<semaphore_mem>>
    %dma_wait3A_1266 = arith.constant 0 : i32
    %dma_wait3A_1267 = arith.constant 0 : i32
    %dma_wait3A_1268 = tpu.memref_slice %arg3[%dma_wait3A_1262, %dma_wait3A_1266, %dma_wait3A_1267] : memref<17x512x128xf32, #tpu.memory_space<vmem>> -> memref<1x512x128xf32, #tpu.memory_space<vmem>>
    %dma_wait3A_1269 = tpu.memref_squeeze %dma_wait3A_1268 : memref<1x512x128xf32, #tpu.memory_space<vmem>> -> memref<512x128xf32, #tpu.memory_space<vmem>>
    %dma_wait3A_1270 = arith.constant 512 : i32
    %dma_wait3A_1271 = arith.constant 16384 : i32
    %dma_wait3A_1272 = tpu.memref_slice %arg0[%dma_wait3A_1270, %dma_wait3A_1271] : memref<1024x65536xf32, #tpu.memory_space<any>> -> memref<512x128xf32, #tpu.memory_space<any>>
    tpu.wait_dma2 semaphore(%dma_wait3A_1265 : memref<!tpu.dma_semaphore, #tpu.memory_space<semaphore_mem>>) src(%dma_wait3A_1272 : memref<512x128xf32, #tpu.memory_space<any>>) dst(%dma_wait3A_1269 : memref<512x128xf32, #tpu.memory_space<vmem>>)
    %shift_right_arithmetic3A_1273 = arith.constant 1 : i32
    %shift_right_arithmetic3A_1274 = vector.broadcast %shift_right_arithmetic3A_1273 : i32 to vector<512x1xi32>
    %shift_right_arithmetic3A_1275 = arith.shrsi %broadcast_in_dim3A, %shift_right_arithmetic3A_1274 : vector<512x1xi32>
    %and3A_1276 = arith.constant 1 : i32
    %and3A_1277 = vector.broadcast %and3A_1276 : i32 to vector<512x1xi32>
    %and3A_1278 = arith.andi %shift_right_arithmetic3A_1275, %and3A_1277 : vector<512x1xi32>
    %add3A_1279 = arith.constant 16383 : i32
    %add3A_1280 = vector.broadcast %add3A_1279 : i32 to vector<512x1xi32>
    %add3A_1281 = arith.addi %add3A_1280, %add3A_1250 : vector<512x1xi32>
    %shift_right_arithmetic3A_1282 = arith.constant 7 : i32
    %shift_right_arithmetic3A_1283 = vector.broadcast %shift_right_arithmetic3A_1282 : i32 to vector<512x1xi32>
    %shift_right_arithmetic3A_1284 = arith.shrsi %add3A_1281, %shift_right_arithmetic3A_1283 : vector<512x1xi32>
    %sub3A_1285 = arith.constant 127 : i32
    %sub3A_1286 = vector.broadcast %sub3A_1285 : i32 to vector<512x1xi32>
    %sub3A_1287 = arith.subi %shift_right_arithmetic3A_1284, %sub3A_1286 : vector<512x1xi32>
    %and3A_1288 = arith.constant 127 : i32
    %and3A_1289 = vector.broadcast %and3A_1288 : i32 to vector<512x1xi32>
    %and3A_1290 = arith.andi %add3A_1281, %and3A_1289 : vector<512x1xi32>
    %eq3A_1291 = vector.broadcast %and3A_1290 : vector<512x1xi32> to vector<512x128xi32>
    %eq3A_1292 = arith.cmpi eq, %iota3A, %eq3A_1291 : vector<512x128xi32>
    %eq3A_1293 = arith.constant 0 : i32
    %eq3A_1294 = vector.broadcast %eq3A_1293 : i32 to vector<512x1xi32>
    %eq3A_1295 = arith.cmpi eq, %sub3A_1287, %eq3A_1294 : vector<512x1xi32>
    %and3A_1296 = vector.broadcast %eq3A_1295 : vector<512x1xi1> to vector<512x128xi1>
    %and3A_1297 = arith.andi %eq3A_1292, %and3A_1296 : vector<512x128xi1>
    %get3A_1298 = arith.constant 13 : index
    %get3A_1299 = arith.constant 0 : index
    %get3A_1300 = arith.constant 0 : index
    %get3A_1301 = vector.load %arg3[%get3A_1298, %get3A_1299, %get3A_1300] : memref<17x512x128xf32, #tpu.memory_space<vmem>>, vector<1x512x128xf32>
    %get3A_1302 = vector.shape_cast %get3A_1301 : vector<1x512x128xf32> to vector<512x128xf32>
    %select_n3A_1303 = arith.select %and3A_1297, %get3A_1302, %broadcast_in_dim3A_191 : vector<512x128xi1>, vector<512x128xf32>
    %eq3A_1304 = vector.broadcast %and3A_1290 : vector<512x1xi32> to vector<512x128xi32>
    %eq3A_1305 = arith.cmpi eq, %iota3A, %eq3A_1304 : vector<512x128xi32>
    %eq3A_1306 = arith.constant 1 : i32
    %eq3A_1307 = vector.broadcast %eq3A_1306 : i32 to vector<512x1xi32>
    %eq3A_1308 = arith.cmpi eq, %sub3A_1287, %eq3A_1307 : vector<512x1xi32>
    %and3A_1309 = vector.broadcast %eq3A_1308 : vector<512x1xi1> to vector<512x128xi1>
    %and3A_1310 = arith.andi %eq3A_1305, %and3A_1309 : vector<512x128xi1>
    %get3A_1311 = arith.constant 14 : index
    %get3A_1312 = arith.constant 0 : index
    %get3A_1313 = arith.constant 0 : index
    %get3A_1314 = vector.load %arg3[%get3A_1311, %get3A_1312, %get3A_1313] : memref<17x512x128xf32, #tpu.memory_space<vmem>>, vector<1x512x128xf32>
    %get3A_1315 = vector.shape_cast %get3A_1314 : vector<1x512x128xf32> to vector<512x128xf32>
    %select_n3A_1316 = arith.select %and3A_1310, %get3A_1315, %broadcast_in_dim3A_191 : vector<512x128xi1>, vector<512x128xf32>
    %add3A_1317 = arith.addf %select_n3A_1303, %select_n3A_1316 : vector<512x128xf32>
    %reduce_sum3A_1318 = arith.constant dense<0.000000e+00> : vector<512xf32>
    %reduce_sum3A_1319 = vector.multi_reduction <add>, %add3A_1317, %reduce_sum3A_1318 [1] : vector<512x128xf32> to vector<512xf32>
    %broadcast_in_dim3A_1320 = vector.shape_cast %reduce_sum3A_1319 : vector<512xf32> to vector<512x1xf32>
    %eq3A_1321 = arith.constant 1 : i32
    %eq3A_1322 = vector.broadcast %eq3A_1321 : i32 to vector<512x1xi32>
    %eq3A_1323 = arith.cmpi eq, %and3A_1278, %eq3A_1322 : vector<512x1xi32>
    %neg3A_1324 = arith.constant 0.000000e+00 : f32
    %neg3A_1325 = vector.broadcast %neg3A_1324 : f32 to vector<512x1xf32>
    %neg3A_1326 = arith.subf %neg3A_1325, %broadcast_in_dim3A_1320 : vector<512x1xf32>
    %select_n3A_1327 = arith.select %eq3A_1323, %neg3A_1326, %broadcast_in_dim3A_1320 : vector<512x1xi1>, vector<512x1xf32>
    %neg3A_1328 = arith.constant 0.000000e+00 : f32
    %neg3A_1329 = vector.broadcast %neg3A_1328 : f32 to vector<512x1xf32>
    %neg3A_1330 = arith.subf %neg3A_1329, %select_n3A_1327 : vector<512x1xf32>
    %max3A_1331 = arith.constant 0.000000e+00 : f32
    %max3A_1332 = vector.broadcast %max3A_1331 : f32 to vector<512x1xf32>
    %max3A_1333 = arith.maximumf %neg3A_1330, %max3A_1332 : vector<512x1xf32>
    %add3A_1334 = arith.addf %add3A_1249, %max3A_1333 : vector<512x1xf32>
    %abs3A_1335 = math.absf %select_n3A_1327 : vector<512x1xf32>
    %neg3A_1336 = arith.constant 0.000000e+00 : f32
    %neg3A_1337 = vector.broadcast %neg3A_1336 : f32 to vector<512x1xf32>
    %neg3A_1338 = arith.subf %neg3A_1337, %abs3A_1335 : vector<512x1xf32>
    %exp3A_1339 = math.exp %neg3A_1338 : vector<512x1xf32>
    %add3A_1340 = arith.constant 1.000000e+00 : f32
    %add3A_1341 = vector.broadcast %add3A_1340 : f32 to vector<512x1xf32>
    %add3A_1342 = arith.addf %add3A_1341, %exp3A_1339 : vector<512x1xf32>
    %log3A_1343 = math.log %add3A_1342 : vector<512x1xf32>
    %add3A_1344 = arith.addf %add3A_1334, %log3A_1343 : vector<512x1xf32>
    %add3A_1345 = arith.addi %add3A_1250, %and3A_1278 : vector<512x1xi32>
    %dma_wait3A_1346 = arith.constant 15 : i32
    %dma_wait3A_1347 = arith.constant 15 : i32
    %dma_wait3A_1348 = tpu.memref_slice %arg5[%dma_wait3A_1347] : memref<17x!tpu.dma_semaphore, #tpu.memory_space<semaphore_mem>> -> memref<1x!tpu.dma_semaphore, #tpu.memory_space<semaphore_mem>>
    %dma_wait3A_1349 = tpu.memref_squeeze %dma_wait3A_1348 : memref<1x!tpu.dma_semaphore, #tpu.memory_space<semaphore_mem>> -> memref<!tpu.dma_semaphore, #tpu.memory_space<semaphore_mem>>
    %dma_wait3A_1350 = arith.constant 0 : i32
    %dma_wait3A_1351 = arith.constant 0 : i32
    %dma_wait3A_1352 = tpu.memref_slice %arg3[%dma_wait3A_1346, %dma_wait3A_1350, %dma_wait3A_1351] : memref<17x512x128xf32, #tpu.memory_space<vmem>> -> memref<1x512x128xf32, #tpu.memory_space<vmem>>
    %dma_wait3A_1353 = tpu.memref_squeeze %dma_wait3A_1352 : memref<1x512x128xf32, #tpu.memory_space<vmem>> -> memref<512x128xf32, #tpu.memory_space<vmem>>
    %dma_wait3A_1354 = arith.constant 512 : i32
    %dma_wait3A_1355 = arith.constant 32640 : i32
    %dma_wait3A_1356 = tpu.memref_slice %arg0[%dma_wait3A_1354, %dma_wait3A_1355] : memref<1024x65536xf32, #tpu.memory_space<any>> -> memref<512x128xf32, #tpu.memory_space<any>>
    tpu.wait_dma2 semaphore(%dma_wait3A_1349 : memref<!tpu.dma_semaphore, #tpu.memory_space<semaphore_mem>>) src(%dma_wait3A_1356 : memref<512x128xf32, #tpu.memory_space<any>>) dst(%dma_wait3A_1353 : memref<512x128xf32, #tpu.memory_space<vmem>>)
    %dma_wait3A_1357 = arith.constant 16 : i32
    %dma_wait3A_1358 = arith.constant 16 : i32
    %dma_wait3A_1359 = tpu.memref_slice %arg5[%dma_wait3A_1358] : memref<17x!tpu.dma_semaphore, #tpu.memory_space<semaphore_mem>> -> memref<1x!tpu.dma_semaphore, #tpu.memory_space<semaphore_mem>>
    %dma_wait3A_1360 = tpu.memref_squeeze %dma_wait3A_1359 : memref<1x!tpu.dma_semaphore, #tpu.memory_space<semaphore_mem>> -> memref<!tpu.dma_semaphore, #tpu.memory_space<semaphore_mem>>
    %dma_wait3A_1361 = arith.constant 0 : i32
    %dma_wait3A_1362 = arith.constant 0 : i32
    %dma_wait3A_1363 = tpu.memref_slice %arg3[%dma_wait3A_1357, %dma_wait3A_1361, %dma_wait3A_1362] : memref<17x512x128xf32, #tpu.memory_space<vmem>> -> memref<1x512x128xf32, #tpu.memory_space<vmem>>
    %dma_wait3A_1364 = tpu.memref_squeeze %dma_wait3A_1363 : memref<1x512x128xf32, #tpu.memory_space<vmem>> -> memref<512x128xf32, #tpu.memory_space<vmem>>
    %dma_wait3A_1365 = arith.constant 512 : i32
    %dma_wait3A_1366 = arith.constant 32768 : i32
    %dma_wait3A_1367 = tpu.memref_slice %arg0[%dma_wait3A_1365, %dma_wait3A_1366] : memref<1024x65536xf32, #tpu.memory_space<any>> -> memref<512x128xf32, #tpu.memory_space<any>>
    tpu.wait_dma2 semaphore(%dma_wait3A_1360 : memref<!tpu.dma_semaphore, #tpu.memory_space<semaphore_mem>>) src(%dma_wait3A_1367 : memref<512x128xf32, #tpu.memory_space<any>>) dst(%dma_wait3A_1364 : memref<512x128xf32, #tpu.memory_space<vmem>>)
    %shift_right_arithmetic3A_1368 = arith.constant 0 : i32
    %shift_right_arithmetic3A_1369 = vector.broadcast %shift_right_arithmetic3A_1368 : i32 to vector<512x1xi32>
    %shift_right_arithmetic3A_1370 = arith.shrsi %broadcast_in_dim3A, %shift_right_arithmetic3A_1369 : vector<512x1xi32>
    %and3A_1371 = arith.constant 1 : i32
    %and3A_1372 = vector.broadcast %and3A_1371 : i32 to vector<512x1xi32>
    %and3A_1373 = arith.andi %shift_right_arithmetic3A_1370, %and3A_1372 : vector<512x1xi32>
    %add3A_1374 = arith.constant 32767 : i32
    %add3A_1375 = vector.broadcast %add3A_1374 : i32 to vector<512x1xi32>
    %add3A_1376 = arith.addi %add3A_1375, %add3A_1345 : vector<512x1xi32>
    %shift_right_arithmetic3A_1377 = arith.constant 7 : i32
    %shift_right_arithmetic3A_1378 = vector.broadcast %shift_right_arithmetic3A_1377 : i32 to vector<512x1xi32>
    %shift_right_arithmetic3A_1379 = arith.shrsi %add3A_1376, %shift_right_arithmetic3A_1378 : vector<512x1xi32>
    %sub3A_1380 = arith.constant 255 : i32
    %sub3A_1381 = vector.broadcast %sub3A_1380 : i32 to vector<512x1xi32>
    %sub3A_1382 = arith.subi %shift_right_arithmetic3A_1379, %sub3A_1381 : vector<512x1xi32>
    %and3A_1383 = arith.constant 127 : i32
    %and3A_1384 = vector.broadcast %and3A_1383 : i32 to vector<512x1xi32>
    %and3A_1385 = arith.andi %add3A_1376, %and3A_1384 : vector<512x1xi32>
    %eq3A_1386 = vector.broadcast %and3A_1385 : vector<512x1xi32> to vector<512x128xi32>
    %eq3A_1387 = arith.cmpi eq, %iota3A, %eq3A_1386 : vector<512x128xi32>
    %eq3A_1388 = arith.constant 0 : i32
    %eq3A_1389 = vector.broadcast %eq3A_1388 : i32 to vector<512x1xi32>
    %eq3A_1390 = arith.cmpi eq, %sub3A_1382, %eq3A_1389 : vector<512x1xi32>
    %and3A_1391 = vector.broadcast %eq3A_1390 : vector<512x1xi1> to vector<512x128xi1>
    %and3A_1392 = arith.andi %eq3A_1387, %and3A_1391 : vector<512x128xi1>
    %get3A_1393 = arith.constant 15 : index
    %get3A_1394 = arith.constant 0 : index
    %get3A_1395 = arith.constant 0 : index
    %get3A_1396 = vector.load %arg3[%get3A_1393, %get3A_1394, %get3A_1395] : memref<17x512x128xf32, #tpu.memory_space<vmem>>, vector<1x512x128xf32>
    %get3A_1397 = vector.shape_cast %get3A_1396 : vector<1x512x128xf32> to vector<512x128xf32>
    %select_n3A_1398 = arith.select %and3A_1392, %get3A_1397, %broadcast_in_dim3A_191 : vector<512x128xi1>, vector<512x128xf32>
    %eq3A_1399 = vector.broadcast %and3A_1385 : vector<512x1xi32> to vector<512x128xi32>
    %eq3A_1400 = arith.cmpi eq, %iota3A, %eq3A_1399 : vector<512x128xi32>
    %eq3A_1401 = arith.constant 1 : i32
    %eq3A_1402 = vector.broadcast %eq3A_1401 : i32 to vector<512x1xi32>
    %eq3A_1403 = arith.cmpi eq, %sub3A_1382, %eq3A_1402 : vector<512x1xi32>
    %and3A_1404 = vector.broadcast %eq3A_1403 : vector<512x1xi1> to vector<512x128xi1>
    %and3A_1405 = arith.andi %eq3A_1400, %and3A_1404 : vector<512x128xi1>
    %get3A_1406 = arith.constant 16 : index
    %get3A_1407 = arith.constant 0 : index
    %get3A_1408 = arith.constant 0 : index
    %get3A_1409 = vector.load %arg3[%get3A_1406, %get3A_1407, %get3A_1408] : memref<17x512x128xf32, #tpu.memory_space<vmem>>, vector<1x512x128xf32>
    %get3A_1410 = vector.shape_cast %get3A_1409 : vector<1x512x128xf32> to vector<512x128xf32>
    %select_n3A_1411 = arith.select %and3A_1405, %get3A_1410, %broadcast_in_dim3A_191 : vector<512x128xi1>, vector<512x128xf32>
    %add3A_1412 = arith.addf %select_n3A_1398, %select_n3A_1411 : vector<512x128xf32>
    %reduce_sum3A_1413 = arith.constant dense<0.000000e+00> : vector<512xf32>
    %reduce_sum3A_1414 = vector.multi_reduction <add>, %add3A_1412, %reduce_sum3A_1413 [1] : vector<512x128xf32> to vector<512xf32>
    %broadcast_in_dim3A_1415 = vector.shape_cast %reduce_sum3A_1414 : vector<512xf32> to vector<512x1xf32>
    %eq3A_1416 = arith.constant 1 : i32
    %eq3A_1417 = vector.broadcast %eq3A_1416 : i32 to vector<512x1xi32>
    %eq3A_1418 = arith.cmpi eq, %and3A_1373, %eq3A_1417 : vector<512x1xi32>
    %neg3A_1419 = arith.constant 0.000000e+00 : f32
    %neg3A_1420 = vector.broadcast %neg3A_1419 : f32 to vector<512x1xf32>
    %neg3A_1421 = arith.subf %neg3A_1420, %broadcast_in_dim3A_1415 : vector<512x1xf32>
    %select_n3A_1422 = arith.select %eq3A_1418, %neg3A_1421, %broadcast_in_dim3A_1415 : vector<512x1xi1>, vector<512x1xf32>
    %neg3A_1423 = arith.constant 0.000000e+00 : f32
    %neg3A_1424 = vector.broadcast %neg3A_1423 : f32 to vector<512x1xf32>
    %neg3A_1425 = arith.subf %neg3A_1424, %select_n3A_1422 : vector<512x1xf32>
    %max3A_1426 = arith.constant 0.000000e+00 : f32
    %max3A_1427 = vector.broadcast %max3A_1426 : f32 to vector<512x1xf32>
    %max3A_1428 = arith.maximumf %neg3A_1425, %max3A_1427 : vector<512x1xf32>
    %add3A_1429 = arith.addf %add3A_1344, %max3A_1428 : vector<512x1xf32>
    %abs3A_1430 = math.absf %select_n3A_1422 : vector<512x1xf32>
    %neg3A_1431 = arith.constant 0.000000e+00 : f32
    %neg3A_1432 = vector.broadcast %neg3A_1431 : f32 to vector<512x1xf32>
    %neg3A_1433 = arith.subf %neg3A_1432, %abs3A_1430 : vector<512x1xf32>
    %exp3A_1434 = math.exp %neg3A_1433 : vector<512x1xf32>
    %add3A_1435 = arith.constant 1.000000e+00 : f32
    %add3A_1436 = vector.broadcast %add3A_1435 : f32 to vector<512x1xf32>
    %add3A_1437 = arith.addf %add3A_1436, %exp3A_1434 : vector<512x1xf32>
    %log3A_1438 = math.log %add3A_1437 : vector<512x1xf32>
    %add3A_1439 = arith.addf %add3A_1429, %log3A_1438 : vector<512x1xf32>
    %reduce_sum3A_1440 = vector.shape_cast %add3A_1439 : vector<512x1xf32> to vector<1x512x1xf32>
    %reduce_sum3A_1441 = arith.constant dense<0.000000e+00> : vector<1xf32>
    %reduce_sum3A_1442 = vector.multi_reduction <add>, %reduce_sum3A_1440, %reduce_sum3A_1441 [1, 2] : vector<1x512x1xf32> to vector<1xf32>
    %reduce_sum3A_1443 = vector.shape_cast %reduce_sum3A_1442 : vector<1xf32> to vector<1x1x1xf32>
    %reduce_sum3A_1444 = vector.extract %reduce_sum3A_1443[0, 0, 0] : f32 from vector<1x1x1xf32>
    %swap3A = arith.constant 0 : index
    %swap3A_1445 = arith.constant 0 : index
    %swap3A_1446 = memref.load %arg2[%swap3A, %swap3A_1445] : memref<1x1xf32, #tpu.memory_space<smem>>
    memref.store %reduce_sum3A_1444, %arg2[%swap3A, %swap3A_1445] : memref<1x1xf32, #tpu.memory_space<smem>>
    return
  }
}

</mosaic_0001>

<sc_bundles>
// kernel: kernel.4.cloned.1.call-start
scs
__scs_entry_jumppad:
0x0: {  	(pc) =	sbr.rel $0x88, $3  }
0x1: {  	(tag) =	ssettag $0x0;
	lr =	simm.s32 $0x1  }
0x2: {  	[smem:$0x3F9F] =	sst lr;
	_ =	strace $0xD0000000  }
0x3: {  	_ = 	snop  }
0x4: {  	_ = 	snop  }
0x5: {  	_ = 	snop  }
0x6: {  	_ = 	snop  }
0x7: {  	_ = 	snop  }
__scs_overlays_trampoline_lowered:
0x8: {  	[smem:$0x3FAE] =	sst s0  }
0x9: {  	[smem:$0x3FAF] =	sst s1  }
0xa: {  	[smem:$0x3FB0] =	sst s2  }
0xb: {  	[smem:$0x3FB1] =	sst s3  }
0xc: {  	[smem:$0x3FB2] =	sst s4  }
0xd: {  	[smem:$0x3FB3] =	sst s5  }
0xe: {  	[smem:$0x3FB4] =	sst s6  }
0xf: {  	[smem:$0x3FB5] =	sst s7  }
0x10: {  	[smem:$0x3FB6] =	sst s8  }
0x11: {  	[smem:$0x3FB7] =	sst s9;
	s0 =	simm.s32 @!p0 $0x0  }
0x12: {  	s1 =	sld [smem:$0x3F9D];
	s0 =	simm.s32 @p0 $0x1  }
0x13: {  	[smem:$0x3FB8] =	sst s0;
	s0 =	simm.s32 @!p1 $0x0  }
0x14: {  	s2 =	sld [smem:$0x3F9C];
	s0 =	simm.s32 @p1 $0x1  }
0x15: {  	[smem:$0x3FB9] =	sst s0;
	s0 =	simm.s32 @!p2 $0x0  }
0x16: {  	s3 =	sld [smem:$0x3FDB];
	s0 =	simm.s32 @p2 $0x1  }
0x17: {  	s4 =	simm.s32 $0x1BF5;
	[smem:$0x3FBB] =	sst s0  }
0x18: {  	s0 =	sld [smem:$0x3F9E];
	_ =	swait.ge [sflag:s4], $0x0  }
0x19: {  	s7 =	sld [smem:$0x3F9F]  }
0x1a: {  	s8 =	sadd.s32 $0xFFFFE003, lr  }
0x1b: {  	s9 =	sadd.s32 $0xFFFFFEF7, lr;
	s5 =	simm.s32 $0xFFFFFFFF;
	p2 =	slt.u32 s8, $0xFFFFF086  }
0x1c: {  	p1 =	slt.u32 s9, $0xF7A;
	s5 =	simm.s32 @!p2 $0x0  }
0x1d: {  	s5 =	simm.s32 @p1 $0x1;
	p0 =	seq.s32 s7, s2  }
0x1e: {  	s7 =	smul.u32 @!p0 $0xF7A, s2;
	p2 =	seq.s32 @!p0 s5, $0x0  }
0x1f: {  	s9 =	smul.u32 $0xF7A, s1;
	s8 =	simm.s32 @!p0 $0x1BF5;
	p2 =	por !p2, p0  }
0x20: {  	[sflag:s8] =	ssyncset.s32 @!p0 $0xFFFFF086;
	s6 =	sadd.s32 @!p0 s3, s7;
	s7 =	simm.s32 @!p0 $0x108  }
0x21: {  	s3 =	sadd.s32 s3, s9;
	s6 =	sadd.s32 @!p0 $0x88, s6;
	s7 =	simm.s32 @p2 $0x1082  }
0x22: {  	[simem:s7], [sflag:s8] =	dma.local @!p0 [hbm:s6], $0xF7A  }
0x23: {  	s9 =	sor.u32 $0xD0000000, s2;
	s6 =	simm.s32 $0x108;
	_ =	swait.ge @!p0 [sflag:s8], $0x0  }
0x24: {  	s3 =	sadd.s32 $0x88, s3;
	s6 =	simm.s32 @!p1 $0x1082;
	[sflag:s4] =	ssyncset.s32 $0xFFFFF086  }
0x25: {  	[simem:s6], [sflag:s4] =	dma.local [hbm:s3], $0xF7A  }
0x26: {  	[smem:$0x3F9F] =	sst s1;
	(tag) =	ssettag s2;
	_ =	strace s9  }
0x27: {  	s1 =	sld [smem:$0x3FAF]  }
0x28: {  	s2 =	sld [smem:$0x3FB0]  }
0x29: {  	s4 =	sld [smem:$0x3FB2]  }
0x2a: {  	p0 =	seq.s32 s5, $0x0;
	s5 =	sld [smem:$0x3FB3]  }
0x2b: {  	s6 =	sld [smem:$0x3FB4]  }
0x2c: {  	s7 =	sld [smem:$0x3FB5]  }
0x2d: {  	s3 =	simm.s32 $0x108;
	s8 =	sld [smem:$0x3FB6]  }
0x2e: {  	s3 =	simm.s32 @!p0 $0x1082;
	s9 =	sld [smem:$0x3FB7]  }
0x2f: {  	lr =	sadd.s32 s0, s3;
	s0 =	sld [smem:$0x3FAE]  }
0x30: {  	s3 =	sld [smem:$0x3FB1]  }
0x31: {  	[smem:$0x3FBA] =	sst s10  }
0x32: {  	s10 =	sld [smem:$0x3FB8];
	_ =	sdelay $0x3  }
0x33: {  	p0 =	seq.s32 s10, $0x1;
	s10 =	sld [smem:$0x3FBA];
	_ =	sdelay $0x3  }
0x34: {  	[smem:$0x3FBA] =	sst s10  }
0x35: {  	s10 =	sld [smem:$0x3FB9];
	_ =	sdelay $0x3  }
0x36: {  	p1 =	seq.s32 s10, $0x1;
	s10 =	sld [smem:$0x3FBA];
	_ =	sdelay $0x3  }
0x37: {  	[smem:$0x3FBA] =	sst s10  }
0x38: {  	s10 =	sld [smem:$0x3FBB]  }
0x39: {  	_ = 	snop;
	(pc) =	sbr.ind lr, $3  }
0x3a: {  	_ = 	snop  }
0x3b: {  	_ = 	snop  }
0x3c: {  	p2 =	seq.s32 s10, $0x1;
	s10 =	sld [smem:$0x3FBA]  }
0x3d: {  	_ =	shalt  }
0x3e: {  	_ =	shalt  }
0x3f: {  	_ =	shalt  }
0x40: {  	_ =	shalt  }
0x41: {  	_ =	shalt  }
0x42: {  	_ =	shalt  }
0x43: {  	_ =	shalt  }
0x44: {  	_ =	shalt  }
0x45: {  	_ =	shalt  }
0x46: {  	_ =	shalt  }
0x47: {  	_ =	shalt  }
0x48: {  	_ =	shalt  }
0x49: {  	_ =	shalt  }
0x4a: {  	_ =	shalt  }
0x4b: {  	_ =	shalt  }
0x4c: {  	_ =	shalt  }
0x4d: {  	_ =	shalt  }
0x4e: {  	_ =	shalt  }
0x4f: {  	_ =	shalt  }
0x50: {  	_ =	shalt  }
0x51: {  	_ =	shalt  }
0x52: {  	_ =	shalt  }
0x53: {  	_ =	shalt  }
0x54: {  	_ =	shalt  }
0x55: {  	_ =	shalt  }
0x56: {  	_ =	shalt  }
0x57: {  	_ =	shalt  }
0x58: {  	_ =	shalt  }
0x59: {  	_ =	shalt  }
0x5a: {  	_ =	shalt  }
0x5b: {  	_ =	shalt  }
0x5c: {  	_ =	shalt  }
0x5d: {  	_ =	shalt  }
0x5e: {  	_ =	shalt  }
0x5f: {  	_ =	shalt  }
0x60: {  	_ =	shalt  }
0x61: {  	_ =	shalt  }
0x62: {  	_ =	shalt  }
0x63: {  	_ =	shalt  }
0x64: {  	_ =	shalt  }
0x65: {  	_ =	shalt  }
0x66: {  	_ =	shalt  }
0x67: {  	_ =	shalt  }
0x68: {  	_ =	shalt  }
0x69: {  	_ =	shalt  }
0x6a: {  	_ =	shalt  }
0x6b: {  	_ =	shalt  }
0x6c: {  	_ =	shalt  }
0x6d: {  	_ =	shalt  }
0x6e: {  	_ =	shalt  }
0x6f: {  	_ =	shalt  }
0x70: {  	_ =	shalt  }
0x71: {  	_ =	shalt  }
0x72: {  	_ =	shalt  }
0x73: {  	_ =	shalt  }
0x74: {  	_ =	shalt  }
0x75: {  	_ =	shalt  }
0x76: {  	_ =	shalt  }
0x77: {  	_ =	shalt  }
0x78: {  	_ =	shalt  }
0x79: {  	_ =	shalt  }
0x7a: {  	_ =	shalt  }
0x7b: {  	_ =	shalt  }
0x7c: {  	_ =	shalt  }
0x7d: {  	_ =	shalt  }
0x7e: {  	_ =	shalt  }
0x7f: {  	_ =	shalt  }
0x80: {  	_ =	shalt  }
0x81: {  	_ =	shalt  }
0x82: {  	_ =	shalt  }
0x83: {  	_ =	shalt  }
0x84: {  	_ =	shalt  }
0x85: {  	_ =	shalt  }
0x86: {  	_ =	shalt  }
0x87: {  	_ =	shalt  }
.Lfunc_end0:
.L_simem_size_0:
called_computation_lowered:
.L_overlay_start_0:
0x88: {  	s2 =	sld [smem:$0x3FD9]  }
0x89: {  	s3 =	sld [smem:$0x3FFE];
	_ =	sdelay $0x1  }
0x8a: {  	s1 =	srdreg.scid  }
0x8b: {  	s0 =	sand.u32 $0x1, s1  }
0x8c: {  	s17 =	sshll.u32 s0, $0xA;
	s2 =	sadd.s32 s3, s2  }
0x8d: {  	s2 =	sadd.s32 s2, s17  }
0x8e: {  	[smem:$0x3FC6] =	sst s2  }
0x8f: {  	_ = 	snop  }
0x90: {  	s2 =	sld [smem:$0x3FC9]  }
0x91: {  	s18 =	sld [smem:$0x3FC8];
	(tm) =	ssettm $0x1  }
0x92: {  	s4 =	sld [smem:$0x3FFB];
	_ =	sdelay $0x3  }
0x93: {  	_ =	strace s4  }
0x94: {  	s4 =	sld [smem:$0x3FFC];
	_ =	sdelay $0x3  }
0x95: {  	_ =	strace s4  }
0x96: {  	s4 =	sld [smem:$0x3FFD];
	_ =	sdelay $0x3  }
0x97: {  	_ =	strace s4  }
0x98: {  	_ =	strace $0x8FFFFFFF  }
0x99: {  	s19 =	sld [smem:$0x3FDB];
	_ =	sdelay $0x1  }
0x9a: {  	s5 =	simm.s32 $_scs_section_size  }
0x9b: {  	s6 =	simm.s32 $_size__tile_overlayer_lowered;
	s7 =	simm.s32 $_tile_overlayer_lowered  }
0x9c: {  	s22 =	simm.s32 $0x1BFF;
	s21 =	sshll.u32 s7, $0x1;
	s4 =	sadd.s32 s5, s19  }
0x9d: {  	s8 =	simm.s32 $0x0;
	s20 =	sshll.u32 s6, $0x1;
	s6 =	sadd.s32 s21, s4  }
0x9e: {  	[timem:s8], [sflag:s22] =	dma.local [hbm:s6], s20  }
0x9f: {  	_ =	swait.ge [sflag:s22], s20  }
0xa0: {  	s5 =	ssub.s32 $0x0, s20;
	[sflag:s22] =	ssyncset.done $0x0  }
0xa1: {  	[sflag:s22] =	ssyncadd.s32 s5;
	_ =	sdelay $0x1  }
0xa2: {  	s23 =	simm.s32 $0x1B8B  }
0xa3: {  	_ =	swait.ge [sflag:s23], $0x1  }
0xa4: {  	[sflag:s23] =	ssyncset.done $0x0  }
0xa5: {  	s25 =	simm.s32 $0x1B8E;
	s24 =	sld [smem:$0x3FFE];
	[sflag:s23] =	ssyncadd.s32 $0xFFFFFFFF  }
0xa6: {  	s26 =	simm.s32 $execute0_lowered;
	[smem:$0x3FD2] =	sst s25  }
0xa7: {  	s6 =	sshll.u32 s26, $0x1;
	_ =	strace $0x80000046;
	[dreg:$0x1] =	wrdreg $0xFFFFFFFF  }
0xa8: {  	s28 =	simm.s32 $_size_execute0_lowered;
	s4 =	sadd.s32 s4, s6;
	[dreg:$0x0] =	wrdreg $0x0  }
0xa9: {  	s6 =	sshll.u32 s28, $0x1;
	[dreg:$0x2] =	wrdreg s4  }
0xaa: {  	[dreg:$0x3] =	wrdreg s6  }
0xab: {  	[dreg:$0x4] =	wrdreg $0xC0  }
0xac: {  	_ =	task [dreg:s8], $0x5FFFF  }
0xad: {  	[dreg:$0x1] =	wrdreg $0xFFFFFFFF  }
0xae: {  	[dreg:$0x0] =	wrdreg $0x60  }
0xaf: {  	[dreg:$0x2] =	wrdreg s2  }
0xb0: {  	[dreg:$0x3] =	wrdreg s18  }
0xb1: {  	[dreg:$0x4] =	wrdreg s24  }
0xb2: {  	[dreg:$0x5] =	wrdreg $0x9  }
0xb3: {  	_ =	task.clear_ibuf [dreg:s8], $0x6FFFF;
	_ =	strace $0x90000046  }
0xb4: {  	s29 =	simm.s32 $0x9;
	_ =	strace $0x80000048  }
0xb5: {  	_ =	swait.ge [sflag:s29], $0x1  }
0xb6: {  	[sflag:s29] =	ssyncadd.s32 $0xFFFFFFFF  }
0xb7: {  	_ =	strace $0x90000048  }
0xb8: {  	_ =	sfence  }
0xb9: {  	s30 =	sld [smem:$0x0];
	_ =	sdelay $0x2  }
0xba: {  	s31 =	sshll.u32 s1, $0xD;
	s1 =	sshrl.u32 s1, $0x2  }
0xbb: {  	s3 =	sand.u32 $0x4000, s31;
	s1 =	sadd.s32 s1, s30  }
0xbc: {  	s0 =	sor.u32 s3, s0;
	s1 =	sshll.u32 s1, $0x11  }
0xbd: {  	s0 =	sor.u32 s1, s0  }
0xbe: {  	s0 =	sadd.s32 $0x8F2B, s0  }
0xbf: {  	[sflag:s0] =	ssyncadd.remote.s32 $0x1  }
0xc0: {  	_ =	sfence.sel $0xFFFF  }
0xc1: {  	[dreg:$0x0] =	wrdreg $0xFFFFFFFF;
	(pc) =	sbr.abs _section_cstart, $3  }
0xc2: {  	[dreg:$0x1] =	wrdreg $0xFFFFFFFF  }
0xc3: {  	_ =	task.clear_ibuf [dreg:s8], $0x2FFFF;
	_ =	strace $0x9FFFFFFF  }
0xc4: {  	(tm) =	ssettm $0x7FFFFFFF  }
0xc5: {  	_ =	shalt  }
tec
execute0_lowered:
.L_overlay_start_1:
0x0: {  	(tag) =	ssettag $0x1  }
0x1: {  	s1 =	rddreg [dreg:$0x0]  }
0x2: {  	s2 =	srdreg.scid;
	s7 =	rddreg [dreg:$0x1]  }
0x3: {  	s0 =	stileid.u32;
	s5 =	rddreg [dreg:$0x2]  }
0x4: {  	s10 =	simm.s32 $0x400;
	s11 =	simm.s32 $0x80000;
	s28 =	simm.s32 $0x7880  }
0x5: {  	s29 =	simm.s32 $0x8080;
	s4 =	sand.u32 $0x1, s2;
	s12 =	sshll.u32 s0, $0x1  }
0x6: {  	s30 =	simm.s32 $0x2;
	s2 =	simm.s32 $0x0;
	s6 =	sor.u32 s4, s12  }
0x7: {  	s31 =	simm.s32 $0x1;
	[smem:$0x7FF] =	sst s2;
	s3 =	sshll.u32 s6, $0x11  }
0x8: {  	s4 =	ssub.s32 $0x2, s4;
	s12 =	simm.s32 $0x80;
	s3 =	sadd.s32 s1, s3  }
0x9: {  	_ =	strace $0x80000047;
	s8 =	sshll.u32 s6, $0x4;
	s1 =	sadd.s32 $0x80, s3  }
0xa: {  	s23 =	sshrl.u32 s4, $0x1;
	s13 =	sadd.s32 $0x100, s3;
	[dreg:$0x4] =	wrdreg s1  }
0xb: {  	s26 =	sshll.u32 s6, $0x1;
	s14 =	sadd.s32 $0x180, s3;
	[dreg:$0x5] =	wrdreg s13  }
0xc: {  	s8 =	sadd.s32 s8, s5;
	s15 =	sadd.s32 $0x200, s3;
	[dreg:$0x6] =	wrdreg s14  }
0xd: {  	s9 =	ssub.s32 s4, s23;
	s16 =	sadd.s32 $0x380, s3;
	[dreg:$0x7] =	wrdreg s15  }
0xe: {  	s7 =	sadd.s32 s7, s26;
	s17 =	sadd.s32 $0x400, s3;
	[dreg:$0x8] =	wrdreg s16  }
0xf: {  	s23 =	simm.s32 $0x5880;
	s18 =	sadd.s32 $0x780, s3;
	[dreg:$0x9] =	wrdreg s17  }
0x10: {  	s26 =	simm.s32 $0x7080;
	s19 =	sadd.s32 $0x800, s3;
	[dreg:$0xa] =	wrdreg s18  }
0x11: {  	s20 =	sadd.s32 $0xF80, s3;
	s21 =	sadd.s32 $0x1000, s3;
	[dreg:$0xb] =	wrdreg s19  }
0x12: {  	s22 =	sadd.s32 $0x1F80, s3;
	s24 =	sadd.s32 $0x2000, s3;
	[dreg:$0xc] =	wrdreg s20  }
0x13: {  	v0 =	vlaneseq.u32;
	s25 =	sadd.s32 $0x3F80, s3;
	s4 =	sadd.s32 $0x4000, s3;
	[dreg:$0xd] =	wrdreg s21  }
0x14: {  	v0 =	vmul.u32 $0x80, v0;
	s5 =	sadd.s32 $0x7F80, s3;
	s6 =	sadd.s32 $0x8000, s3;
	[dreg:$0xe] =	wrdreg s22  }
0x15: {  	s8 =	sadd.s32 $0x200, s8;
	s9 =	smax.u32 s9, $0x1;
	[dreg:$0xf] =	wrdreg s24  }
0x16: {  	v1 =	vor.u32 $0x1, v0;
	v2 =	vor.u32 $0x3, v0;
	[dreg:$0x10] =	wrdreg s25;
	s15 =	simm.s32 $0x1880;
	s16 =	simm.s32 $0x2080  }
0x17: {  	v3 =	vor.u32 $0x7, v0;
	v4 =	vor.u32 $0xF, v0;
	v5 =	vor.u32 $0x3F, v0;
	s17 =	simm.s32 $0x2880;
	s18 =	simm.s32 $0x3080;
	s19 =	simm.s32 $0x3880  }
0x18: {  	v6 =	vor.u32 $0xFFFFF000, v0;
	v7 =	vor.u32 $0xFFFFC000, v0;
	v8 =	vor.u32 $0xFFFF5000, v0;
	s20 =	simm.s32 $0x4080;
	s21 =	simm.s32 $0x4880;
	s22 =	simm.s32 $0x5080  }
0x19: {  	v9 =	vor.u32 $0xFFFE6000, v0;
	v10 =	vor.u32 $0xFFFC7000, v0;
	v11 =	vor.u32 $0xFFF88000, v0;
	s24 =	simm.s32 $0x6080;
	s25 =	simm.s32 $0x6880;
	s1 =	simm.s32 $0x8880  }
.LBB2_1:
0x1a: {  	[tilespmem:s12], [sflag:$0x1] =	stream.strided.gather [hbm4b:s3+s10], $0x800, s11, s10, $0x38;
	[tilespmem:$0x8900] =	vst v63  }
0x1b: {  	s0 =	rddreg [dreg:$0x4];
	s14 =	simm.s32 $0x880  }
0x1c: {  	[tilespmem:s14], [sflag:$0x1] =	stream.strided.gather [hbm4b:s0+s10], $0x800, s11, s10, $0x38;
	[tilespmem:$0x8900] =	vst v63  }
0x1d: {  	s13 =	rddreg [dreg:$0x5];
	s14 =	simm.s32 $0x1080  }
0x1e: {  	[tilespmem:s14], [sflag:$0x1] =	stream.strided.gather [hbm4b:s13+s10], $0x800, s11, s10, $0x38;
	[tilespmem:$0x8900] =	vst v63  }
0x1f: {  	s0 =	rddreg [dreg:$0x6]  }
0x20: {  	[tilespmem:s15], [sflag:$0x1] =	stream.strided.gather [hbm4b:s0+s10], $0x800, s11, s10, $0x38;
	[tilespmem:$0x8900] =	vst v63  }
0x21: {  	s13 =	rddreg [dreg:$0x7]  }
0x22: {  	[tilespmem:s16], [sflag:$0x1] =	stream.strided.gather [hbm4b:s13+s10], $0x800, s11, s10, $0x38;
	[tilespmem:$0x8900] =	vst v63  }
0x23: {  	s14 =	rddreg [dreg:$0x8]  }
0x24: {  	[tilespmem:s17], [sflag:$0x1] =	stream.strided.gather [hbm4b:s14+s10], $0x800, s11, s10, $0x38;
	[tilespmem:$0x8900] =	vst v63  }
0x25: {  	s13 =	rddreg [dreg:$0x9]  }
0x26: {  	[tilespmem:s18], [sflag:$0x1] =	stream.strided.gather [hbm4b:s13+s10], $0x800, s11, s10, $0x38;
	[tilespmem:$0x8900] =	vst v63  }
0x27: {  	s14 =	rddreg [dreg:$0xa]  }
0x28: {  	[tilespmem:s19], [sflag:$0x1] =	stream.strided.gather [hbm4b:s14+s10], $0x800, s11, s10, $0x38;
	[tilespmem:$0x8900] =	vst v63  }
0x29: {  	s13 =	rddreg [dreg:$0xb]  }
0x2a: {  	[tilespmem:s20], [sflag:$0x1] =	stream.strided.gather [hbm4b:s13+s10], $0x800, s11, s10, $0x38;
	[tilespmem:$0x8900] =	vst v63  }
0x2b: {  	s14 =	rddreg [dreg:$0xc]  }
0x2c: {  	[tilespmem:s21], [sflag:$0x1] =	stream.strided.gather [hbm4b:s14+s10], $0x800, s11, s10, $0x38;
	[tilespmem:$0x8900] =	vst v63  }
0x2d: {  	s13 =	rddreg [dreg:$0xd]  }
0x2e: {  	[tilespmem:s22], [sflag:$0x1] =	stream.strided.gather [hbm4b:s13+s10], $0x800, s11, s10, $0x38;
	[tilespmem:$0x8900] =	vst v63  }
0x2f: {  	s14 =	rddreg [dreg:$0xe]  }
0x30: {  	[tilespmem:s23], [sflag:$0x1] =	stream.strided.gather [hbm4b:s14+s10], $0x800, s11, s10, $0x38;
	[tilespmem:$0x8900] =	vst v63  }
0x31: {  	s13 =	rddreg [dreg:$0xf]  }
0x32: {  	[tilespmem:s24], [sflag:$0x1] =	stream.strided.gather [hbm4b:s13+s10], $0x800, s11, s10, $0x38;
	[tilespmem:$0x8900] =	vst v63  }
0x33: {  	s14 =	rddreg [dreg:$0x10]  }
0x34: {  	[tilespmem:s25], [sflag:$0x1] =	stream.strided.gather [hbm4b:s14+s10], $0x800, s11, s10, $0x38;
	[tilespmem:$0x8900] =	vst v63  }
0x35: {  	_ = 	snop  }
0x36: {  	[tilespmem:s26], [sflag:$0x1] =	stream.strided.gather [hbm4b:s4+s10], $0x800, s11, s10, $0x38;
	[tilespmem:$0x8900] =	vst v63  }
0x37: {  	_ = 	snop  }
0x38: {  	[tilespmem:s28], [sflag:$0x1] =	stream.strided.gather [hbm4b:s5+s10], $0x800, s11, s10, $0x38;
	[tilespmem:$0x8900] =	vst v63  }
0x39: {  	_ = 	snop  }
0x3a: {  	[tilespmem:s29], [sflag:$0x1] =	stream.strided.gather [hbm4b:s6+s10], $0x800, s11, s10, $0x38;
	[tilespmem:$0x8900] =	vst v63  }
0x3b: {  	_ = 	snop  }
0x3c: {  	[tilespmem:s2], [sflag:$0x2] =	stream.linear.gather [hbm4b:s7+s2], $0x10, $0x38;
	[tilespmem:$0x8900] =	vst v63  }
0x3d: {  	_ =	swait.ge [sflag:s30], $0x10  }
0x3e: {  	[sflag:s30] =	ssyncset.done $0x0  }
0x3f: {  	[sflag:s30] =	ssyncadd.s32 $0xFFFFFFF0  }
0x40: {  	_ =	swait.ge [sflag:s31], $0x800  }
0x41: {  	[sflag:s31] =	ssyncset.done $0x0  }
0x42: {  	[sflag:s31] =	ssyncadd.s32 $0xFFFFF800  }
0x43: {  	_ =	swait.ge [sflag:s31], $0x800  }
0x44: {  	[sflag:s31] =	ssyncset.done $0x0  }
0x45: {  	[sflag:s31] =	ssyncadd.s32 $0xFFFFF800  }
0x46: {  	_ =	swait.ge [sflag:s31], $0x800  }
0x47: {  	[sflag:s31] =	ssyncset.done $0x0  }
0x48: {  	[sflag:s31] =	ssyncadd.s32 $0xFFFFF800  }
0x49: {  	_ =	swait.ge [sflag:s31], $0x800  }
0x4a: {  	[sflag:s31] =	ssyncset.done $0x0  }
0x4b: {  	[sflag:s31] =	ssyncadd.s32 $0xFFFFF800  }
0x4c: {  	_ =	swait.ge [sflag:s31], $0x800  }
0x4d: {  	[sflag:s31] =	ssyncset.done $0x0  }
0x4e: {  	[sflag:s31] =	ssyncadd.s32 $0xFFFFF800  }
0x4f: {  	_ =	swait.ge [sflag:s31], $0x800  }
0x50: {  	[sflag:s31] =	ssyncset.done $0x0  }
0x51: {  	[sflag:s31] =	ssyncadd.s32 $0xFFFFF800  }
0x52: {  	_ =	swait.ge [sflag:s31], $0x800  }
0x53: {  	[sflag:s31] =	ssyncset.done $0x0  }
0x54: {  	[sflag:s31] =	ssyncadd.s32 $0xFFFFF800  }
0x55: {  	_ =	swait.ge [sflag:s31], $0x800  }
0x56: {  	[sflag:s31] =	ssyncset.done $0x0  }
0x57: {  	[sflag:s31] =	ssyncadd.s32 $0xFFFFF800  }
0x58: {  	_ =	swait.ge [sflag:s31], $0x800  }
0x59: {  	[sflag:s31] =	ssyncset.done $0x0  }
0x5a: {  	[sflag:s31] =	ssyncadd.s32 $0xFFFFF800  }
0x5b: {  	_ =	swait.ge [sflag:s31], $0x800  }
0x5c: {  	[sflag:s31] =	ssyncset.done $0x0  }
0x5d: {  	[sflag:s31] =	ssyncadd.s32 $0xFFFFF800  }
0x5e: {  	_ =	swait.ge [sflag:s31], $0x800  }
0x5f: {  	[sflag:s31] =	ssyncset.done $0x0  }
0x60: {  	[sflag:s31] =	ssyncadd.s32 $0xFFFFF800  }
0x61: {  	_ =	swait.ge [sflag:s31], $0x800  }
0x62: {  	[sflag:s31] =	ssyncset.done $0x0  }
0x63: {  	[sflag:s31] =	ssyncadd.s32 $0xFFFFF800  }
0x64: {  	_ =	swait.ge [sflag:s31], $0x800  }
0x65: {  	[sflag:s31] =	ssyncset.done $0x0  }
0x66: {  	[sflag:s31] =	ssyncadd.s32 $0xFFFFF800  }
0x67: {  	_ =	swait.ge [sflag:s31], $0x800  }
0x68: {  	[sflag:s31] =	ssyncset.done $0x0  }
0x69: {  	[sflag:s31] =	ssyncadd.s32 $0xFFFFF800  }
0x6a: {  	_ =	swait.ge [sflag:s31], $0x800  }
0x6b: {  	[sflag:s31] =	ssyncset.done $0x0  }
0x6c: {  	[sflag:s31] =	ssyncadd.s32 $0xFFFFF800  }
0x6d: {  	_ =	swait.ge [sflag:s31], $0x800  }
0x6e: {  	[sflag:s31] =	ssyncset.done $0x0  }
0x6f: {  	[sflag:s31] =	ssyncadd.s32 $0xFFFFF800  }
0x70: {  	_ =	swait.ge [sflag:s31], $0x800  }
0x71: {  	[sflag:s31] =	ssyncset.done $0x0  }
0x72: {  	[sflag:s31] =	ssyncadd.s32 $0xFFFFF800  }
0x73: {  	v12 =	vld [tilespmem:$0x0]  }
0x74: {  	v14 =	vld.idx.msk [tilespmem:v0+s12+$0x0], $0xffff;
	_ =	sdelay $0x3  }
0x75: {  	v13 =	vshrl.u32 v12, $0xF;
	v17 =	vshrl.u32 v12, $0xE  }
0x76: {  	v16 =	vsub.f32 $0.0e+00, v14;
	v13 =	vand.u32 $0x1, v13;
	v17 =	vand.u32 $0x1, v17  }
0x77: {  	v15 =	vadd.s32 v1, v13;
	vm0 =	veq.s32 v13, $0x0;
	v13 =	vadd.s32 v17, v13  }
0x78: {  	v14 =	vsel vm0, v14, v16;
	v19 =	vadd.s32 v2, v13  }
0x79: {  	v18 =	vshrl.u32 v12, $0xD;
	v16 =	vand.u32 $0x7FFFFFFF, v14  }
0x7a: {  	v18 =	vand.u32 $0x1, v18;
	v16 =	vsub.f32 $0.0e+00, v16  }
0x7b: {  	v13 =	vadd.s32 v18, v13  }
0x7c: {  	v20 =	vadd.s32 v3, v13;
	v15 =	vld.idx.msk [tilespmem:v15+s12+$0x0], $0xffff;
	v16 =	vmul.f32 $1.442695020e+00, v16  }
0x7d: {  	v27 =	vld.idx.msk [tilespmem:v19+s12+$0x0], $0xffff  }
0x7e: {  	v31 =	vshrl.u32 v12, $0xC;
	(erf) = vpow2.f32 v16  }
0x7f: {  	v38 =	vshrl.u32 v12, $0xB;
	v41 =	vshrl.u32 v12, $0xA;
	v23 =	vshrl.u32 v12, $0x9  }
0x80: {  	v42 =	vshrl.u32 v12, $0x8;
	v62 =	vshrl.u32 v12, $0x7;
	v39 =	vand.u32 $0x1, v38  }
0x81: {  	v23 =	vand.u32 $0x1, v23;
	vm10 =	veq.s32 v17, $0x0;
	v29 =	vld.idx.msk [tilespmem:v20+s12+$0x0], $0xffff;
	v21 =	vsub.f32 $0.0e+00, v15  }
0x82: {  	vm11 =	veq.s32 v18, $0x0;
	vm14 =	veq.s32 v39, $0x0;
	v30 =	vsub.f32 $0.0e+00, v27  }
0x83: {  	vm6 =	veq.s32 v23, $0x0;
	vm12 =	vge.f32 v14, $0.0e+00;
	v15 =	vsel vm10, v15, v21  }
0x84: {  	v20 =	vand.u32 $0x1, v41;
	v28 =	vand.u32 $0x7FFFFFFF, v15;
	v16 =	vsel vm11, v27, v30  }
0x85: {  	vm4 =	veq.s32 v20, $0x0;
	v17 =	vsub.f32 $0.0e+00, v28;
	v32 =	vand.u32 $0x7FFFFFFF, v16  }
0x86: {  	v33 =	vsub.f32 $0.0e+00, v29;
	vm13 =	vge.f32 v15, $0.0e+00;
	v35 =	vsub.f32 $0.0e+00, v32  }
0x87: {  	v28 =	vand.u32 $0x1, v42;
	vm15 =	vge.f32 v16, $0.0e+00;
	v17 =	vmul.f32 $1.442695020e+00, v17;
	v34 =	vpop (erf)  }
0x88: {  	vm7 =	veq.s32 v28, $0x0;
	v36 =	vsel vm12, $0x3F800000, v34;
	v14 =	vmul.f32 $1.442695020e+00, v35  }
0x89: {  	v21 =	vadd.f32 $1.000000000e+00, v34;
	(erf) = vpow2.f32 v17;
	v17 =	vand.u32 $0x1, v31  }
0x8a: {  	vm1 =	veq.s32 v17, $0x0;
	v13 =	vadd.s32 v17, v13;
	(erf) = vpow2.f32 v14  }
0x8b: {  	v19 =	vsel vm1, v29, v33;
	v40 =	vadd.s32 v4, v13;
	v13 =	vadd.s32 v39, v13  }
0x8c: {  	v37 =	vand.u32 $0x7FFFFFFF, v19;
	v22 =	vadd.s32 $0x1F, v13;
	v13 =	vadd.s32 v20, v13  }
0x8d: {  	vm5 =	vge.f32 v19, $0.0e+00;
	v15 =	vsub.f32 $0.0e+00, v37;
	v22 =	vand.u32 $0xFFFFF87F, v22  }
0x8e: {  	v26 =	vadd.s32 v23, v13;
	v13 =	vadd.s32 v5, v13;
	v37 =	vand.u32 $0x1, v62  }
0x8f: {  	v22 =	vor.u32 v0, v22;
	v27 =	vadd.s32 $0x7F, v26;
	v26 =	vadd.s32 v28, v26  }
0x90: {  	vm8 =	veq.s32 v37, $0x0;
	v15 =	vmul.f32 $1.442695020e+00, v15;
	v43 =	vshll.u32 v27, $0x4  }
0x91: {  	v27 =	vand.u32 $0x7F, v27;
	v44 =	vadd.s32 $0xFF, v26;
	v39 =	vadd.s32 v37, v26  }
0x92: {  	v14 =	vld.idx.msk [tilespmem:v40+s12+$0x0], $0xffff;
	v45 =	vshll.u32 v44, $0x4;
	v18 =	vand.u32 $0x7F, v44;
	v40 =	vshrl.u32 v12, $0x6  }
0x93: {  	v41 =	vadd.s32 $0x1FF, v39;
	v44 =	vshrl.u32 v12, $0x5;
	(erf) = vpow2.f32 v15  }
0x94: {  	v15 =	vand.u32 $0x7FFFF800, v43;
	v42 =	vand.u32 $0x1, v40;
	v43 =	vshll.u32 v41, $0x4  }
0x95: {  	v24 =	vpop (erf);
	v15 =	vor.u32 v15, v27;
	v27 =	vand.u32 $0x7FFFF800, v45;
	v26 =	vand.u32 $0x7FFFF800, v43  }
0x96: {  	vm9 =	veq.s32 v42, $0x0;
	v25 =	vsel vm13, $0x3F800000, v24;
	v24 =	vadd.f32 $1.000000000e+00, v24  }
0x97: {  	v15 =	vor.u32 v0, v15;
	v46 =	vor.u32 v27, v18;
	v47 =	vpop (erf);
	v27 =	vand.u32 $0x7F, v41  }
0x98: {  	v13 =	vld.idx.msk [tilespmem:v13+s12+$0x0], $0xffff;
	v25 =	vmul.f32 v25, v36;
	v48 =	vor.u32 v0, v46;
	v49 =	vadd.f32 $1.000000000e+00, v47  }
0x99: {  	v26 =	vor.u32 v26, v27;
	v27 =	vand.u32 $0x1, v44;
	v36 =	vshrl.u32 v12, $0x1  }
0x9a: {  	v22 =	vld.idx.msk [tilespmem:v22+s12+$0x0], $0xffff;
	v29 =	vsub.f32 $0.0e+00, v14;
	v21 =	vmul.f32 v24, v21;
	v24 =	vsel vm15, $0x3F800000, v47  }
0x9b: {  	v26 =	vor.u32 v0, v26;
	v47 =	vshrl.u32 v12, $0x4;
	v36 =	vand.u32 $0x1, v36  }
0x9c: {  	vm10 =	veq.s32 v27, $0x0;
	v24 =	vmul.f32 v24, v25;
	v25 =	vadd.s32 v42, v39  }
0x9d: {  	v18 =	vsel vm14, v14, v29;
	v21 =	vmul.f32 v49, v21;
	v57 =	vsub.f32 $0.0e+00, v13  }
0x9e: {  	v45 =	vadd.s32 $0x3FF, v25;
	v25 =	vadd.s32 v27, v25;
	v49 =	vshrl.u32 v12, $0x2  }
0x9f: {  	vm14 =	veq.s32 v36, $0x0;
	v50 =	vand.u32 $0x7FFFFFFF, v18;
	v51 =	vsub.f32 $0.0e+00, v22  }
0xa0: {  	v46 =	vshll.u32 v45, $0x4;
	v28 =	vand.u32 $0x7F, v45;
	v30 =	vadd.s32 $0x7FF, v25  }
0xa1: {  	v17 =	vsub.f32 $0.0e+00, v50;
	v13 =	vsel vm6, v13, v57;
	v29 =	vand.u32 $0x7FFFF800, v46  }
0xa2: {  	v58 =	vld.idx.msk [tilespmem:v48+s12+$0x0], $0xffff;
	v31 =	vshll.u32 v30, $0x4;
	v30 =	vand.u32 $0x7F, v30;
	v48 =	vshrl.u32 v12, $0x3  }
0xa3: {  	v52 =	vld.idx.msk [tilespmem:v15+s12+$0x0], $0xffff;
	v12 =	vand.u32 $0x1, v12;
	v15 =	vsel vm4, v22, v51;
	v61 =	vand.u32 $0x7FFFFFFF, v13  }
0xa4: {  	v28 =	vor.u32 v28, v29;
	v29 =	vand.u32 $0x1, v47;
	v31 =	vand.u32 $0x7FFFF800, v31  }
0xa5: {  	v53 =	vpop (erf);
	vm15 =	veq.s32 v12, $0x0;
	vm4 =	vge.f32 v18, $0.0e+00;
	v54 =	vmul.f32 $1.442695020e+00, v17  }
0xa6: {  	v55 =	vand.u32 $0x7FFFFFFF, v15;
	v19 =	vsel vm5, $0x3F800000, v53;
	v63 =	vsub.f32 $0.0e+00, v61  }
0xa7: {  	v28 =	vadd.s32 v6, v28;
	v25 =	vadd.s32 v29, v25;
	v30 =	vor.u32 v30, v31  }
0xa8: {  	v31 =	vand.u32 $0x1, v48;
	v53 =	vadd.f32 $1.000000000e+00, v53;
	vm11 =	veq.s32 v29, $0x0  }
0xa9: {  	v56 =	vsub.f32 $0.0e+00, v55;
	v17 =	vmul.f32 v19, v24;
	v32 =	vadd.s32 $0xFFF, v25  }
0xaa: {  	v30 =	vadd.s32 v7, v30;
	v25 =	vadd.s32 v31, v25;
	vm12 =	veq.s32 v31, $0x0  }
0xab: {  	v26 =	vld.idx.msk [tilespmem:v26+s12+$0x0], $0xffff;
	(erf) = vpow2.f32 v54;
	v60 =	vsub.f32 $0.0e+00, v52;
	v33 =	vshll.u32 v32, $0x4  }
0xac: {  	v32 =	vand.u32 $0x7F, v32;
	v34 =	vadd.s32 $0x1FFF, v25;
	v24 =	vmul.f32 $1.442695020e+00, v63  }
0xad: {  	v19 =	vmul.f32 v53, v21;
	v59 =	vmul.f32 $1.442695020e+00, v56;
	v38 =	vsub.f32 $0.0e+00, v58  }
0xae: {  	v33 =	vand.u32 $0x7FFFF800, v33;
	v35 =	vand.u32 $0x7F, v34;
	v34 =	vshll.u32 v34, $0x4  }
0xaf: {  	v14 =	vsel vm7, v52, v60;
	v32 =	vor.u32 v32, v33;
	v33 =	vand.u32 $0x1, v49  }
0xb0: {  	v34 =	vand.u32 $0x7FFFF800, v34;
	v57 =	vsub.f32 $0.0e+00, v26;
	v20 =	vand.u32 $0x7FFFFFFF, v14  }
0xb1: {  	v16 =	vsel vm8, v58, v38;
	v32 =	vadd.s32 v8, v32;
	v25 =	vadd.s32 v33, v25  }
0xb2: {  	v34 =	vor.u32 v35, v34;
	(erf) = vpow2.f32 v59;
	vm13 =	veq.s32 v33, $0x0  }
0xb3: {  	v37 =	vadd.s32 $0x3FFF, v25;
	v25 =	vadd.s32 v25, v36;
	v34 =	vadd.s32 v9, v34  }
0xb4: {  	v28 =	vld.idx.msk [tilespmem:v28+s12+$0x0], $0xffff;
	v20 =	vsub.f32 $0.0e+00, v20;
	v52 =	vand.u32 $0x7FFFFFFF, v16;
	(erf) = vpow2.f32 v24  }
0xb5: {  	v30 =	vld.idx.msk [tilespmem:v30+s12+$0x0], $0xffff;
	v50 =	vshll.u32 v37, $0x4;
	v37 =	vand.u32 $0x7F, v37;
	v25 =	vadd.s32 $0x7FFF, v25  }
0xb6: {  	v35 =	vand.u32 $0x7FFFF800, v50;
	v51 =	vshll.u32 v25, $0x4;
	v25 =	vand.u32 $0x7F, v25  }
0xb7: {  	v20 =	vmul.f32 $1.442695020e+00, v20;
	v35 =	vor.u32 v37, v35;
	v37 =	vand.u32 $0x7FFFF800, v51  }
0xb8: {  	v25 =	vor.u32 v25, v37;
	v35 =	vadd.s32 v10, v35;
	v37 =	vsub.f32 $0.0e+00, v52  }
0xb9: {  	v54 =	vld.idx.msk [tilespmem:v32+s12+$0x0], $0xffff;
	(erf) = vpow2.f32 v20;
	v58 =	vsub.f32 $0.0e+00, v28;
	v20 =	vsel vm9, v26, v57  }
0xba: {  	v25 =	vadd.s32 v11, v25;
	v56 =	vld.idx.msk [tilespmem:v34+s12+$0x0], $0xffff;
	v60 =	vsub.f32 $0.0e+00, v30;
	v63 =	vand.u32 $0x7FFFFFFF, v20  }
0xbb: {  	v38 =	vpop (erf);
	v55 =	vmul.f32 $1.442695020e+00, v37;
	v21 =	vsel vm10, v28, v58;
	v34 =	vsub.f32 $0.0e+00, v63  }
0xbc: {  	v40 =	vadd.f32 $1.000000000e+00, v38;
	v24 =	vsel vm11, v30, v60;
	v37 =	vand.u32 $0x7FFFFFFF, v21  }
0xbd: {  	(erf) = vpow2.f32 v55;
	v39 =	vsub.f32 $0.0e+00, v37;
	v41 =	vand.u32 $0x7FFFFFFF, v24  }
0xbe: {  	v26 =	vmul.f32 $1.442695020e+00, v34;
	v42 =	vpop (erf);
	v59 =	vld.idx.msk [tilespmem:v35+s12+$0x0], $0xffff;
	v61 =	vsub.f32 $0.0e+00, v54;
	v44 =	vsub.f32 $0.0e+00, v41  }
0xbf: {  	v18 =	vmul.f32 v40, v19;
	v45 =	vadd.f32 $1.000000000e+00, v42;
	v47 =	vpop (erf);
	v62 =	vsub.f32 $0.0e+00, v56  }
0xc0: {  	v25 =	vld.idx.msk [tilespmem:v25+s12+$0x0], $0xffff;
	(erf) = vpow2.f32 v26;
	v43 =	vmul.f32 $1.442695020e+00, v39;
	v50 =	vadd.f32 $1.000000000e+00, v47  }
0xc1: {  	v22 =	vsel vm12, v54, v61;
	v48 =	vmul.f32 $1.442695020e+00, v44;
	v18 =	vmul.f32 v45, v18  }
0xc2: {  	v27 =	vsel vm13, v56, v62;
	v46 =	vand.u32 $0x7FFFFFFF, v22;
	(erf) = vpow2.f32 v43  }
0xc3: {  	v49 =	vsub.f32 $0.0e+00, v46;
	v51 =	vand.u32 $0x7FFFFFFF, v27;
	v35 =	vsub.f32 $0.0e+00, v59  }
0xc4: {  	(erf) = vpow2.f32 v48;
	v18 =	vmul.f32 v50, v18;
	v54 =	vsub.f32 $0.0e+00, v51  }
0xc5: {  	v52 =	vpop (erf);
	v36 =	vsub.f32 $0.0e+00, v25;
	v53 =	vmul.f32 $1.442695020e+00, v49;
	v23 =	vsel vm14, v59, v35  }
0xc6: {  	v55 =	vadd.f32 $1.000000000e+00, v52;
	v58 =	vmul.f32 $1.442695020e+00, v54;
	v56 =	vand.u32 $0x7FFFFFFF, v23  }
0xc7: {  	v25 =	vsel vm15, v25, v36;
	v57 =	vpop (erf);
	(erf) = vpow2.f32 v53;
	v59 =	vsub.f32 $0.0e+00, v56  }
0xc8: {  	v18 =	vmul.f32 v55, v18;
	v60 =	vadd.f32 $1.000000000e+00, v57;
	v61 =	vand.u32 $0x7FFFFFFF, v25  }
0xc9: {  	(erf) = vpow2.f32 v58;
	v63 =	vsub.f32 $0.0e+00, v61;
	v62 =	vmul.f32 $1.442695020e+00, v59  }
0xca: {  	v12 =	vsel vm4, $0x3F800000, v38;
	v35 =	vpop (erf);
	v34 =	vmul.f32 v60, v18  }
0xcb: {  	v36 =	vadd.f32 $1.000000000e+00, v35;
	v37 =	vmul.f32 $1.442695020e+00, v63;
	(erf) = vpow2.f32 v62  }
0xcc: {  	vm5 =	vge.f32 v15, $0.0e+00;
	v12 =	vmul.f32 v12, v17;
	v39 =	vpop (erf)  }
0xcd: {  	v15 =	vmul.f32 v36, v34;
	v40 =	vadd.f32 $1.000000000e+00, v39;
	(erf) = vpow2.f32 v37  }
0xce: {  	vm6 =	vge.f32 v13, $0.0e+00;
	v38 =	vsel vm5, $0x3F800000, v42;
	v41 =	vpop (erf)  }
0xcf: {  	v12 =	vmul.f32 v38, v12;
	v42 =	vadd.f32 $1.000000000e+00, v41;
	v15 =	vmul.f32 v40, v15  }
0xd0: {  	vm7 =	vge.f32 v14, $0.0e+00;
	v13 =	vsel vm6, $0x3F800000, v47;
	v43 =	vpop (erf)  }
0xd1: {  	v12 =	vmul.f32 v13, v12;
	v45 =	vmul.f32 v42, v15;
	v46 =	vadd.f32 $1.000000000e+00, v43  }
0xd2: {  	vm8 =	vge.f32 v16, $0.0e+00;
	v44 =	vsel vm7, $0x3F800000, v52;
	v47 =	vpop (erf)  }
0xd3: {  	v12 =	vmul.f32 v44, v12;
	v49 =	vadd.f32 $1.000000000e+00, v47;
	v14 =	vmul.f32 v46, v45  }
0xd4: {  	vm9 =	vge.f32 v20, $0.0e+00;
	v48 =	vsel vm8, $0x3F800000, v57;
	v50 =	vpop (erf)  }
0xd5: {  	v12 =	vmul.f32 v48, v12;
	v14 =	vmul.f32 v49, v14;
	v52 =	vadd.f32 $1.000000000e+00, v50  }
0xd6: {  	vm10 =	vge.f32 v21, $0.0e+00;
	v51 =	vsel vm9, $0x3F800000, v35;
	v53 =	vpop (erf)  }
0xd7: {  	v12 =	vmul.f32 v51, v12;
	v54 =	vadd.f32 $1.000000000e+00, v53;
	v14 =	vmul.f32 v52, v14  }
0xd8: {  	v55 =	vsel vm10, $0x3F800000, v39  }
0xd9: {  	vm11 =	vge.f32 v24, $0.0e+00;
	v12 =	vmul.f32 v55, v12;
	v14 =	vmul.f32 v54, v14  }
0xda: {  	v56 =	vsel vm11, $0x3F800000, v41  }
0xdb: {  	vm12 =	vge.f32 v22, $0.0e+00;
	v12 =	vmul.f32 v56, v12;
	(erf) = vrcp.f32 v14  }
0xdc: {  	v57 =	vsel vm12, $0x3F800000, v43  }
0xdd: {  	vm13 =	vge.f32 v27, $0.0e+00;
	v12 =	vmul.f32 v57, v12  }
0xde: {  	v58 =	vsel vm13, $0x3F800000, v47  }
0xdf: {  	vm14 =	vge.f32 v23, $0.0e+00;
	v12 =	vmul.f32 v58, v12  }
0xe0: {  	v59 =	vsel vm14, $0x3F800000, v50  }
0xe1: {  	vm15 =	vge.f32 v25, $0.0e+00;
	v12 =	vmul.f32 v59, v12  }
0xe2: {  	v13 =	vsel vm15, $0x3F800000, v53  }
0xe3: {  	v12 =	vmul.f32 v13, v12  }
0xe4: {  	v60 =	vpop (erf)  }
0xe5: {  	v12 =	vmul.f32 v60, v12;
	_ =	sdelay $0x1  }
0xe6: {  	v12 =	vmax.f32 v12, $1.175494350e-38  }
0xe7: {  	v61 =	vand.u32 $0x7FFFFF, v12  }
0xe8: {  	v13 =	vor.u32 $0x3F800000, v61  }
0xe9: {  	v62 =	vadd.f32 $1.000000000e+00, v13;
	_ =	sdelay $0x1  }
0xea: {  	(erf) = vrcp.f32 v62;
	_ =	sdelay $0x7  }
0xeb: {  	v13 =	vadd.f32 $-1.000000000e+00, v13  }
0xec: {  	v14 =	vpop (erf)  }
0xed: {  	v13 =	vmul.f32 v14, v13;
	_ =	sdelay $0x1  }
0xee: {  	v14 =	vmul.f32 v13, v13;
	_ =	sdelay $0x1  }
0xef: {  	v63 =	vmul.f32 $4.121985730e-01, v14;
	_ =	sdelay $0x1  }
0xf0: {  	v15 =	vadd.f32 $5.770780440e-01, v63;
	_ =	sdelay $0x1  }
0xf1: {  	v15 =	vmul.f32 v15, v14;
	_ =	sdelay $0x1  }
0xf2: {  	v15 =	vadd.f32 $9.617967000e-01, v15;
	_ =	sdelay $0x1  }
0xf3: {  	v14 =	vmul.f32 v15, v14  }
0xf4: {  	v12 =	vshrl.u32 v12, $0x17  }
0xf5: {  	v12 =	vand.u32 $0xFF, v12;
	v14 =	vadd.f32 $2.885390040e+00, v14  }
0xf6: {  	v12 =	vadd.s32 $0xFFFFFF81, v12  }
0xf7: {  	v12 =	vcvt.s32.f32 v12;
	v13 =	vmul.f32 v14, v13;
	_ =	sdelay $0x1  }
0xf8: {  	v12 =	vadd.f32 v12, v13;
	_ =	sdelay $0x1  }
0xf9: {  	v12 =	vmul.f32 $-6.931471820e-01, v12  }
0xfa: {  	p0 =	sne.s32 s9, $0x1  }
.Ltmp0:
0xfb: {  	[tilespmem:$0x8880] =	vst v12;
	(pc) =	sbr.rel @p0 .LBB2_1-.Ltmp0, $4  }
0xfc: {  	[hbm4b:s8+s2] =	stream.linear.scatter [tilespmem:s1], [sflag:$0x2], $0x80, $0x38;
	[tilespmem:$0x8900] =	vst v63  }
0xfd: {  	_ =	swait.ge [sflag:s30], $0x80  }
0xfe: {  	[sflag:s30] =	ssyncset.done $0x0  }
0xff: {  	s9 =	sadd.s32 $0xFFFFFFFF, s9;
	[sflag:s30] =	ssyncadd.s32 $0xFFFFFF80  }
0x100: {  	_ =	sfence.sel $0x180000  }
0x101: {  	[bflag:$0x0] =	sbarrier.arrive $0xFFFF  }
0x102: {  	_ =	strace $0x90000047  }
0x103: {  	s0 =	stileid.u32;
	[bflag:$0x2] =	sbarrier.arrive $0xFFFF  }
0x104: {  	p0 =	sne.s32 s0, $0x0;
	s0 =	rddreg [dreg:$0x3]  }
0x105: {  	s0 =	sadd.s32 @!p0 $0x100000, s0  }
0x106: {  	[sflag:s0] =	ssyncadd.tile.s32 @!p0 $0x1;
	_ =	shalt  }
.Lfunc_end2:
_tile_overlayer_lowered:
.L_overlay_start_2:
0x107: {  	(tag) =	ssettag $0x2  }
0x108: {  	s0 =	rddreg [dreg:$0x0];
	s2 =	stileid.u32  }
0x109: {  	s1 =	rddreg [dreg:$0x1];
	p0 =	sne.s32 s2, $0x0  }
0x10a: {  	s3 =	rddreg [dreg:$0x2];
	[bflag:$0x3] =	sbarrier.arrive $0xFFFF;
	s2 =	simm.s32 @!p0 $0x1C02  }
0x10b: {  	[timem:s3], [sflag:s2] =	dma.local @!p0 [hbm:s0], s1  }
0x10c: {  	s0 =	simm.s32 @!p0 $0x2  }
0x10d: {  	_ =	swait.ge @!p0 [sflag:s0], s1  }
0x10e: {  	s1 =	ssub.s32 @!p0 $0x0, s1;
	[sflag:s0] =	ssyncset.done @!p0 $0x0  }
0x10f: {  	[sflag:s0] =	ssyncadd.s32 @!p0 s1  }
0x110: {  	[bflag:$0x3] =	sbarrier.arrive $0xFFFF  }
0x111: {  	_ =	shalt  }

</sc_bundles>
